<compile_context>
chip_gen: v7x
topology: tpu7x:2x2x1
jax: 0.10.2.dev20260603
libtpu: 0.0.44.dev20260713+nightly
codegen_flags: <defaults>
</compile_context>

<pallas_src>
import functools

import jax
import jax.numpy as jnp
from jax import lax
from jax.experimental import pallas as pl
from jax.experimental.pallas import tpu as pltpu
from jax.experimental.pallas import tpu_sc as plsc

N_NODES = 50000
N_EDGES = 1600000

C1 = 2000
R1 = N_EDGES // C1
R1W = R1 // 32
Q1 = C1 // 16

C2 = 125
A2 = 25
R2 = N_EDGES // (A2 * C2)
R2W = R2 // 16
NTILE = N_NODES // 16

NB = 1000
GRID = N_NODES // NB

_BN_INV = 1.0 / (1.0 + 1e-5) ** 0.5


def _sc_mesh():
    return plsc.VectorSubcoreMesh(core_axis_name="c", subcore_axis_name="s")


_SC_PARAMS = pltpu.CompilerParams(
    use_tc_tiling_on_sc=False, needs_layout_passes=False)


def _s1_body(xa_hbm, xb_hbm, src_hbm, dst_hbm, zn_hbm,
             p1_hbm, p2_hbm, xcol, acc, srcb, dstb):
    c = lax.axis_index("c")
    s = lax.axis_index("s")
    w = s * 2 + c

    def one_col(x_hbm, out_hbm):
        pltpu.sync_copy(x_hbm, xcol)
        pltpu.sync_copy(zn_hbm, acc)

        def row_body(g, carry):
            pltpu.sync_copy(src_hbm.at[w * R1W + g], srcb)
            pltpu.sync_copy(dst_hbm.at[w * R1W + g], dstb)

            def q_body(q, carry2):
                sv = srcb[pl.ds(q * 16, 16)]
                dv = dstb[pl.ds(q * 16, 16)]
                vals = plsc.load_gather(xcol, [sv])
                plsc.addupdate_scatter(acc, [dv], vals)
                return carry2

            lax.fori_loop(0, Q1, q_body, 0)
            return carry

        lax.fori_loop(0, R1W, row_body, 0)
        pltpu.sync_copy(acc, out_hbm.at[w])

    one_col(xa_hbm, p1_hbm)
    one_col(xb_hbm, p2_hbm)


def _s1_call(xa, xb, src2, dst2, zn):
    fn = functools.partial(
        pl.kernel,
        mesh=_sc_mesh(),
        out_type=(
            jax.ShapeDtypeStruct((32, N_NODES), jnp.float32),
            jax.ShapeDtypeStruct((32, N_NODES), jnp.float32),
        ),
        scratch_types=[
            pltpu.VMEM((N_NODES,), jnp.float32),
            pltpu.VMEM((N_NODES,), jnp.float32),
            pltpu.VMEM((C1,), jnp.int32),
            pltpu.VMEM((C1,), jnp.int32),
        ],
        compiler_params=_SC_PARAMS,
    )(_s1_body)
    return fn(xa, xb, src2, dst2, zn)


def _s2_body(h0, h1, h2, h3, h4, h5, h6, h7, src_hbm, dst_hbm, z2_hbm,
             a0, a1, a2, a3, a4, a5, a6, a7,
             srcb, dstb, rows, sem, acc):
    c = lax.axis_index("c")
    s = lax.axis_index("s")
    hrefs = (h0, h1, h2, h3, h4, h5, h6, h7)
    arefs = (a0, a1, a2, a3, a4, a5, a6, a7)
    base = s * NTILE

    for p in range(8):
        @pl.when(c == p // 4)
        def _(p=p):
            h_hbm = hrefs[p]
            out_hbm = arefs[p]
            pltpu.sync_copy(z2_hbm, acc.at[pl.ds(base, NTILE)])
            plsc.subcore_barrier()

            def g_body(g, carry):
                blk = s * R2W + g
                pltpu.sync_copy(src_hbm.at[blk], srcb)
                pltpu.sync_copy(dst_hbm.at[blk], dstb)

                def j_body(j, carry2):
                    pltpu.async_copy(h_hbm.at[srcb.at[j]], rows, sem).wait()
                    pltpu.sync_copy(rows, acc.at[dstb.at[j]], add=True)
                    return carry2

                lax.fori_loop(0, A2, j_body, 0)
                return carry

            lax.fori_loop(0, R2W, g_body, 0)
            plsc.subcore_barrier()
            pltpu.sync_copy(acc.at[pl.ds(base, NTILE)],
                            out_hbm.at[pl.ds(base, NTILE)])
            plsc.subcore_barrier()


def _s2_call(hs, src3, dst3, z2):
    out = tuple(jax.ShapeDtypeStruct((N_NODES, 32), jnp.float32)
                for _ in range(8))
    fn = functools.partial(
        pl.kernel,
        mesh=_sc_mesh(),
        out_type=out,
        scratch_types=[
            pltpu.VMEM((A2, C2), jnp.int32),
            pltpu.VMEM((A2, C2), jnp.int32),
            pltpu.VMEM((C2, 32), jnp.float32),
            pltpu.SemaphoreType.DMA,
            pltpu.VMEM_SHARED((N_NODES, 32), jnp.float32),
        ],
        compiler_params=_SC_PARAMS,
    )(_s2_body)
    return fn(*hs, src3, dst3, z2)


def _tca_body(x_ref, p1_ref, p2_ref, w1a_ref, b1a_ref, sc1_ref, be1_ref,
              w1b_ref, b1b_ref, *h_refs):
    s1 = x_ref[:, 1:2] + jnp.sum(p1_ref[...], axis=1, keepdims=True)
    s2 = x_ref[:, 0:1] + jnp.sum(p2_ref[...], axis=1, keepdims=True)

    def col(s):
        pre = s * w1a_ref[...] + b1a_ref[...]
        u = jnp.maximum(pre * sc1_ref[...] + be1_ref[...], 0.0)
        return jnp.dot(u, w1b_ref[...],
                       preferred_element_type=jnp.float32) + b1b_ref[...]

    h1 = col(s1)
    h2 = col(s2)
    for p in range(4):
        h_refs[p][...] = h1[:, 32 * p:32 * p + 32]
        h_refs[4 + p][...] = h2[:, 32 * p:32 * p + 32]


def _tca_call(x, p1t, p2t, w1a, b1a2, sc1, be12, w1b, b1b2):
    full = lambda shape: pl.BlockSpec(shape, lambda i: (0,) * len(shape))
    out_specs = [pl.BlockSpec((NB, 32), lambda i: (i, 0)) for _ in range(8)]
    return pl.pallas_call(
        _tca_body,
        grid=(GRID,),
        in_specs=[
            pl.BlockSpec((NB, 2), lambda i: (i, 0)),
            pl.BlockSpec((NB, 32), lambda i: (i, 0)),
            pl.BlockSpec((NB, 32), lambda i: (i, 0)),
            full((1, 256)), full((1, 256)), full((1, 256)), full((1, 256)),
            full((256, 128)), full((1, 128)),
        ],
        out_specs=out_specs,
        out_shape=[jax.ShapeDtypeStruct((N_NODES, 32), jnp.float32)
                   for _ in range(8)],
    )(x, p1t, p2t, w1a, b1a2, sc1, be12, w1b, b1b2)


def _tcb_body(*refs):
    h = refs[0:8]
    a = refs[8:16]
    (w2a_ref, b2a_ref, sc2_ref, be2_ref, w2b_ref, b2b_ref, vt_ref,
     wt2_ref, bsum_ref, btp_ref, ffp_ref) = refs[16:]

    def mlp2(parts):
        t = b2a_ref[...]
        for q in range(4):
            t = t + jnp.dot(parts[q], w2a_ref[32 * q:32 * q + 32, :],
                            preferred_element_type=jnp.float32)
        t = jnp.maximum(t * sc2_ref[...] + be2_ref[...], 0.0)
        return jnp.dot(t, w2b_ref[...],
                       preferred_element_type=jnp.float32) + b2b_ref[...]

    e1 = mlp2([h[q][...] + a[q][...] for q in range(4)])
    e2 = mlp2([h[4 + q][...] + a[4 + q][...] for q in range(4)])

    ffp_ref[...] = (
        jnp.dot(e1, vt_ref[0:64, :], preferred_element_type=jnp.float32)
        + jnp.dot(e2, vt_ref[64:128, :], preferred_element_type=jnp.float32))

    acc = jnp.zeros((NB, 64), jnp.float32) + bsum_ref[...]
    for j in range(64):
        acc = acc + e2[:, j:j + 1] * jnp.dot(
            e1, wt2_ref[j], preferred_element_type=jnp.float32)
    btp_ref[...] = acc


def _tcb_call(hs, aggs, w2a, b2a2, sc2, be22, w2b, b2b2, vt, wt2, bsum):
    full = lambda shape: pl.BlockSpec(shape, lambda i: (0,) * len(shape))
    nb32 = lambda: pl.BlockSpec((NB, 32), lambda i: (i, 0))
    return pl.pallas_call(
        _tcb_body,
        grid=(GRID,),
        in_specs=(
            [nb32() for _ in range(16)]
            + [full((128, 64)), full((1, 64)), full((1, 64)), full((1, 64)),
               full((64, 64)), full((1, 64)), full((128, 64)),
               full((64, 64, 64)), full((1, 1))]
        ),
        out_specs=[pl.BlockSpec((NB, 64), lambda i: (i, 0)),
                   pl.BlockSpec((NB, 64), lambda i: (i, 0))],
        out_shape=[jax.ShapeDtypeStruct((N_NODES, 64), jnp.float32),
                   jax.ShapeDtypeStruct((N_NODES, 64), jnp.float32)],
    )(*hs, *aggs, w2a, b2a2, sc2, be22, w2b, b2b2, vt, wt2, bsum)


def _tcc_body(btp_ref, ffp_ref, w4_ref, b4_ref, w2l_ref, b2l_ref, out_ref):
    o = jnp.tanh(btp_ref[...] + ffp_ref[...])
    z = jnp.maximum(
        jnp.dot(o, w4_ref[...], preferred_element_type=jnp.float32)
        + b4_ref[...], 0.0)
    z2 = jnp.dot(z, w2l_ref[...],
                 preferred_element_type=jnp.float32) + b2l_ref[...]
    m = jnp.max(z2, axis=1, keepdims=True)
    lse = m + jnp.log(jnp.sum(jnp.exp(z2 - m), axis=1, keepdims=True))
    out_ref[...] = z2 - lse


def _tcc_call(btp_r, ffp, w4, b42, w2l, b2l2):
    full = lambda shape: pl.BlockSpec(shape, lambda i: (0,) * len(shape))
    return pl.pallas_call(
        _tcc_body,
        grid=(GRID,),
        in_specs=[
            pl.BlockSpec((NB, 64), lambda i: (i, 0)),
            pl.BlockSpec((NB, 64), lambda i: (i, 0)),
            full((64, 6)), full((1, 6)), full((6, 6)), full((1, 6)),
        ],
        out_specs=pl.BlockSpec((NB, 6), lambda i: (i, 0)),
        out_shape=jax.ShapeDtypeStruct((N_NODES, 6), jnp.float32),
    )(btp_r, ffp, w4, b42, w2l, b2l2)


def kernel(x, edge_index, edge_attr, W1a, b1a, g1, be1, W1b, b1b,
           W2a, b2a, g2, be2, W2b, b2b, W_ntn, V_ntn, b_ntn, W4, b4,
           W2l, b2l):
    f32 = jnp.float32
    src = edge_index[0]
    dst = edge_index[1]
    xa = x[:, 1]
    xb = x[:, 0]
    src2 = src.reshape(R1, C1)
    dst2 = dst.reshape(R1, C1)
    src3 = src.reshape(R2, A2, C2)
    dst3 = dst.reshape(R2, A2, C2)
    zn = jnp.zeros((N_NODES,), f32)
    z2 = jnp.zeros((NTILE, 32), f32)

    p1, p2 = _s1_call(xa, xb, src2, dst2, zn)
    p1t = p1.T
    p2t = p2.T

    sc1 = (g1 * _BN_INV)[None, :]
    sc2 = (g2 * _BN_INV)[None, :]
    hs = _tca_call(x, p1t, p2t, W1a, b1a[None, :], sc1, be1[None, :],
                   W1b, b1b[None, :])

    aggs = _s2_call(hs, src3, dst3, z2)

    wt2 = jnp.transpose(W_ntn, (2, 1, 0))
    bsum = jnp.sum(b_ntn).reshape(1, 1)
    btpP, ffp = _tcb_call(hs, aggs, W2a, b2a[None, :], sc2, be2[None, :],
                          W2b, b2b[None, :], V_ntn, wt2, bsum)

    btp_r = jnp.transpose(btpP).reshape(N_NODES, 64)
    return _tcc_call(btp_r, ffp, W4, b4[None, :], W2l, b2l[None, :])

# --- scband reference (transcript-rebuilt; emitter-appended) ---
"""Pipeline reference for scband-aug-gnn-71116068487689 (READ-ONLY COPY).

The authoritative reference and input builder live on the scoring server;
editing this copy changes nothing except your own understanding.
"""

import jax, jax.numpy as jnp
import numpy as np

N_NODES = 50000
N_EDGES = 1600000

def setup_inputs(seed: int = 0):
    key = jax.random.key(seed)
    ks = jax.random.split(key, 16)
    def lin(k, fi, fo):
        return (jax.random.normal(k, (fi, fo), jnp.float32) / np.sqrt(fi)).astype(jnp.float32)
    inp = {}
    inp['x'] = jax.random.normal(ks[0], (N_NODES, 2), jnp.float32)
    inp['edge_index'] = jax.random.randint(ks[1], (2, N_EDGES), 0, N_NODES, dtype=jnp.int32)
    inp['edge_attr'] = jax.random.normal(ks[2], (N_EDGES, 4), jnp.float32)
    inp['W1a'] = lin(ks[3], 1, 256); inp['b1a'] = jnp.zeros((256,), jnp.float32)
    inp['g1'] = jnp.ones((256,), jnp.float32); inp['be1'] = jnp.zeros((256,), jnp.float32)
    inp['W1b'] = lin(ks[4], 256, 128); inp['b1b'] = jnp.zeros((128,), jnp.float32)
    inp['W2a'] = lin(ks[5], 128, 64); inp['b2a'] = jnp.zeros((64,), jnp.float32)
    inp['g2'] = jnp.ones((64,), jnp.float32); inp['be2'] = jnp.zeros((64,), jnp.float32)
    inp['W2b'] = lin(ks[6], 64, 64); inp['b2b'] = jnp.zeros((64,), jnp.float32)
    inp['W_ntn'] = jax.random.normal(ks[7], (64, 64, 64), jnp.float32) / np.sqrt(64.0)
    inp['V_ntn'] = lin(ks[8], 128, 64)
    inp['b_ntn'] = jax.random.normal(ks[9], (1, 64), jnp.float32) * 0.1
    inp['W4'] = lin(ks[10], 64, 6); inp['b4'] = jnp.zeros((6,), jnp.float32)
    inp['W2l'] = lin(ks[11], 6, 6); inp['b2l'] = jnp.zeros((6,), jnp.float32)
    return inp

def reference(x, edge_index, edge_attr, W1a, b1a, g1, be1, W1b, b1b, W2a, b2a, g2, be2, W2b, b2b, W_ntn, V_ntn, b_ntn, W4, b4, W2l, b2l):
    # augGNN with graph_conv='GIN', method='NTN', eval mode (dropout off, BN in eval with
    # running_mean=0, running_var=1). GINConv: out = mlp((1+eps)*x + sum_{j->i} x_j), eps=0.
    # edge_attr is accepted but unused by the GIN path (matches module semantics).
    n = x.shape[0]
    src = edge_index[0]
    dst = edge_index[1]
    eps_bn = 1e-5
    def bn(h, g, be):
        return g * (h / jnp.sqrt(1.0 + eps_bn)) + be
    def mlp1(h):
        h = h @ W1a + b1a
        h = jax.nn.relu(bn(h, g1, be1))
        return h @ W1b + b1b
    def mlp2(h):
        h = h @ W2a + b2a
        h = jax.nn.relu(bn(h, g2, be2))
        return h @ W2b + b2b
    def gin(h, mlp):
        agg = jax.ops.segment_sum(h[src], dst, num_segments=n)
        return mlp(h + agg)
    def block(col):
        h = gin(col, mlp1)   # depth step 0
        h = gin(h, mlp2)     # depth step 1
        return h
    # NTN method: process last column first, then remaining columns
    e1 = block(x[:, 1:2])
    e2 = block(x[:, 0:1])
    kk = W_ntn.shape[0]
    ffp = jnp.concatenate([e1, e2], axis=1) @ V_ntn
    btp_list = [jnp.sum(e2 * (e1 @ W_ntn[i]) + b_ntn, axis=1) for i in range(kk)]
    # faithful to torch: cat along dim 0 then reshape (batch, k)
    btp = jnp.reshape(jnp.concatenate(btp_list, axis=0), (n, kk))
    out = jnp.tanh(btp + ffp)
    h = jax.nn.relu(out @ W4 + b4)
    h = h @ W2l + b2l
    return jax.nn.log_softmax(h, axis=1)

if __name__ == "__main__":
    import jax
    _d = setup_inputs()
    print(jax.jit(kernel)(*tuple(_d.values())))

</pallas_src>

<mosaic_0001>
#map = affine_map<(d0, d1) -> (0)>
#map1 = affine_map<(d0, d1) -> (0, 0)>
module attributes {stable_mosaic.version = 14 : i64} {
  func.func @_s1_body(%arg0: i32, %arg1: i32, %arg2: memref<50000xf32, #tpu.memory_space<hbm>>, %arg3: memref<50000xf32, #tpu.memory_space<hbm>>, %arg4: memref<800x2000xi32, #tpu.memory_space<hbm>>, %arg5: memref<800x2000xi32, #tpu.memory_space<hbm>>, %arg6: memref<50000xf32, #tpu.memory_space<hbm>>, %arg7: memref<32x50000xf32, #tpu.memory_space<hbm>>, %arg8: memref<32x50000xf32, #tpu.memory_space<hbm>>, %arg9: memref<50000xf32, #tpu.memory_space<vmem>>, %arg10: memref<50000xf32, #tpu.memory_space<vmem>>, %arg11: memref<2000xi32, #tpu.memory_space<vmem>>, %arg12: memref<2000xi32, #tpu.memory_space<vmem>>) attributes {dimension_semantics = [#tpu.dimension_semantics<core_parallel>, #tpu.dimension_semantics<subcore_parallel>], iteration_bounds = array<i64: 2, 16>, scalar_prefetch = 0 : i64, scratch_operands = 4 : i64, tpu.core_type = #tpu.core_type<sc_vector_subcore>, window_params = [{transform_indices = #map}, {transform_indices = #map}, {transform_indices = #map1}, {transform_indices = #map1}, {transform_indices = #map}, {transform_indices = #map1}, {transform_indices = #map1}]} {
    %mul3A = arith.constant 2 : i32
    %mul3A_0 = arith.muli %arg1, %mul3A : i32
    %add3A = arith.addi %mul3A_0, %arg0 : i32
    "tpu.region"() ({
      %run_scoped3A = tpu.sem_alloc : memref<!tpu.dma_semaphore, #tpu.memory_space<semaphore_mem>>
      tpu.enqueue_dma source(%arg2 : memref<50000xf32, #tpu.memory_space<hbm>>) target(%arg9 : memref<50000xf32, #tpu.memory_space<vmem>>) target_semaphore(%run_scoped3A : memref<!tpu.dma_semaphore, #tpu.memory_space<semaphore_mem>>)
      tpu.wait_dma2 semaphore(%run_scoped3A : memref<!tpu.dma_semaphore, #tpu.memory_space<semaphore_mem>>) src(%arg2 : memref<50000xf32, #tpu.memory_space<hbm>>) dst(%arg9 : memref<50000xf32, #tpu.memory_space<vmem>>)
      tpu.yield
    }) : () -> ()
    "tpu.region"() ({
      %run_scoped3A = tpu.sem_alloc : memref<!tpu.dma_semaphore, #tpu.memory_space<semaphore_mem>>
      tpu.enqueue_dma source(%arg6 : memref<50000xf32, #tpu.memory_space<hbm>>) target(%arg10 : memref<50000xf32, #tpu.memory_space<vmem>>) target_semaphore(%run_scoped3A : memref<!tpu.dma_semaphore, #tpu.memory_space<semaphore_mem>>)
      tpu.wait_dma2 semaphore(%run_scoped3A : memref<!tpu.dma_semaphore, #tpu.memory_space<semaphore_mem>>) src(%arg6 : memref<50000xf32, #tpu.memory_space<hbm>>) dst(%arg10 : memref<50000xf32, #tpu.memory_space<vmem>>)
      tpu.yield
    }) : () -> ()
    %scan3A = arith.constant 0 : i32
    %scan3A_1 = arith.constant 0 : i32
    %scan3A_2 = arith.constant 25 : i32
    %scan3A_3 = arith.addi %scan3A_1, %scan3A_2 : i32
    %scan3A_4 = arith.constant 1 : i32
    scf.for %scan3A_12 = %scan3A_1 to %scan3A_3 step %scan3A_4  : i32 {
      %mul3A_13 = arith.constant 25 : i32
      %mul3A_14 = arith.muli %add3A, %mul3A_13 : i32
      %add3A_15 = arith.addi %mul3A_14, %scan3A_12 : i32
      "tpu.region"() ({
        %run_scoped3A = tpu.sem_alloc : memref<!tpu.dma_semaphore, #tpu.memory_space<semaphore_mem>>
        %dma_start3A = arith.constant 0 : i32
        %dma_start3A_25 = tpu.memref_slice %arg4[%add3A_15, %dma_start3A] : memref<800x2000xi32, #tpu.memory_space<hbm>> -> memref<1x2000xi32, #tpu.memory_space<hbm>>
        %dma_start3A_26 = tpu.memref_squeeze %dma_start3A_25 : memref<1x2000xi32, #tpu.memory_space<hbm>> -> memref<2000xi32, #tpu.memory_space<hbm>>
        %dma_start3A_27 = arith.constant 0 : i32
        %dma_start3A_28 = tpu.memref_slice %arg4[%add3A_15, %dma_start3A_27] : memref<800x2000xi32, #tpu.memory_space<hbm>> -> memref<1x2000xi32, #tpu.memory_space<hbm>>
        %dma_start3A_29 = tpu.memref_squeeze %dma_start3A_28 : memref<1x2000xi32, #tpu.memory_space<hbm>> -> memref<2000xi32, #tpu.memory_space<hbm>>
        tpu.enqueue_dma source(%dma_start3A_29 : memref<2000xi32, #tpu.memory_space<hbm>>) target(%arg11 : memref<2000xi32, #tpu.memory_space<vmem>>) target_semaphore(%run_scoped3A : memref<!tpu.dma_semaphore, #tpu.memory_space<semaphore_mem>>)
        %dma_wait3A = arith.constant 0 : i32
        %dma_wait3A_30 = tpu.memref_slice %arg4[%add3A_15, %dma_wait3A] : memref<800x2000xi32, #tpu.memory_space<hbm>> -> memref<1x2000xi32, #tpu.memory_space<hbm>>
        %dma_wait3A_31 = tpu.memref_squeeze %dma_wait3A_30 : memref<1x2000xi32, #tpu.memory_space<hbm>> -> memref<2000xi32, #tpu.memory_space<hbm>>
        %dma_wait3A_32 = arith.constant 0 : i32
        %dma_wait3A_33 = tpu.memref_slice %arg4[%add3A_15, %dma_wait3A_32] : memref<800x2000xi32, #tpu.memory_space<hbm>> -> memref<1x2000xi32, #tpu.memory_space<hbm>>
        %dma_wait3A_34 = tpu.memref_squeeze %dma_wait3A_33 : memref<1x2000xi32, #tpu.memory_space<hbm>> -> memref<2000xi32, #tpu.memory_space<hbm>>
        tpu.wait_dma2 semaphore(%run_scoped3A : memref<!tpu.dma_semaphore, #tpu.memory_space<semaphore_mem>>) src(%dma_wait3A_34 : memref<2000xi32, #tpu.memory_space<hbm>>) dst(%arg11 : memref<2000xi32, #tpu.memory_space<vmem>>)
        tpu.yield
      }) : () -> ()
      %mul3A_16 = arith.constant 25 : i32
      %mul3A_17 = arith.muli %add3A, %mul3A_16 : i32
      %add3A_18 = arith.addi %mul3A_17, %scan3A_12 : i32
      "tpu.region"() ({
        %run_scoped3A = tpu.sem_alloc : memref<!tpu.dma_semaphore, #tpu.memory_space<semaphore_mem>>
        %dma_start3A = arith.constant 0 : i32
        %dma_start3A_25 = tpu.memref_slice %arg5[%add3A_18, %dma_start3A] : memref<800x2000xi32, #tpu.memory_space<hbm>> -> memref<1x2000xi32, #tpu.memory_space<hbm>>
        %dma_start3A_26 = tpu.memref_squeeze %dma_start3A_25 : memref<1x2000xi32, #tpu.memory_space<hbm>> -> memref<2000xi32, #tpu.memory_space<hbm>>
        %dma_start3A_27 = arith.constant 0 : i32
        %dma_start3A_28 = tpu.memref_slice %arg5[%add3A_18, %dma_start3A_27] : memref<800x2000xi32, #tpu.memory_space<hbm>> -> memref<1x2000xi32, #tpu.memory_space<hbm>>
        %dma_start3A_29 = tpu.memref_squeeze %dma_start3A_28 : memref<1x2000xi32, #tpu.memory_space<hbm>> -> memref<2000xi32, #tpu.memory_space<hbm>>
        tpu.enqueue_dma source(%dma_start3A_29 : memref<2000xi32, #tpu.memory_space<hbm>>) target(%arg12 : memref<2000xi32, #tpu.memory_space<vmem>>) target_semaphore(%run_scoped3A : memref<!tpu.dma_semaphore, #tpu.memory_space<semaphore_mem>>)
        %dma_wait3A = arith.constant 0 : i32
        %dma_wait3A_30 = tpu.memref_slice %arg5[%add3A_18, %dma_wait3A] : memref<800x2000xi32, #tpu.memory_space<hbm>> -> memref<1x2000xi32, #tpu.memory_space<hbm>>
        %dma_wait3A_31 = tpu.memref_squeeze %dma_wait3A_30 : memref<1x2000xi32, #tpu.memory_space<hbm>> -> memref<2000xi32, #tpu.memory_space<hbm>>
        %dma_wait3A_32 = arith.constant 0 : i32
        %dma_wait3A_33 = tpu.memref_slice %arg5[%add3A_18, %dma_wait3A_32] : memref<800x2000xi32, #tpu.memory_space<hbm>> -> memref<1x2000xi32, #tpu.memory_space<hbm>>
        %dma_wait3A_34 = tpu.memref_squeeze %dma_wait3A_33 : memref<1x2000xi32, #tpu.memory_space<hbm>> -> memref<2000xi32, #tpu.memory_space<hbm>>
        tpu.wait_dma2 semaphore(%run_scoped3A : memref<!tpu.dma_semaphore, #tpu.memory_space<semaphore_mem>>) src(%dma_wait3A_34 : memref<2000xi32, #tpu.memory_space<hbm>>) dst(%arg12 : memref<2000xi32, #tpu.memory_space<vmem>>)
        tpu.yield
      }) : () -> ()
      %scan3A_19 = arith.constant 0 : i32
      %scan3A_20 = arith.constant 0 : i32
      %scan3A_21 = arith.constant 125 : i32
      %scan3A_22 = arith.addi %scan3A_20, %scan3A_21 : i32
      %scan3A_23 = arith.constant 1 : i32
      scf.for %scan3A_25 = %scan3A_20 to %scan3A_22 step %scan3A_23  : i32 {
        %mul3A_26 = arith.constant 16 : i32
        %mul3A_27 = arith.muli %scan3A_25, %mul3A_26 : i32
        %get3A = arith.index_cast %mul3A_27 : i32 to index
        %get3A_28 = tpu.vector_load %arg11[%get3A] {strides = array<i32>} : memref<2000xi32, #tpu.memory_space<vmem>>, vector<16xi32>,
        %mul3A_29 = arith.constant 16 : i32
        %mul3A_30 = arith.muli %scan3A_25, %mul3A_29 : i32
        %get3A_31 = arith.index_cast %mul3A_30 : i32 to index
        %get3A_32 = tpu.vector_load %arg12[%get3A_31] {strides = array<i32>} : memref<2000xi32, #tpu.memory_space<vmem>>, vector<16xi32>,
        %gather3A = tpu.vector_load_idx %arg9[%get3A_28] : memref<50000xf32, #tpu.memory_space<vmem>>[vector<16xi32>], vector<16xf32>,
        tpu.vector_store_idx %arg10[%get3A_32], %gather3A {add = true} : memref<50000xf32, #tpu.memory_space<vmem>>[vector<16xi32>], vector<16xf32>,
      }
      %scan3A_24 = arith.constant 125 : i32
    }
    %scan3A_5 = arith.constant 25 : i32
    "tpu.region"() ({
      %run_scoped3A = tpu.sem_alloc : memref<!tpu.dma_semaphore, #tpu.memory_space<semaphore_mem>>
      %dma_start3A = arith.constant 0 : i32
      %dma_start3A_12 = tpu.memref_slice %arg7[%add3A, %dma_start3A] : memref<32x50000xf32, #tpu.memory_space<hbm>> -> memref<1x50000xf32, #tpu.memory_space<hbm>>
      %dma_start3A_13 = tpu.memref_squeeze %dma_start3A_12 : memref<1x50000xf32, #tpu.memory_space<hbm>> -> memref<50000xf32, #tpu.memory_space<hbm>>
      %dma_start3A_14 = arith.constant 0 : i32
      %dma_start3A_15 = tpu.memref_slice %arg7[%add3A, %dma_start3A_14] : memref<32x50000xf32, #tpu.memory_space<hbm>> -> memref<1x50000xf32, #tpu.memory_space<hbm>>
      %dma_start3A_16 = tpu.memref_squeeze %dma_start3A_15 : memref<1x50000xf32, #tpu.memory_space<hbm>> -> memref<50000xf32, #tpu.memory_space<hbm>>
      tpu.enqueue_dma source(%arg10 : memref<50000xf32, #tpu.memory_space<vmem>>) target(%dma_start3A_16 : memref<50000xf32, #tpu.memory_space<hbm>>) target_semaphore(%run_scoped3A : memref<!tpu.dma_semaphore, #tpu.memory_space<semaphore_mem>>)
      %dma_wait3A = arith.constant 0 : i32
      %dma_wait3A_17 = tpu.memref_slice %arg7[%add3A, %dma_wait3A] : memref<32x50000xf32, #tpu.memory_space<hbm>> -> memref<1x50000xf32, #tpu.memory_space<hbm>>
      %dma_wait3A_18 = tpu.memref_squeeze %dma_wait3A_17 : memref<1x50000xf32, #tpu.memory_space<hbm>> -> memref<50000xf32, #tpu.memory_space<hbm>>
      %dma_wait3A_19 = arith.constant 0 : i32
      %dma_wait3A_20 = tpu.memref_slice %arg7[%add3A, %dma_wait3A_19] : memref<32x50000xf32, #tpu.memory_space<hbm>> -> memref<1x50000xf32, #tpu.memory_space<hbm>>
      %dma_wait3A_21 = tpu.memref_squeeze %dma_wait3A_20 : memref<1x50000xf32, #tpu.memory_space<hbm>> -> memref<50000xf32, #tpu.memory_space<hbm>>
      tpu.wait_dma2 semaphore(%run_scoped3A : memref<!tpu.dma_semaphore, #tpu.memory_space<semaphore_mem>>) src(%arg10 : memref<50000xf32, #tpu.memory_space<vmem>>) dst(%dma_wait3A_21 : memref<50000xf32, #tpu.memory_space<hbm>>)
      tpu.yield
    }) : () -> ()
    "tpu.region"() ({
      %run_scoped3A = tpu.sem_alloc : memref<!tpu.dma_semaphore, #tpu.memory_space<semaphore_mem>>
      tpu.enqueue_dma source(%arg3 : memref<50000xf32, #tpu.memory_space<hbm>>) target(%arg9 : memref<50000xf32, #tpu.memory_space<vmem>>) target_semaphore(%run_scoped3A : memref<!tpu.dma_semaphore, #tpu.memory_space<semaphore_mem>>)
      tpu.wait_dma2 semaphore(%run_scoped3A : memref<!tpu.dma_semaphore, #tpu.memory_space<semaphore_mem>>) src(%arg3 : memref<50000xf32, #tpu.memory_space<hbm>>) dst(%arg9 : memref<50000xf32, #tpu.memory_space<vmem>>)
      tpu.yield
    }) : () -> ()
    "tpu.region"() ({
      %run_scoped3A = tpu.sem_alloc : memref<!tpu.dma_semaphore, #tpu.memory_space<semaphore_mem>>
      tpu.enqueue_dma source(%arg6 : memref<50000xf32, #tpu.memory_space<hbm>>) target(%arg10 : memref<50000xf32, #tpu.memory_space<vmem>>) target_semaphore(%run_scoped3A : memref<!tpu.dma_semaphore, #tpu.memory_space<semaphore_mem>>)
      tpu.wait_dma2 semaphore(%run_scoped3A : memref<!tpu.dma_semaphore, #tpu.memory_space<semaphore_mem>>) src(%arg6 : memref<50000xf32, #tpu.memory_space<hbm>>) dst(%arg10 : memref<50000xf32, #tpu.memory_space<vmem>>)
      tpu.yield
    }) : () -> ()
    %scan3A_6 = arith.constant 0 : i32
    %scan3A_7 = arith.constant 0 : i32
    %scan3A_8 = arith.constant 25 : i32
    %scan3A_9 = arith.addi %scan3A_7, %scan3A_8 : i32
    %scan3A_10 = arith.constant 1 : i32
    scf.for %scan3A_12 = %scan3A_7 to %scan3A_9 step %scan3A_10  : i32 {
      %mul3A_13 = arith.constant 25 : i32
      %mul3A_14 = arith.muli %add3A, %mul3A_13 : i32
      %add3A_15 = arith.addi %mul3A_14, %scan3A_12 : i32
      "tpu.region"() ({
        %run_scoped3A = tpu.sem_alloc : memref<!tpu.dma_semaphore, #tpu.memory_space<semaphore_mem>>
        %dma_start3A = arith.constant 0 : i32
        %dma_start3A_25 = tpu.memref_slice %arg4[%add3A_15, %dma_start3A] : memref<800x2000xi32, #tpu.memory_space<hbm>> -> memref<1x2000xi32, #tpu.memory_space<hbm>>
        %dma_start3A_26 = tpu.memref_squeeze %dma_start3A_25 : memref<1x2000xi32, #tpu.memory_space<hbm>> -> memref<2000xi32, #tpu.memory_space<hbm>>
        %dma_start3A_27 = arith.constant 0 : i32
        %dma_start3A_28 = tpu.memref_slice %arg4[%add3A_15, %dma_start3A_27] : memref<800x2000xi32, #tpu.memory_space<hbm>> -> memref<1x2000xi32, #tpu.memory_space<hbm>>
        %dma_start3A_29 = tpu.memref_squeeze %dma_start3A_28 : memref<1x2000xi32, #tpu.memory_space<hbm>> -> memref<2000xi32, #tpu.memory_space<hbm>>
        tpu.enqueue_dma source(%dma_start3A_29 : memref<2000xi32, #tpu.memory_space<hbm>>) target(%arg11 : memref<2000xi32, #tpu.memory_space<vmem>>) target_semaphore(%run_scoped3A : memref<!tpu.dma_semaphore, #tpu.memory_space<semaphore_mem>>)
        %dma_wait3A = arith.constant 0 : i32
        %dma_wait3A_30 = tpu.memref_slice %arg4[%add3A_15, %dma_wait3A] : memref<800x2000xi32, #tpu.memory_space<hbm>> -> memref<1x2000xi32, #tpu.memory_space<hbm>>
        %dma_wait3A_31 = tpu.memref_squeeze %dma_wait3A_30 : memref<1x2000xi32, #tpu.memory_space<hbm>> -> memref<2000xi32, #tpu.memory_space<hbm>>
        %dma_wait3A_32 = arith.constant 0 : i32
        %dma_wait3A_33 = tpu.memref_slice %arg4[%add3A_15, %dma_wait3A_32] : memref<800x2000xi32, #tpu.memory_space<hbm>> -> memref<1x2000xi32, #tpu.memory_space<hbm>>
        %dma_wait3A_34 = tpu.memref_squeeze %dma_wait3A_33 : memref<1x2000xi32, #tpu.memory_space<hbm>> -> memref<2000xi32, #tpu.memory_space<hbm>>
        tpu.wait_dma2 semaphore(%run_scoped3A : memref<!tpu.dma_semaphore, #tpu.memory_space<semaphore_mem>>) src(%dma_wait3A_34 : memref<2000xi32, #tpu.memory_space<hbm>>) dst(%arg11 : memref<2000xi32, #tpu.memory_space<vmem>>)
        tpu.yield
      }) : () -> ()
      %mul3A_16 = arith.constant 25 : i32
      %mul3A_17 = arith.muli %add3A, %mul3A_16 : i32
      %add3A_18 = arith.addi %mul3A_17, %scan3A_12 : i32
      "tpu.region"() ({
        %run_scoped3A = tpu.sem_alloc : memref<!tpu.dma_semaphore, #tpu.memory_space<semaphore_mem>>
        %dma_start3A = arith.constant 0 : i32
        %dma_start3A_25 = tpu.memref_slice %arg5[%add3A_18, %dma_start3A] : memref<800x2000xi32, #tpu.memory_space<hbm>> -> memref<1x2000xi32, #tpu.memory_space<hbm>>
        %dma_start3A_26 = tpu.memref_squeeze %dma_start3A_25 : memref<1x2000xi32, #tpu.memory_space<hbm>> -> memref<2000xi32, #tpu.memory_space<hbm>>
        %dma_start3A_27 = arith.constant 0 : i32
        %dma_start3A_28 = tpu.memref_slice %arg5[%add3A_18, %dma_start3A_27] : memref<800x2000xi32, #tpu.memory_space<hbm>> -> memref<1x2000xi32, #tpu.memory_space<hbm>>
        %dma_start3A_29 = tpu.memref_squeeze %dma_start3A_28 : memref<1x2000xi32, #tpu.memory_space<hbm>> -> memref<2000xi32, #tpu.memory_space<hbm>>
        tpu.enqueue_dma source(%dma_start3A_29 : memref<2000xi32, #tpu.memory_space<hbm>>) target(%arg12 : memref<2000xi32, #tpu.memory_space<vmem>>) target_semaphore(%run_scoped3A : memref<!tpu.dma_semaphore, #tpu.memory_space<semaphore_mem>>)
        %dma_wait3A = arith.constant 0 : i32
        %dma_wait3A_30 = tpu.memref_slice %arg5[%add3A_18, %dma_wait3A] : memref<800x2000xi32, #tpu.memory_space<hbm>> -> memref<1x2000xi32, #tpu.memory_space<hbm>>
        %dma_wait3A_31 = tpu.memref_squeeze %dma_wait3A_30 : memref<1x2000xi32, #tpu.memory_space<hbm>> -> memref<2000xi32, #tpu.memory_space<hbm>>
        %dma_wait3A_32 = arith.constant 0 : i32
        %dma_wait3A_33 = tpu.memref_slice %arg5[%add3A_18, %dma_wait3A_32] : memref<800x2000xi32, #tpu.memory_space<hbm>> -> memref<1x2000xi32, #tpu.memory_space<hbm>>
        %dma_wait3A_34 = tpu.memref_squeeze %dma_wait3A_33 : memref<1x2000xi32, #tpu.memory_space<hbm>> -> memref<2000xi32, #tpu.memory_space<hbm>>
        tpu.wait_dma2 semaphore(%run_scoped3A : memref<!tpu.dma_semaphore, #tpu.memory_space<semaphore_mem>>) src(%dma_wait3A_34 : memref<2000xi32, #tpu.memory_space<hbm>>) dst(%arg12 : memref<2000xi32, #tpu.memory_space<vmem>>)
        tpu.yield
      }) : () -> ()
      %scan3A_19 = arith.constant 0 : i32
      %scan3A_20 = arith.constant 0 : i32
      %scan3A_21 = arith.constant 125 : i32
      %scan3A_22 = arith.addi %scan3A_20, %scan3A_21 : i32
      %scan3A_23 = arith.constant 1 : i32
      scf.for %scan3A_25 = %scan3A_20 to %scan3A_22 step %scan3A_23  : i32 {
        %mul3A_26 = arith.constant 16 : i32
        %mul3A_27 = arith.muli %scan3A_25, %mul3A_26 : i32
        %get3A = arith.index_cast %mul3A_27 : i32 to index
        %get3A_28 = tpu.vector_load %arg11[%get3A] {strides = array<i32>} : memref<2000xi32, #tpu.memory_space<vmem>>, vector<16xi32>,
        %mul3A_29 = arith.constant 16 : i32
        %mul3A_30 = arith.muli %scan3A_25, %mul3A_29 : i32
        %get3A_31 = arith.index_cast %mul3A_30 : i32 to index
        %get3A_32 = tpu.vector_load %arg12[%get3A_31] {strides = array<i32>} : memref<2000xi32, #tpu.memory_space<vmem>>, vector<16xi32>,
        %gather3A = tpu.vector_load_idx %arg9[%get3A_28] : memref<50000xf32, #tpu.memory_space<vmem>>[vector<16xi32>], vector<16xf32>,
        tpu.vector_store_idx %arg10[%get3A_32], %gather3A {add = true} : memref<50000xf32, #tpu.memory_space<vmem>>[vector<16xi32>], vector<16xf32>,
      }
      %scan3A_24 = arith.constant 125 : i32
    }
    %scan3A_11 = arith.constant 25 : i32
    "tpu.region"() ({
      %run_scoped3A = tpu.sem_alloc : memref<!tpu.dma_semaphore, #tpu.memory_space<semaphore_mem>>
      %dma_start3A = arith.constant 0 : i32
      %dma_start3A_12 = tpu.memref_slice %arg8[%add3A, %dma_start3A] : memref<32x50000xf32, #tpu.memory_space<hbm>> -> memref<1x50000xf32, #tpu.memory_space<hbm>>
      %dma_start3A_13 = tpu.memref_squeeze %dma_start3A_12 : memref<1x50000xf32, #tpu.memory_space<hbm>> -> memref<50000xf32, #tpu.memory_space<hbm>>
      %dma_start3A_14 = arith.constant 0 : i32
      %dma_start3A_15 = tpu.memref_slice %arg8[%add3A, %dma_start3A_14] : memref<32x50000xf32, #tpu.memory_space<hbm>> -> memref<1x50000xf32, #tpu.memory_space<hbm>>
      %dma_start3A_16 = tpu.memref_squeeze %dma_start3A_15 : memref<1x50000xf32, #tpu.memory_space<hbm>> -> memref<50000xf32, #tpu.memory_space<hbm>>
      tpu.enqueue_dma source(%arg10 : memref<50000xf32, #tpu.memory_space<vmem>>) target(%dma_start3A_16 : memref<50000xf32, #tpu.memory_space<hbm>>) target_semaphore(%run_scoped3A : memref<!tpu.dma_semaphore, #tpu.memory_space<semaphore_mem>>)
      %dma_wait3A = arith.constant 0 : i32
      %dma_wait3A_17 = tpu.memref_slice %arg8[%add3A, %dma_wait3A] : memref<32x50000xf32, #tpu.memory_space<hbm>> -> memref<1x50000xf32, #tpu.memory_space<hbm>>
      %dma_wait3A_18 = tpu.memref_squeeze %dma_wait3A_17 : memref<1x50000xf32, #tpu.memory_space<hbm>> -> memref<50000xf32, #tpu.memory_space<hbm>>
      %dma_wait3A_19 = arith.constant 0 : i32
      %dma_wait3A_20 = tpu.memref_slice %arg8[%add3A, %dma_wait3A_19] : memref<32x50000xf32, #tpu.memory_space<hbm>> -> memref<1x50000xf32, #tpu.memory_space<hbm>>
      %dma_wait3A_21 = tpu.memref_squeeze %dma_wait3A_20 : memref<1x50000xf32, #tpu.memory_space<hbm>> -> memref<50000xf32, #tpu.memory_space<hbm>>
      tpu.wait_dma2 semaphore(%run_scoped3A : memref<!tpu.dma_semaphore, #tpu.memory_space<semaphore_mem>>) src(%arg10 : memref<50000xf32, #tpu.memory_space<vmem>>) dst(%dma_wait3A_21 : memref<50000xf32, #tpu.memory_space<hbm>>)
      tpu.yield
    }) : () -> ()
    return
  }
}

#map = affine_map<(d0, d1) -> (0, 0)>
#map1 = affine_map<(d0, d1) -> (0, 0, 0)>
module attributes {stable_mosaic.version = 14 : i64} {
  func.func @_s2_body(%arg0: i32, %arg1: i32, %arg2: memref<50000x32xf32, #tpu.memory_space<hbm>>, %arg3: memref<50000x32xf32, #tpu.memory_space<hbm>>, %arg4: memref<50000x32xf32, #tpu.memory_space<hbm>>, %arg5: memref<50000x32xf32, #tpu.memory_space<hbm>>, %arg6: memref<50000x32xf32, #tpu.memory_space<hbm>>, %arg7: memref<50000x32xf32, #tpu.memory_space<hbm>>, %arg8: memref<50000x32xf32, #tpu.memory_space<hbm>>, %arg9: memref<50000x32xf32, #tpu.memory_space<hbm>>, %arg10: memref<512x25x125xi32, #tpu.memory_space<hbm>>, %arg11: memref<512x25x125xi32, #tpu.memory_space<hbm>>, %arg12: memref<3125x32xf32, #tpu.memory_space<hbm>>, %arg13: memref<50000x32xf32, #tpu.memory_space<hbm>>, %arg14: memref<50000x32xf32, #tpu.memory_space<hbm>>, %arg15: memref<50000x32xf32, #tpu.memory_space<hbm>>, %arg16: memref<50000x32xf32, #tpu.memory_space<hbm>>, %arg17: memref<50000x32xf32, #tpu.memory_space<hbm>>, %arg18: memref<50000x32xf32, #tpu.memory_space<hbm>>, %arg19: memref<50000x32xf32, #tpu.memory_space<hbm>>, %arg20: memref<50000x32xf32, #tpu.memory_space<hbm>>, %arg21: memref<25x125xi32, #tpu.memory_space<vmem>>, %arg22: memref<25x125xi32, #tpu.memory_space<vmem>>, %arg23: memref<125x32xf32, #tpu.memory_space<vmem>>, %arg24: memref<!tpu.dma_semaphore, #tpu.memory_space<semaphore_mem>>, %arg25: memref<50000x32xf32, #tpu.memory_space<vmem_shared>>) attributes {dimension_semantics = [#tpu.dimension_semantics<core_parallel>, #tpu.dimension_semantics<subcore_parallel>], iteration_bounds = array<i64: 2, 16>, scalar_prefetch = 0 : i64, scratch_operands = 5 : i64, tpu.core_type = #tpu.core_type<sc_vector_subcore>, window_params = [{transform_indices = #map}, {transform_indices = #map}, {transform_indices = #map}, {transform_indices = #map}, {transform_indices = #map}, {transform_indices = #map}, {transform_indices = #map}, {transform_indices = #map}, {transform_indices = #map1}, {transform_indices = #map1}, {transform_indices = #map}, {transform_indices = #map}, {transform_indices = #map}, {transform_indices = #map}, {transform_indices = #map}, {transform_indices = #map}, {transform_indices = #map}, {transform_indices = #map}, {transform_indices = #map}]} {
    %mul3A = arith.constant 3125 : i32
    %mul3A_0 = arith.muli %arg1, %mul3A : i32
    %eq3A = arith.constant 0 : i32
    %eq3A_1 = arith.cmpi eq, %arg0, %eq3A : i32
    %convert_element_type3A = arith.extui %eq3A_1 : i1 to i32
    %cond3A = arith.constant 0 : i32
    %cond3A_2 = arith.cmpi ne, %convert_element_type3A, %cond3A : i32
    scf.if %cond3A_2 {
      "tpu.region"() ({
        %run_scoped3A = tpu.sem_alloc : memref<!tpu.dma_semaphore, #tpu.memory_space<semaphore_mem>>
        %dma_start3A = arith.constant 0 : i32
        %dma_start3A_45 = tpu.memref_slice %arg25[%mul3A_0, %dma_start3A] : memref<50000x32xf32, #tpu.memory_space<vmem_shared>> -> memref<3125x32xf32, #tpu.memory_space<vmem_shared>>
        tpu.enqueue_dma source(%arg12 : memref<3125x32xf32, #tpu.memory_space<hbm>>) target(%dma_start3A_45 : memref<3125x32xf32, #tpu.memory_space<vmem_shared>>) target_semaphore(%run_scoped3A : memref<!tpu.dma_semaphore, #tpu.memory_space<semaphore_mem>>)
        %dma_wait3A = arith.constant 0 : i32
        %dma_wait3A_46 = tpu.memref_slice %arg25[%mul3A_0, %dma_wait3A] : memref<50000x32xf32, #tpu.memory_space<vmem_shared>> -> memref<3125x32xf32, #tpu.memory_space<vmem_shared>>
        tpu.wait_dma2 semaphore(%run_scoped3A : memref<!tpu.dma_semaphore, #tpu.memory_space<semaphore_mem>>) src(%arg12 : memref<3125x32xf32, #tpu.memory_space<hbm>>) dst(%dma_wait3A_46 : memref<3125x32xf32, #tpu.memory_space<vmem_shared>>)
        tpu.yield
      }) : () -> ()
      %barrier3A = arith.constant 0 : index
      tpu.barrier barrier_id(%barrier3A)
      %scan3A = arith.constant 0 : i32
      %scan3A_38 = arith.constant 0 : i32
      %scan3A_39 = arith.constant 32 : i32
      %scan3A_40 = arith.addi %scan3A_38, %scan3A_39 : i32
      %scan3A_41 = arith.constant 1 : i32
      scf.for %scan3A_45 = %scan3A_38 to %scan3A_40 step %scan3A_41  : i32 {
        %mul3A_46 = arith.constant 32 : i32
        %mul3A_47 = arith.muli %arg1, %mul3A_46 : i32
        %add3A = arith.addi %mul3A_47, %scan3A_45 : i32
        "tpu.region"() ({
          %run_scoped3A = tpu.sem_alloc : memref<!tpu.dma_semaphore, #tpu.memory_space<semaphore_mem>>
          %dma_start3A = arith.constant 0 : i32
          %dma_start3A_54 = arith.constant 0 : i32
          %dma_start3A_55 = tpu.memref_slice %arg10[%add3A, %dma_start3A, %dma_start3A_54] : memref<512x25x125xi32, #tpu.memory_space<hbm>> -> memref<1x25x125xi32, #tpu.memory_space<hbm>>
          %dma_start3A_56 = tpu.memref_squeeze %dma_start3A_55 : memref<1x25x125xi32, #tpu.memory_space<hbm>> -> memref<25x125xi32, #tpu.memory_space<hbm>>
          %dma_start3A_57 = arith.constant 0 : i32
          %dma_start3A_58 = arith.constant 0 : i32
          %dma_start3A_59 = tpu.memref_slice %arg10[%add3A, %dma_start3A_57, %dma_start3A_58] : memref<512x25x125xi32, #tpu.memory_space<hbm>> -> memref<1x25x125xi32, #tpu.memory_space<hbm>>
          %dma_start3A_60 = tpu.memref_squeeze %dma_start3A_59 : memref<1x25x125xi32, #tpu.memory_space<hbm>> -> memref<25x125xi32, #tpu.memory_space<hbm>>
          tpu.enqueue_dma source(%dma_start3A_60 : memref<25x125xi32, #tpu.memory_space<hbm>>) target(%arg21 : memref<25x125xi32, #tpu.memory_space<vmem>>) target_semaphore(%run_scoped3A : memref<!tpu.dma_semaphore, #tpu.memory_space<semaphore_mem>>)
          %dma_wait3A = arith.constant 0 : i32
          %dma_wait3A_61 = arith.constant 0 : i32
          %dma_wait3A_62 = tpu.memref_slice %arg10[%add3A, %dma_wait3A, %dma_wait3A_61] : memref<512x25x125xi32, #tpu.memory_space<hbm>> -> memref<1x25x125xi32, #tpu.memory_space<hbm>>
          %dma_wait3A_63 = tpu.memref_squeeze %dma_wait3A_62 : memref<1x25x125xi32, #tpu.memory_space<hbm>> -> memref<25x125xi32, #tpu.memory_space<hbm>>
          %dma_wait3A_64 = arith.constant 0 : i32
          %dma_wait3A_65 = arith.constant 0 : i32
          %dma_wait3A_66 = tpu.memref_slice %arg10[%add3A, %dma_wait3A_64, %dma_wait3A_65] : memref<512x25x125xi32, #tpu.memory_space<hbm>> -> memref<1x25x125xi32, #tpu.memory_space<hbm>>
          %dma_wait3A_67 = tpu.memref_squeeze %dma_wait3A_66 : memref<1x25x125xi32, #tpu.memory_space<hbm>> -> memref<25x125xi32, #tpu.memory_space<hbm>>
          tpu.wait_dma2 semaphore(%run_scoped3A : memref<!tpu.dma_semaphore, #tpu.memory_space<semaphore_mem>>) src(%dma_wait3A_67 : memref<25x125xi32, #tpu.memory_space<hbm>>) dst(%arg21 : memref<25x125xi32, #tpu.memory_space<vmem>>)
          tpu.yield
        }) : () -> ()
        "tpu.region"() ({
          %run_scoped3A = tpu.sem_alloc : memref<!tpu.dma_semaphore, #tpu.memory_space<semaphore_mem>>
          %dma_start3A = arith.constant 0 : i32
          %dma_start3A_54 = arith.constant 0 : i32
          %dma_start3A_55 = tpu.memref_slice %arg11[%add3A, %dma_start3A, %dma_start3A_54] : memref<512x25x125xi32, #tpu.memory_space<hbm>> -> memref<1x25x125xi32, #tpu.memory_space<hbm>>
          %dma_start3A_56 = tpu.memref_squeeze %dma_start3A_55 : memref<1x25x125xi32, #tpu.memory_space<hbm>> -> memref<25x125xi32, #tpu.memory_space<hbm>>
          %dma_start3A_57 = arith.constant 0 : i32
          %dma_start3A_58 = arith.constant 0 : i32
          %dma_start3A_59 = tpu.memref_slice %arg11[%add3A, %dma_start3A_57, %dma_start3A_58] : memref<512x25x125xi32, #tpu.memory_space<hbm>> -> memref<1x25x125xi32, #tpu.memory_space<hbm>>
          %dma_start3A_60 = tpu.memref_squeeze %dma_start3A_59 : memref<1x25x125xi32, #tpu.memory_space<hbm>> -> memref<25x125xi32, #tpu.memory_space<hbm>>
          tpu.enqueue_dma source(%dma_start3A_60 : memref<25x125xi32, #tpu.memory_space<hbm>>) target(%arg22 : memref<25x125xi32, #tpu.memory_space<vmem>>) target_semaphore(%run_scoped3A : memref<!tpu.dma_semaphore, #tpu.memory_space<semaphore_mem>>)
          %dma_wait3A = arith.constant 0 : i32
          %dma_wait3A_61 = arith.constant 0 : i32
          %dma_wait3A_62 = tpu.memref_slice %arg11[%add3A, %dma_wait3A, %dma_wait3A_61] : memref<512x25x125xi32, #tpu.memory_space<hbm>> -> memref<1x25x125xi32, #tpu.memory_space<hbm>>
          %dma_wait3A_63 = tpu.memref_squeeze %dma_wait3A_62 : memref<1x25x125xi32, #tpu.memory_space<hbm>> -> memref<25x125xi32, #tpu.memory_space<hbm>>
          %dma_wait3A_64 = arith.constant 0 : i32
          %dma_wait3A_65 = arith.constant 0 : i32
          %dma_wait3A_66 = tpu.memref_slice %arg11[%add3A, %dma_wait3A_64, %dma_wait3A_65] : memref<512x25x125xi32, #tpu.memory_space<hbm>> -> memref<1x25x125xi32, #tpu.memory_space<hbm>>
          %dma_wait3A_67 = tpu.memref_squeeze %dma_wait3A_66 : memref<1x25x125xi32, #tpu.memory_space<hbm>> -> memref<25x125xi32, #tpu.memory_space<hbm>>
          tpu.wait_dma2 semaphore(%run_scoped3A : memref<!tpu.dma_semaphore, #tpu.memory_space<semaphore_mem>>) src(%dma_wait3A_67 : memref<25x125xi32, #tpu.memory_space<hbm>>) dst(%arg22 : memref<25x125xi32, #tpu.memory_space<vmem>>)
          tpu.yield
        }) : () -> ()
        %scan3A_48 = arith.constant 0 : i32
        %scan3A_49 = arith.constant 0 : i32
        %scan3A_50 = arith.constant 25 : i32
        %scan3A_51 = arith.addi %scan3A_49, %scan3A_50 : i32
        %scan3A_52 = arith.constant 1 : i32
        scf.for %scan3A_54 = %scan3A_49 to %scan3A_51 step %scan3A_52  : i32 {
          %dma_start3A = arith.constant 0 : i32
          %dma_start3A_55 = tpu.memref_slice %arg21[%scan3A_54, %dma_start3A] : memref<25x125xi32, #tpu.memory_space<vmem>> -> memref<1x125xi32, #tpu.memory_space<vmem>>
          %dma_start3A_56 = tpu.memref_squeeze %dma_start3A_55 : memref<1x125xi32, #tpu.memory_space<vmem>> -> memref<125xi32, #tpu.memory_space<vmem>>
          %dma_start3A_57 = arith.constant 0 : i32
          %dma_start3A_58 = arith.constant 0 : i32
          %dma_start3A_59 = tpu.memref_slice %arg2[%dma_start3A_57, %dma_start3A_58] : memref<50000x32xf32, #tpu.memory_space<hbm>> -> memref<50000x32xf32, #tpu.memory_space<hbm>>
          tpu.enqueue_indirect_dma source(%dma_start3A_59 : memref<50000x32xf32, #tpu.memory_space<hbm>>) target(%arg23 : memref<125x32xf32, #tpu.memory_space<vmem>>) offsets(%dma_start3A_56 : memref<125xi32, #tpu.memory_space<vmem>>) semaphore(%arg24 : memref<!tpu.dma_semaphore, #tpu.memory_space<semaphore_mem>>)
          %dma_wait3A = arith.constant 0 : i32
          %dma_wait3A_60 = tpu.memref_slice %arg21[%scan3A_54, %dma_wait3A] : memref<25x125xi32, #tpu.memory_space<vmem>> -> memref<1x125xi32, #tpu.memory_space<vmem>>
          %dma_wait3A_61 = tpu.memref_squeeze %dma_wait3A_60 : memref<1x125xi32, #tpu.memory_space<vmem>> -> memref<125xi32, #tpu.memory_space<vmem>>
          %dma_wait3A_62 = arith.constant 0 : i32
          %dma_wait3A_63 = arith.constant 0 : i32
          %dma_wait3A_64 = tpu.memref_slice %arg2[%dma_wait3A_62, %dma_wait3A_63] : memref<50000x32xf32, #tpu.memory_space<hbm>> -> memref<50000x32xf32, #tpu.memory_space<hbm>>
          tpu.wait_indirect_dma semaphore(%arg24 : memref<!tpu.dma_semaphore, #tpu.memory_space<semaphore_mem>>) src(%dma_wait3A_64 : memref<50000x32xf32, #tpu.memory_space<hbm>>) dst(%arg23 : memref<125x32xf32, #tpu.memory_space<vmem>>)
          "tpu.region"() ({
            %run_scoped3A = tpu.sem_alloc : memref<!tpu.dma_semaphore, #tpu.memory_space<semaphore_mem>>
            %dma_start3A_65 = arith.constant 0 : i32
            %dma_start3A_66 = tpu.memref_slice %arg22[%scan3A_54, %dma_start3A_65] : memref<25x125xi32, #tpu.memory_space<vmem>> -> memref<1x125xi32, #tpu.memory_space<vmem>>
            %dma_start3A_67 = tpu.memref_squeeze %dma_start3A_66 : memref<1x125xi32, #tpu.memory_space<vmem>> -> memref<125xi32, #tpu.memory_space<vmem>>
            %dma_start3A_68 = arith.constant 0 : i32
            %dma_start3A_69 = arith.constant 0 : i32
            %dma_start3A_70 = tpu.memref_slice %arg25[%dma_start3A_68, %dma_start3A_69] : memref<50000x32xf32, #tpu.memory_space<vmem_shared>> -> memref<50000x32xf32, #tpu.memory_space<vmem_shared>>
            tpu.enqueue_indirect_dma source(%arg23 : memref<125x32xf32, #tpu.memory_space<vmem>>) target(%dma_start3A_70 : memref<50000x32xf32, #tpu.memory_space<vmem_shared>>) offsets(%dma_start3A_67 : memref<125xi32, #tpu.memory_space<vmem>>) semaphore(%run_scoped3A : memref<!tpu.dma_semaphore, #tpu.memory_space<semaphore_mem>>) {add = true}
            %dma_wait3A_71 = arith.constant 0 : i32
            %dma_wait3A_72 = tpu.memref_slice %arg22[%scan3A_54, %dma_wait3A_71] : memref<25x125xi32, #tpu.memory_space<vmem>> -> memref<1x125xi32, #tpu.memory_space<vmem>>
            %dma_wait3A_73 = tpu.memref_squeeze %dma_wait3A_72 : memref<1x125xi32, #tpu.memory_space<vmem>> -> memref<125xi32, #tpu.memory_space<vmem>>
            %dma_wait3A_74 = arith.constant 0 : i32
            %dma_wait3A_75 = arith.constant 0 : i32
            %dma_wait3A_76 = tpu.memref_slice %arg25[%dma_wait3A_74, %dma_wait3A_75] : memref<50000x32xf32, #tpu.memory_space<vmem_shared>> -> memref<50000x32xf32, #tpu.memory_space<vmem_shared>>
            tpu.wait_indirect_dma semaphore(%run_scoped3A : memref<!tpu.dma_semaphore, #tpu.memory_space<semaphore_mem>>) src(%arg23 : memref<125x32xf32, #tpu.memory_space<vmem>>) dst(%dma_wait3A_76 : memref<50000x32xf32, #tpu.memory_space<vmem_shared>>)
            tpu.yield
          }) : () -> ()
        }
        %scan3A_53 = arith.constant 25 : i32
      }
      %scan3A_42 = arith.constant 32 : i32
      %barrier3A_43 = arith.constant 0 : index
      tpu.barrier barrier_id(%barrier3A_43)
      "tpu.region"() ({
        %run_scoped3A = tpu.sem_alloc : memref<!tpu.dma_semaphore, #tpu.memory_space<semaphore_mem>>
        %dma_start3A = arith.constant 0 : i32
        %dma_start3A_45 = tpu.memref_slice %arg13[%mul3A_0, %dma_start3A] : memref<50000x32xf32, #tpu.memory_space<hbm>> -> memref<3125x32xf32, #tpu.memory_space<hbm>>
        %dma_start3A_46 = arith.constant 0 : i32
        %dma_start3A_47 = tpu.memref_slice %arg25[%mul3A_0, %dma_start3A_46] : memref<50000x32xf32, #tpu.memory_space<vmem_shared>> -> memref<3125x32xf32, #tpu.memory_space<vmem_shared>>
        tpu.enqueue_dma source(%dma_start3A_47 : memref<3125x32xf32, #tpu.memory_space<vmem_shared>>) target(%dma_start3A_45 : memref<3125x32xf32, #tpu.memory_space<hbm>>) target_semaphore(%run_scoped3A : memref<!tpu.dma_semaphore, #tpu.memory_space<semaphore_mem>>)
        %dma_wait3A = arith.constant 0 : i32
        %dma_wait3A_48 = tpu.memref_slice %arg13[%mul3A_0, %dma_wait3A] : memref<50000x32xf32, #tpu.memory_space<hbm>> -> memref<3125x32xf32, #tpu.memory_space<hbm>>
        %dma_wait3A_49 = arith.constant 0 : i32
        %dma_wait3A_50 = tpu.memref_slice %arg25[%mul3A_0, %dma_wait3A_49] : memref<50000x32xf32, #tpu.memory_space<vmem_shared>> -> memref<3125x32xf32, #tpu.memory_space<vmem_shared>>
        tpu.wait_dma2 semaphore(%run_scoped3A : memref<!tpu.dma_semaphore, #tpu.memory_space<semaphore_mem>>) src(%dma_wait3A_50 : memref<3125x32xf32, #tpu.memory_space<vmem_shared>>) dst(%dma_wait3A_48 : memref<3125x32xf32, #tpu.memory_space<hbm>>)
        tpu.yield
      }) : () -> ()
      %barrier3A_44 = arith.constant 0 : index
      tpu.barrier barrier_id(%barrier3A_44)
    } else {
    }
    %eq3A_3 = arith.constant 0 : i32
    %eq3A_4 = arith.cmpi eq, %arg0, %eq3A_3 : i32
    %convert_element_type3A_5 = arith.extui %eq3A_4 : i1 to i32
    %cond3A_6 = arith.constant 0 : i32
    %cond3A_7 = arith.cmpi ne, %convert_element_type3A_5, %cond3A_6 : i32
    scf.if %cond3A_7 {
      "tpu.region"() ({
        %run_scoped3A = tpu.sem_alloc : memref<!tpu.dma_semaphore, #tpu.memory_space<semaphore_mem>>
        %dma_start3A = arith.constant 0 : i32
        %dma_start3A_45 = tpu.memref_slice %arg25[%mul3A_0, %dma_start3A] : memref<50000x32xf32, #tpu.memory_space<vmem_shared>> -> memref<3125x32xf32, #tpu.memory_space<vmem_shared>>
        tpu.enqueue_dma source(%arg12 : memref<3125x32xf32, #tpu.memory_space<hbm>>) target(%dma_start3A_45 : memref<3125x32xf32, #tpu.memory_space<vmem_shared>>) target_semaphore(%run_scoped3A : memref<!tpu.dma_semaphore, #tpu.memory_space<semaphore_mem>>)
        %dma_wait3A = arith.constant 0 : i32
        %dma_wait3A_46 = tpu.memref_slice %arg25[%mul3A_0, %dma_wait3A] : memref<50000x32xf32, #tpu.memory_space<vmem_shared>> -> memref<3125x32xf32, #tpu.memory_space<vmem_shared>>
        tpu.wait_dma2 semaphore(%run_scoped3A : memref<!tpu.dma_semaphore, #tpu.memory_space<semaphore_mem>>) src(%arg12 : memref<3125x32xf32, #tpu.memory_space<hbm>>) dst(%dma_wait3A_46 : memref<3125x32xf32, #tpu.memory_space<vmem_shared>>)
        tpu.yield
      }) : () -> ()
      %barrier3A = arith.constant 0 : index
      tpu.barrier barrier_id(%barrier3A)
      %scan3A = arith.constant 0 : i32
      %scan3A_38 = arith.constant 0 : i32
      %scan3A_39 = arith.constant 32 : i32
      %scan3A_40 = arith.addi %scan3A_38, %scan3A_39 : i32
      %scan3A_41 = arith.constant 1 : i32
      scf.for %scan3A_45 = %scan3A_38 to %scan3A_40 step %scan3A_41  : i32 {
        %mul3A_46 = arith.constant 32 : i32
        %mul3A_47 = arith.muli %arg1, %mul3A_46 : i32
        %add3A = arith.addi %mul3A_47, %scan3A_45 : i32
        "tpu.region"() ({
          %run_scoped3A = tpu.sem_alloc : memref<!tpu.dma_semaphore, #tpu.memory_space<semaphore_mem>>
          %dma_start3A = arith.constant 0 : i32
          %dma_start3A_54 = arith.constant 0 : i32
          %dma_start3A_55 = tpu.memref_slice %arg10[%add3A, %dma_start3A, %dma_start3A_54] : memref<512x25x125xi32, #tpu.memory_space<hbm>> -> memref<1x25x125xi32, #tpu.memory_space<hbm>>
          %dma_start3A_56 = tpu.memref_squeeze %dma_start3A_55 : memref<1x25x125xi32, #tpu.memory_space<hbm>> -> memref<25x125xi32, #tpu.memory_space<hbm>>
          %dma_start3A_57 = arith.constant 0 : i32
          %dma_start3A_58 = arith.constant 0 : i32
          %dma_start3A_59 = tpu.memref_slice %arg10[%add3A, %dma_start3A_57, %dma_start3A_58] : memref<512x25x125xi32, #tpu.memory_space<hbm>> -> memref<1x25x125xi32, #tpu.memory_space<hbm>>
          %dma_start3A_60 = tpu.memref_squeeze %dma_start3A_59 : memref<1x25x125xi32, #tpu.memory_space<hbm>> -> memref<25x125xi32, #tpu.memory_space<hbm>>
          tpu.enqueue_dma source(%dma_start3A_60 : memref<25x125xi32, #tpu.memory_space<hbm>>) target(%arg21 : memref<25x125xi32, #tpu.memory_space<vmem>>) target_semaphore(%run_scoped3A : memref<!tpu.dma_semaphore, #tpu.memory_space<semaphore_mem>>)
          %dma_wait3A = arith.constant 0 : i32
          %dma_wait3A_61 = arith.constant 0 : i32
          %dma_wait3A_62 = tpu.memref_slice %arg10[%add3A, %dma_wait3A, %dma_wait3A_61] : memref<512x25x125xi32, #tpu.memory_space<hbm>> -> memref<1x25x125xi32, #tpu.memory_space<hbm>>
          %dma_wait3A_63 = tpu.memref_squeeze %dma_wait3A_62 : memref<1x25x125xi32, #tpu.memory_space<hbm>> -> memref<25x125xi32, #tpu.memory_space<hbm>>
          %dma_wait3A_64 = arith.constant 0 : i32
          %dma_wait3A_65 = arith.constant 0 : i32
          %dma_wait3A_66 = tpu.memref_slice %arg10[%add3A, %dma_wait3A_64, %dma_wait3A_65] : memref<512x25x125xi32, #tpu.memory_space<hbm>> -> memref<1x25x125xi32, #tpu.memory_space<hbm>>
          %dma_wait3A_67 = tpu.memref_squeeze %dma_wait3A_66 : memref<1x25x125xi32, #tpu.memory_space<hbm>> -> memref<25x125xi32, #tpu.memory_space<hbm>>
          tpu.wait_dma2 semaphore(%run_scoped3A : memref<!tpu.dma_semaphore, #tpu.memory_space<semaphore_mem>>) src(%dma_wait3A_67 : memref<25x125xi32, #tpu.memory_space<hbm>>) dst(%arg21 : memref<25x125xi32, #tpu.memory_space<vmem>>)
          tpu.yield
        }) : () -> ()
        "tpu.region"() ({
          %run_scoped3A = tpu.sem_alloc : memref<!tpu.dma_semaphore, #tpu.memory_space<semaphore_mem>>
          %dma_start3A = arith.constant 0 : i32
          %dma_start3A_54 = arith.constant 0 : i32
          %dma_start3A_55 = tpu.memref_slice %arg11[%add3A, %dma_start3A, %dma_start3A_54] : memref<512x25x125xi32, #tpu.memory_space<hbm>> -> memref<1x25x125xi32, #tpu.memory_space<hbm>>
          %dma_start3A_56 = tpu.memref_squeeze %dma_start3A_55 : memref<1x25x125xi32, #tpu.memory_space<hbm>> -> memref<25x125xi32, #tpu.memory_space<hbm>>
          %dma_start3A_57 = arith.constant 0 : i32
          %dma_start3A_58 = arith.constant 0 : i32
          %dma_start3A_59 = tpu.memref_slice %arg11[%add3A, %dma_start3A_57, %dma_start3A_58] : memref<512x25x125xi32, #tpu.memory_space<hbm>> -> memref<1x25x125xi32, #tpu.memory_space<hbm>>
          %dma_start3A_60 = tpu.memref_squeeze %dma_start3A_59 : memref<1x25x125xi32, #tpu.memory_space<hbm>> -> memref<25x125xi32, #tpu.memory_space<hbm>>
          tpu.enqueue_dma source(%dma_start3A_60 : memref<25x125xi32, #tpu.memory_space<hbm>>) target(%arg22 : memref<25x125xi32, #tpu.memory_space<vmem>>) target_semaphore(%run_scoped3A : memref<!tpu.dma_semaphore, #tpu.memory_space<semaphore_mem>>)
          %dma_wait3A = arith.constant 0 : i32
          %dma_wait3A_61 = arith.constant 0 : i32
          %dma_wait3A_62 = tpu.memref_slice %arg11[%add3A, %dma_wait3A, %dma_wait3A_61] : memref<512x25x125xi32, #tpu.memory_space<hbm>> -> memref<1x25x125xi32, #tpu.memory_space<hbm>>
          %dma_wait3A_63 = tpu.memref_squeeze %dma_wait3A_62 : memref<1x25x125xi32, #tpu.memory_space<hbm>> -> memref<25x125xi32, #tpu.memory_space<hbm>>
          %dma_wait3A_64 = arith.constant 0 : i32
          %dma_wait3A_65 = arith.constant 0 : i32
          %dma_wait3A_66 = tpu.memref_slice %arg11[%add3A, %dma_wait3A_64, %dma_wait3A_65] : memref<512x25x125xi32, #tpu.memory_space<hbm>> -> memref<1x25x125xi32, #tpu.memory_space<hbm>>
          %dma_wait3A_67 = tpu.memref_squeeze %dma_wait3A_66 : memref<1x25x125xi32, #tpu.memory_space<hbm>> -> memref<25x125xi32, #tpu.memory_space<hbm>>
          tpu.wait_dma2 semaphore(%run_scoped3A : memref<!tpu.dma_semaphore, #tpu.memory_space<semaphore_mem>>) src(%dma_wait3A_67 : memref<25x125xi32, #tpu.memory_space<hbm>>) dst(%arg22 : memref<25x125xi32, #tpu.memory_space<vmem>>)
          tpu.yield
        }) : () -> ()
        %scan3A_48 = arith.constant 0 : i32
        %scan3A_49 = arith.constant 0 : i32
        %scan3A_50 = arith.constant 25 : i32
        %scan3A_51 = arith.addi %scan3A_49, %scan3A_50 : i32
        %scan3A_52 = arith.constant 1 : i32
        scf.for %scan3A_54 = %scan3A_49 to %scan3A_51 step %scan3A_52  : i32 {
          %dma_start3A = arith.constant 0 : i32
          %dma_start3A_55 = tpu.memref_slice %arg21[%scan3A_54, %dma_start3A] : memref<25x125xi32, #tpu.memory_space<vmem>> -> memref<1x125xi32, #tpu.memory_space<vmem>>
          %dma_start3A_56 = tpu.memref_squeeze %dma_start3A_55 : memref<1x125xi32, #tpu.memory_space<vmem>> -> memref<125xi32, #tpu.memory_space<vmem>>
          %dma_start3A_57 = arith.constant 0 : i32
          %dma_start3A_58 = arith.constant 0 : i32
          %dma_start3A_59 = tpu.memref_slice %arg3[%dma_start3A_57, %dma_start3A_58] : memref<50000x32xf32, #tpu.memory_space<hbm>> -> memref<50000x32xf32, #tpu.memory_space<hbm>>
          tpu.enqueue_indirect_dma source(%dma_start3A_59 : memref<50000x32xf32, #tpu.memory_space<hbm>>) target(%arg23 : memref<125x32xf32, #tpu.memory_space<vmem>>) offsets(%dma_start3A_56 : memref<125xi32, #tpu.memory_space<vmem>>) semaphore(%arg24 : memref<!tpu.dma_semaphore, #tpu.memory_space<semaphore_mem>>)
          %dma_wait3A = arith.constant 0 : i32
          %dma_wait3A_60 = tpu.memref_slice %arg21[%scan3A_54, %dma_wait3A] : memref<25x125xi32, #tpu.memory_space<vmem>> -> memref<1x125xi32, #tpu.memory_space<vmem>>
          %dma_wait3A_61 = tpu.memref_squeeze %dma_wait3A_60 : memref<1x125xi32, #tpu.memory_space<vmem>> -> memref<125xi32, #tpu.memory_space<vmem>>
          %dma_wait3A_62 = arith.constant 0 : i32
          %dma_wait3A_63 = arith.constant 0 : i32
          %dma_wait3A_64 = tpu.memref_slice %arg3[%dma_wait3A_62, %dma_wait3A_63] : memref<50000x32xf32, #tpu.memory_space<hbm>> -> memref<50000x32xf32, #tpu.memory_space<hbm>>
          tpu.wait_indirect_dma semaphore(%arg24 : memref<!tpu.dma_semaphore, #tpu.memory_space<semaphore_mem>>) src(%dma_wait3A_64 : memref<50000x32xf32, #tpu.memory_space<hbm>>) dst(%arg23 : memref<125x32xf32, #tpu.memory_space<vmem>>)
          "tpu.region"() ({
            %run_scoped3A = tpu.sem_alloc : memref<!tpu.dma_semaphore, #tpu.memory_space<semaphore_mem>>
            %dma_start3A_65 = arith.constant 0 : i32
            %dma_start3A_66 = tpu.memref_slice %arg22[%scan3A_54, %dma_start3A_65] : memref<25x125xi32, #tpu.memory_space<vmem>> -> memref<1x125xi32, #tpu.memory_space<vmem>>
            %dma_start3A_67 = tpu.memref_squeeze %dma_start3A_66 : memref<1x125xi32, #tpu.memory_space<vmem>> -> memref<125xi32, #tpu.memory_space<vmem>>
            %dma_start3A_68 = arith.constant 0 : i32
            %dma_start3A_69 = arith.constant 0 : i32
            %dma_start3A_70 = tpu.memref_slice %arg25[%dma_start3A_68, %dma_start3A_69] : memref<50000x32xf32, #tpu.memory_space<vmem_shared>> -> memref<50000x32xf32, #tpu.memory_space<vmem_shared>>
            tpu.enqueue_indirect_dma source(%arg23 : memref<125x32xf32, #tpu.memory_space<vmem>>) target(%dma_start3A_70 : memref<50000x32xf32, #tpu.memory_space<vmem_shared>>) offsets(%dma_start3A_67 : memref<125xi32, #tpu.memory_space<vmem>>) semaphore(%run_scoped3A : memref<!tpu.dma_semaphore, #tpu.memory_space<semaphore_mem>>) {add = true}
            %dma_wait3A_71 = arith.constant 0 : i32
            %dma_wait3A_72 = tpu.memref_slice %arg22[%scan3A_54, %dma_wait3A_71] : memref<25x125xi32, #tpu.memory_space<vmem>> -> memref<1x125xi32, #tpu.memory_space<vmem>>
            %dma_wait3A_73 = tpu.memref_squeeze %dma_wait3A_72 : memref<1x125xi32, #tpu.memory_space<vmem>> -> memref<125xi32, #tpu.memory_space<vmem>>
            %dma_wait3A_74 = arith.constant 0 : i32
            %dma_wait3A_75 = arith.constant 0 : i32
            %dma_wait3A_76 = tpu.memref_slice %arg25[%dma_wait3A_74, %dma_wait3A_75] : memref<50000x32xf32, #tpu.memory_space<vmem_shared>> -> memref<50000x32xf32, #tpu.memory_space<vmem_shared>>
            tpu.wait_indirect_dma semaphore(%run_scoped3A : memref<!tpu.dma_semaphore, #tpu.memory_space<semaphore_mem>>) src(%arg23 : memref<125x32xf32, #tpu.memory_space<vmem>>) dst(%dma_wait3A_76 : memref<50000x32xf32, #tpu.memory_space<vmem_shared>>)
            tpu.yield
          }) : () -> ()
        }
        %scan3A_53 = arith.constant 25 : i32
      }
      %scan3A_42 = arith.constant 32 : i32
      %barrier3A_43 = arith.constant 0 : index
      tpu.barrier barrier_id(%barrier3A_43)
      "tpu.region"() ({
        %run_scoped3A = tpu.sem_alloc : memref<!tpu.dma_semaphore, #tpu.memory_space<semaphore_mem>>
        %dma_start3A = arith.constant 0 : i32
        %dma_start3A_45 = tpu.memref_slice %arg14[%mul3A_0, %dma_start3A] : memref<50000x32xf32, #tpu.memory_space<hbm>> -> memref<3125x32xf32, #tpu.memory_space<hbm>>
        %dma_start3A_46 = arith.constant 0 : i32
        %dma_start3A_47 = tpu.memref_slice %arg25[%mul3A_0, %dma_start3A_46] : memref<50000x32xf32, #tpu.memory_space<vmem_shared>> -> memref<3125x32xf32, #tpu.memory_space<vmem_shared>>
        tpu.enqueue_dma source(%dma_start3A_47 : memref<3125x32xf32, #tpu.memory_space<vmem_shared>>) target(%dma_start3A_45 : memref<3125x32xf32, #tpu.memory_space<hbm>>) target_semaphore(%run_scoped3A : memref<!tpu.dma_semaphore, #tpu.memory_space<semaphore_mem>>)
        %dma_wait3A = arith.constant 0 : i32
        %dma_wait3A_48 = tpu.memref_slice %arg14[%mul3A_0, %dma_wait3A] : memref<50000x32xf32, #tpu.memory_space<hbm>> -> memref<3125x32xf32, #tpu.memory_space<hbm>>
        %dma_wait3A_49 = arith.constant 0 : i32
        %dma_wait3A_50 = tpu.memref_slice %arg25[%mul3A_0, %dma_wait3A_49] : memref<50000x32xf32, #tpu.memory_space<vmem_shared>> -> memref<3125x32xf32, #tpu.memory_space<vmem_shared>>
        tpu.wait_dma2 semaphore(%run_scoped3A : memref<!tpu.dma_semaphore, #tpu.memory_space<semaphore_mem>>) src(%dma_wait3A_50 : memref<3125x32xf32, #tpu.memory_space<vmem_shared>>) dst(%dma_wait3A_48 : memref<3125x32xf32, #tpu.memory_space<hbm>>)
        tpu.yield
      }) : () -> ()
      %barrier3A_44 = arith.constant 0 : index
      tpu.barrier barrier_id(%barrier3A_44)
    } else {
    }
    %eq3A_8 = arith.constant 0 : i32
    %eq3A_9 = arith.cmpi eq, %arg0, %eq3A_8 : i32
    %convert_element_type3A_10 = arith.extui %eq3A_9 : i1 to i32
    %cond3A_11 = arith.constant 0 : i32
    %cond3A_12 = arith.cmpi ne, %convert_element_type3A_10, %cond3A_11 : i32
    scf.if %cond3A_12 {
      "tpu.region"() ({
        %run_scoped3A = tpu.sem_alloc : memref<!tpu.dma_semaphore, #tpu.memory_space<semaphore_mem>>
        %dma_start3A = arith.constant 0 : i32
        %dma_start3A_45 = tpu.memref_slice %arg25[%mul3A_0, %dma_start3A] : memref<50000x32xf32, #tpu.memory_space<vmem_shared>> -> memref<3125x32xf32, #tpu.memory_space<vmem_shared>>
        tpu.enqueue_dma source(%arg12 : memref<3125x32xf32, #tpu.memory_space<hbm>>) target(%dma_start3A_45 : memref<3125x32xf32, #tpu.memory_space<vmem_shared>>) target_semaphore(%run_scoped3A : memref<!tpu.dma_semaphore, #tpu.memory_space<semaphore_mem>>)
        %dma_wait3A = arith.constant 0 : i32
        %dma_wait3A_46 = tpu.memref_slice %arg25[%mul3A_0, %dma_wait3A] : memref<50000x32xf32, #tpu.memory_space<vmem_shared>> -> memref<3125x32xf32, #tpu.memory_space<vmem_shared>>
        tpu.wait_dma2 semaphore(%run_scoped3A : memref<!tpu.dma_semaphore, #tpu.memory_space<semaphore_mem>>) src(%arg12 : memref<3125x32xf32, #tpu.memory_space<hbm>>) dst(%dma_wait3A_46 : memref<3125x32xf32, #tpu.memory_space<vmem_shared>>)
        tpu.yield
      }) : () -> ()
      %barrier3A = arith.constant 0 : index
      tpu.barrier barrier_id(%barrier3A)
      %scan3A = arith.constant 0 : i32
      %scan3A_38 = arith.constant 0 : i32
      %scan3A_39 = arith.constant 32 : i32
      %scan3A_40 = arith.addi %scan3A_38, %scan3A_39 : i32
      %scan3A_41 = arith.constant 1 : i32
      scf.for %scan3A_45 = %scan3A_38 to %scan3A_40 step %scan3A_41  : i32 {
        %mul3A_46 = arith.constant 32 : i32
        %mul3A_47 = arith.muli %arg1, %mul3A_46 : i32
        %add3A = arith.addi %mul3A_47, %scan3A_45 : i32
        "tpu.region"() ({
          %run_scoped3A = tpu.sem_alloc : memref<!tpu.dma_semaphore, #tpu.memory_space<semaphore_mem>>
          %dma_start3A = arith.constant 0 : i32
          %dma_start3A_54 = arith.constant 0 : i32
          %dma_start3A_55 = tpu.memref_slice %arg10[%add3A, %dma_start3A, %dma_start3A_54] : memref<512x25x125xi32, #tpu.memory_space<hbm>> -> memref<1x25x125xi32, #tpu.memory_space<hbm>>
          %dma_start3A_56 = tpu.memref_squeeze %dma_start3A_55 : memref<1x25x125xi32, #tpu.memory_space<hbm>> -> memref<25x125xi32, #tpu.memory_space<hbm>>
          %dma_start3A_57 = arith.constant 0 : i32
          %dma_start3A_58 = arith.constant 0 : i32
          %dma_start3A_59 = tpu.memref_slice %arg10[%add3A, %dma_start3A_57, %dma_start3A_58] : memref<512x25x125xi32, #tpu.memory_space<hbm>> -> memref<1x25x125xi32, #tpu.memory_space<hbm>>
          %dma_start3A_60 = tpu.memref_squeeze %dma_start3A_59 : memref<1x25x125xi32, #tpu.memory_space<hbm>> -> memref<25x125xi32, #tpu.memory_space<hbm>>
          tpu.enqueue_dma source(%dma_start3A_60 : memref<25x125xi32, #tpu.memory_space<hbm>>) target(%arg21 : memref<25x125xi32, #tpu.memory_space<vmem>>) target_semaphore(%run_scoped3A : memref<!tpu.dma_semaphore, #tpu.memory_space<semaphore_mem>>)
          %dma_wait3A = arith.constant 0 : i32
          %dma_wait3A_61 = arith.constant 0 : i32
          %dma_wait3A_62 = tpu.memref_slice %arg10[%add3A, %dma_wait3A, %dma_wait3A_61] : memref<512x25x125xi32, #tpu.memory_space<hbm>> -> memref<1x25x125xi32, #tpu.memory_space<hbm>>
          %dma_wait3A_63 = tpu.memref_squeeze %dma_wait3A_62 : memref<1x25x125xi32, #tpu.memory_space<hbm>> -> memref<25x125xi32, #tpu.memory_space<hbm>>
          %dma_wait3A_64 = arith.constant 0 : i32
          %dma_wait3A_65 = arith.constant 0 : i32
          %dma_wait3A_66 = tpu.memref_slice %arg10[%add3A, %dma_wait3A_64, %dma_wait3A_65] : memref<512x25x125xi32, #tpu.memory_space<hbm>> -> memref<1x25x125xi32, #tpu.memory_space<hbm>>
          %dma_wait3A_67 = tpu.memref_squeeze %dma_wait3A_66 : memref<1x25x125xi32, #tpu.memory_space<hbm>> -> memref<25x125xi32, #tpu.memory_space<hbm>>
          tpu.wait_dma2 semaphore(%run_scoped3A : memref<!tpu.dma_semaphore, #tpu.memory_space<semaphore_mem>>) src(%dma_wait3A_67 : memref<25x125xi32, #tpu.memory_space<hbm>>) dst(%arg21 : memref<25x125xi32, #tpu.memory_space<vmem>>)
          tpu.yield
        }) : () -> ()
        "tpu.region"() ({
          %run_scoped3A = tpu.sem_alloc : memref<!tpu.dma_semaphore, #tpu.memory_space<semaphore_mem>>
          %dma_start3A = arith.constant 0 : i32
          %dma_start3A_54 = arith.constant 0 : i32
          %dma_start3A_55 = tpu.memref_slice %arg11[%add3A, %dma_start3A, %dma_start3A_54] : memref<512x25x125xi32, #tpu.memory_space<hbm>> -> memref<1x25x125xi32, #tpu.memory_space<hbm>>
          %dma_start3A_56 = tpu.memref_squeeze %dma_start3A_55 : memref<1x25x125xi32, #tpu.memory_space<hbm>> -> memref<25x125xi32, #tpu.memory_space<hbm>>
          %dma_start3A_57 = arith.constant 0 : i32
          %dma_start3A_58 = arith.constant 0 : i32
          %dma_start3A_59 = tpu.memref_slice %arg11[%add3A, %dma_start3A_57, %dma_start3A_58] : memref<512x25x125xi32, #tpu.memory_space<hbm>> -> memref<1x25x125xi32, #tpu.memory_space<hbm>>
          %dma_start3A_60 = tpu.memref_squeeze %dma_start3A_59 : memref<1x25x125xi32, #tpu.memory_space<hbm>> -> memref<25x125xi32, #tpu.memory_space<hbm>>
          tpu.enqueue_dma source(%dma_start3A_60 : memref<25x125xi32, #tpu.memory_space<hbm>>) target(%arg22 : memref<25x125xi32, #tpu.memory_space<vmem>>) target_semaphore(%run_scoped3A : memref<!tpu.dma_semaphore, #tpu.memory_space<semaphore_mem>>)
          %dma_wait3A = arith.constant 0 : i32
          %dma_wait3A_61 = arith.constant 0 : i32
          %dma_wait3A_62 = tpu.memref_slice %arg11[%add3A, %dma_wait3A, %dma_wait3A_61] : memref<512x25x125xi32, #tpu.memory_space<hbm>> -> memref<1x25x125xi32, #tpu.memory_space<hbm>>
          %dma_wait3A_63 = tpu.memref_squeeze %dma_wait3A_62 : memref<1x25x125xi32, #tpu.memory_space<hbm>> -> memref<25x125xi32, #tpu.memory_space<hbm>>
          %dma_wait3A_64 = arith.constant 0 : i32
          %dma_wait3A_65 = arith.constant 0 : i32
          %dma_wait3A_66 = tpu.memref_slice %arg11[%add3A, %dma_wait3A_64, %dma_wait3A_65] : memref<512x25x125xi32, #tpu.memory_space<hbm>> -> memref<1x25x125xi32, #tpu.memory_space<hbm>>
          %dma_wait3A_67 = tpu.memref_squeeze %dma_wait3A_66 : memref<1x25x125xi32, #tpu.memory_space<hbm>> -> memref<25x125xi32, #tpu.memory_space<hbm>>
          tpu.wait_dma2 semaphore(%run_scoped3A : memref<!tpu.dma_semaphore, #tpu.memory_space<semaphore_mem>>) src(%dma_wait3A_67 : memref<25x125xi32, #tpu.memory_space<hbm>>) dst(%arg22 : memref<25x125xi32, #tpu.memory_space<vmem>>)
          tpu.yield
        }) : () -> ()
        %scan3A_48 = arith.constant 0 : i32
        %scan3A_49 = arith.constant 0 : i32
        %scan3A_50 = arith.constant 25 : i32
        %scan3A_51 = arith.addi %scan3A_49, %scan3A_50 : i32
        %scan3A_52 = arith.constant 1 : i32
        scf.for %scan3A_54 = %scan3A_49 to %scan3A_51 step %scan3A_52  : i32 {
          %dma_start3A = arith.constant 0 : i32
          %dma_start3A_55 = tpu.memref_slice %arg21[%scan3A_54, %dma_start3A] : memref<25x125xi32, #tpu.memory_space<vmem>> -> memref<1x125xi32, #tpu.memory_space<vmem>>
          %dma_start3A_56 = tpu.memref_squeeze %dma_start3A_55 : memref<1x125xi32, #tpu.memory_space<vmem>> -> memref<125xi32, #tpu.memory_space<vmem>>
          %dma_start3A_57 = arith.constant 0 : i32
          %dma_start3A_58 = arith.constant 0 : i32
          %dma_start3A_59 = tpu.memref_slice %arg4[%dma_start3A_57, %dma_start3A_58] : memref<50000x32xf32, #tpu.memory_space<hbm>> -> memref<50000x32xf32, #tpu.memory_space<hbm>>
          tpu.enqueue_indirect_dma source(%dma_start3A_59 : memref<50000x32xf32, #tpu.memory_space<hbm>>) target(%arg23 : memref<125x32xf32, #tpu.memory_space<vmem>>) offsets(%dma_start3A_56 : memref<125xi32, #tpu.memory_space<vmem>>) semaphore(%arg24 : memref<!tpu.dma_semaphore, #tpu.memory_space<semaphore_mem>>)
          %dma_wait3A = arith.constant 0 : i32
          %dma_wait3A_60 = tpu.memref_slice %arg21[%scan3A_54, %dma_wait3A] : memref<25x125xi32, #tpu.memory_space<vmem>> -> memref<1x125xi32, #tpu.memory_space<vmem>>
          %dma_wait3A_61 = tpu.memref_squeeze %dma_wait3A_60 : memref<1x125xi32, #tpu.memory_space<vmem>> -> memref<125xi32, #tpu.memory_space<vmem>>
          %dma_wait3A_62 = arith.constant 0 : i32
          %dma_wait3A_63 = arith.constant 0 : i32
          %dma_wait3A_64 = tpu.memref_slice %arg4[%dma_wait3A_62, %dma_wait3A_63] : memref<50000x32xf32, #tpu.memory_space<hbm>> -> memref<50000x32xf32, #tpu.memory_space<hbm>>
          tpu.wait_indirect_dma semaphore(%arg24 : memref<!tpu.dma_semaphore, #tpu.memory_space<semaphore_mem>>) src(%dma_wait3A_64 : memref<50000x32xf32, #tpu.memory_space<hbm>>) dst(%arg23 : memref<125x32xf32, #tpu.memory_space<vmem>>)
          "tpu.region"() ({
            %run_scoped3A = tpu.sem_alloc : memref<!tpu.dma_semaphore, #tpu.memory_space<semaphore_mem>>
            %dma_start3A_65 = arith.constant 0 : i32
            %dma_start3A_66 = tpu.memref_slice %arg22[%scan3A_54, %dma_start3A_65] : memref<25x125xi32, #tpu.memory_space<vmem>> -> memref<1x125xi32, #tpu.memory_space<vmem>>
            %dma_start3A_67 = tpu.memref_squeeze %dma_start3A_66 : memref<1x125xi32, #tpu.memory_space<vmem>> -> memref<125xi32, #tpu.memory_space<vmem>>
            %dma_start3A_68 = arith.constant 0 : i32
            %dma_start3A_69 = arith.constant 0 : i32
            %dma_start3A_70 = tpu.memref_slice %arg25[%dma_start3A_68, %dma_start3A_69] : memref<50000x32xf32, #tpu.memory_space<vmem_shared>> -> memref<50000x32xf32, #tpu.memory_space<vmem_shared>>
            tpu.enqueue_indirect_dma source(%arg23 : memref<125x32xf32, #tpu.memory_space<vmem>>) target(%dma_start3A_70 : memref<50000x32xf32, #tpu.memory_space<vmem_shared>>) offsets(%dma_start3A_67 : memref<125xi32, #tpu.memory_space<vmem>>) semaphore(%run_scoped3A : memref<!tpu.dma_semaphore, #tpu.memory_space<semaphore_mem>>) {add = true}
            %dma_wait3A_71 = arith.constant 0 : i32
            %dma_wait3A_72 = tpu.memref_slice %arg22[%scan3A_54, %dma_wait3A_71] : memref<25x125xi32, #tpu.memory_space<vmem>> -> memref<1x125xi32, #tpu.memory_space<vmem>>
            %dma_wait3A_73 = tpu.memref_squeeze %dma_wait3A_72 : memref<1x125xi32, #tpu.memory_space<vmem>> -> memref<125xi32, #tpu.memory_space<vmem>>
            %dma_wait3A_74 = arith.constant 0 : i32
            %dma_wait3A_75 = arith.constant 0 : i32
            %dma_wait3A_76 = tpu.memref_slice %arg25[%dma_wait3A_74, %dma_wait3A_75] : memref<50000x32xf32, #tpu.memory_space<vmem_shared>> -> memref<50000x32xf32, #tpu.memory_space<vmem_shared>>
            tpu.wait_indirect_dma semaphore(%run_scoped3A : memref<!tpu.dma_semaphore, #tpu.memory_space<semaphore_mem>>) src(%arg23 : memref<125x32xf32, #tpu.memory_space<vmem>>) dst(%dma_wait3A_76 : memref<50000x32xf32, #tpu.memory_space<vmem_shared>>)
            tpu.yield
          }) : () -> ()
        }
        %scan3A_53 = arith.constant 25 : i32
      }
      %scan3A_42 = arith.constant 32 : i32
      %barrier3A_43 = arith.constant 0 : index
      tpu.barrier barrier_id(%barrier3A_43)
      "tpu.region"() ({
        %run_scoped3A = tpu.sem_alloc : memref<!tpu.dma_semaphore, #tpu.memory_space<semaphore_mem>>
        %dma_start3A = arith.constant 0 : i32
        %dma_start3A_45 = tpu.memref_slice %arg15[%mul3A_0, %dma_start3A] : memref<50000x32xf32, #tpu.memory_space<hbm>> -> memref<3125x32xf32, #tpu.memory_space<hbm>>
        %dma_start3A_46 = arith.constant 0 : i32
        %dma_start3A_47 = tpu.memref_slice %arg25[%mul3A_0, %dma_start3A_46] : memref<50000x32xf32, #tpu.memory_space<vmem_shared>> -> memref<3125x32xf32, #tpu.memory_space<vmem_shared>>
        tpu.enqueue_dma source(%dma_start3A_47 : memref<3125x32xf32, #tpu.memory_space<vmem_shared>>) target(%dma_start3A_45 : memref<3125x32xf32, #tpu.memory_space<hbm>>) target_semaphore(%run_scoped3A : memref<!tpu.dma_semaphore, #tpu.memory_space<semaphore_mem>>)
        %dma_wait3A = arith.constant 0 : i32
        %dma_wait3A_48 = tpu.memref_slice %arg15[%mul3A_0, %dma_wait3A] : memref<50000x32xf32, #tpu.memory_space<hbm>> -> memref<3125x32xf32, #tpu.memory_space<hbm>>
        %dma_wait3A_49 = arith.constant 0 : i32
        %dma_wait3A_50 = tpu.memref_slice %arg25[%mul3A_0, %dma_wait3A_49] : memref<50000x32xf32, #tpu.memory_space<vmem_shared>> -> memref<3125x32xf32, #tpu.memory_space<vmem_shared>>
        tpu.wait_dma2 semaphore(%run_scoped3A : memref<!tpu.dma_semaphore, #tpu.memory_space<semaphore_mem>>) src(%dma_wait3A_50 : memref<3125x32xf32, #tpu.memory_space<vmem_shared>>) dst(%dma_wait3A_48 : memref<3125x32xf32, #tpu.memory_space<hbm>>)
        tpu.yield
      }) : () -> ()
      %barrier3A_44 = arith.constant 0 : index
      tpu.barrier barrier_id(%barrier3A_44)
    } else {
    }
    %eq3A_13 = arith.constant 0 : i32
    %eq3A_14 = arith.cmpi eq, %arg0, %eq3A_13 : i32
    %convert_element_type3A_15 = arith.extui %eq3A_14 : i1 to i32
    %cond3A_16 = arith.constant 0 : i32
    %cond3A_17 = arith.cmpi ne, %convert_element_type3A_15, %cond3A_16 : i32
    scf.if %cond3A_17 {
      "tpu.region"() ({
        %run_scoped3A = tpu.sem_alloc : memref<!tpu.dma_semaphore, #tpu.memory_space<semaphore_mem>>
        %dma_start3A = arith.constant 0 : i32
        %dma_start3A_45 = tpu.memref_slice %arg25[%mul3A_0, %dma_start3A] : memref<50000x32xf32, #tpu.memory_space<vmem_shared>> -> memref<3125x32xf32, #tpu.memory_space<vmem_shared>>
        tpu.enqueue_dma source(%arg12 : memref<3125x32xf32, #tpu.memory_space<hbm>>) target(%dma_start3A_45 : memref<3125x32xf32, #tpu.memory_space<vmem_shared>>) target_semaphore(%run_scoped3A : memref<!tpu.dma_semaphore, #tpu.memory_space<semaphore_mem>>)
        %dma_wait3A = arith.constant 0 : i32
        %dma_wait3A_46 = tpu.memref_slice %arg25[%mul3A_0, %dma_wait3A] : memref<50000x32xf32, #tpu.memory_space<vmem_shared>> -> memref<3125x32xf32, #tpu.memory_space<vmem_shared>>
        tpu.wait_dma2 semaphore(%run_scoped3A : memref<!tpu.dma_semaphore, #tpu.memory_space<semaphore_mem>>) src(%arg12 : memref<3125x32xf32, #tpu.memory_space<hbm>>) dst(%dma_wait3A_46 : memref<3125x32xf32, #tpu.memory_space<vmem_shared>>)
        tpu.yield
      }) : () -> ()
      %barrier3A = arith.constant 0 : index
      tpu.barrier barrier_id(%barrier3A)
      %scan3A = arith.constant 0 : i32
      %scan3A_38 = arith.constant 0 : i32
      %scan3A_39 = arith.constant 32 : i32
      %scan3A_40 = arith.addi %scan3A_38, %scan3A_39 : i32
      %scan3A_41 = arith.constant 1 : i32
      scf.for %scan3A_45 = %scan3A_38 to %scan3A_40 step %scan3A_41  : i32 {
        %mul3A_46 = arith.constant 32 : i32
        %mul3A_47 = arith.muli %arg1, %mul3A_46 : i32
        %add3A = arith.addi %mul3A_47, %scan3A_45 : i32
        "tpu.region"() ({
          %run_scoped3A = tpu.sem_alloc : memref<!tpu.dma_semaphore, #tpu.memory_space<semaphore_mem>>
          %dma_start3A = arith.constant 0 : i32
          %dma_start3A_54 = arith.constant 0 : i32
          %dma_start3A_55 = tpu.memref_slice %arg10[%add3A, %dma_start3A, %dma_start3A_54] : memref<512x25x125xi32, #tpu.memory_space<hbm>> -> memref<1x25x125xi32, #tpu.memory_space<hbm>>
          %dma_start3A_56 = tpu.memref_squeeze %dma_start3A_55 : memref<1x25x125xi32, #tpu.memory_space<hbm>> -> memref<25x125xi32, #tpu.memory_space<hbm>>
          %dma_start3A_57 = arith.constant 0 : i32
          %dma_start3A_58 = arith.constant 0 : i32
          %dma_start3A_59 = tpu.memref_slice %arg10[%add3A, %dma_start3A_57, %dma_start3A_58] : memref<512x25x125xi32, #tpu.memory_space<hbm>> -> memref<1x25x125xi32, #tpu.memory_space<hbm>>
          %dma_start3A_60 = tpu.memref_squeeze %dma_start3A_59 : memref<1x25x125xi32, #tpu.memory_space<hbm>> -> memref<25x125xi32, #tpu.memory_space<hbm>>
          tpu.enqueue_dma source(%dma_start3A_60 : memref<25x125xi32, #tpu.memory_space<hbm>>) target(%arg21 : memref<25x125xi32, #tpu.memory_space<vmem>>) target_semaphore(%run_scoped3A : memref<!tpu.dma_semaphore, #tpu.memory_space<semaphore_mem>>)
          %dma_wait3A = arith.constant 0 : i32
          %dma_wait3A_61 = arith.constant 0 : i32
          %dma_wait3A_62 = tpu.memref_slice %arg10[%add3A, %dma_wait3A, %dma_wait3A_61] : memref<512x25x125xi32, #tpu.memory_space<hbm>> -> memref<1x25x125xi32, #tpu.memory_space<hbm>>
          %dma_wait3A_63 = tpu.memref_squeeze %dma_wait3A_62 : memref<1x25x125xi32, #tpu.memory_space<hbm>> -> memref<25x125xi32, #tpu.memory_space<hbm>>
          %dma_wait3A_64 = arith.constant 0 : i32
          %dma_wait3A_65 = arith.constant 0 : i32
          %dma_wait3A_66 = tpu.memref_slice %arg10[%add3A, %dma_wait3A_64, %dma_wait3A_65] : memref<512x25x125xi32, #tpu.memory_space<hbm>> -> memref<1x25x125xi32, #tpu.memory_space<hbm>>
          %dma_wait3A_67 = tpu.memref_squeeze %dma_wait3A_66 : memref<1x25x125xi32, #tpu.memory_space<hbm>> -> memref<25x125xi32, #tpu.memory_space<hbm>>
          tpu.wait_dma2 semaphore(%run_scoped3A : memref<!tpu.dma_semaphore, #tpu.memory_space<semaphore_mem>>) src(%dma_wait3A_67 : memref<25x125xi32, #tpu.memory_space<hbm>>) dst(%arg21 : memref<25x125xi32, #tpu.memory_space<vmem>>)
          tpu.yield
        }) : () -> ()
        "tpu.region"() ({
          %run_scoped3A = tpu.sem_alloc : memref<!tpu.dma_semaphore, #tpu.memory_space<semaphore_mem>>
          %dma_start3A = arith.constant 0 : i32
          %dma_start3A_54 = arith.constant 0 : i32
          %dma_start3A_55 = tpu.memref_slice %arg11[%add3A, %dma_start3A, %dma_start3A_54] : memref<512x25x125xi32, #tpu.memory_space<hbm>> -> memref<1x25x125xi32, #tpu.memory_space<hbm>>
          %dma_start3A_56 = tpu.memref_squeeze %dma_start3A_55 : memref<1x25x125xi32, #tpu.memory_space<hbm>> -> memref<25x125xi32, #tpu.memory_space<hbm>>
          %dma_start3A_57 = arith.constant 0 : i32
          %dma_start3A_58 = arith.constant 0 : i32
          %dma_start3A_59 = tpu.memref_slice %arg11[%add3A, %dma_start3A_57, %dma_start3A_58] : memref<512x25x125xi32, #tpu.memory_space<hbm>> -> memref<1x25x125xi32, #tpu.memory_space<hbm>>
          %dma_start3A_60 = tpu.memref_squeeze %dma_start3A_59 : memref<1x25x125xi32, #tpu.memory_space<hbm>> -> memref<25x125xi32, #tpu.memory_space<hbm>>
          tpu.enqueue_dma source(%dma_start3A_60 : memref<25x125xi32, #tpu.memory_space<hbm>>) target(%arg22 : memref<25x125xi32, #tpu.memory_space<vmem>>) target_semaphore(%run_scoped3A : memref<!tpu.dma_semaphore, #tpu.memory_space<semaphore_mem>>)
          %dma_wait3A = arith.constant 0 : i32
          %dma_wait3A_61 = arith.constant 0 : i32
          %dma_wait3A_62 = tpu.memref_slice %arg11[%add3A, %dma_wait3A, %dma_wait3A_61] : memref<512x25x125xi32, #tpu.memory_space<hbm>> -> memref<1x25x125xi32, #tpu.memory_space<hbm>>
          %dma_wait3A_63 = tpu.memref_squeeze %dma_wait3A_62 : memref<1x25x125xi32, #tpu.memory_space<hbm>> -> memref<25x125xi32, #tpu.memory_space<hbm>>
          %dma_wait3A_64 = arith.constant 0 : i32
          %dma_wait3A_65 = arith.constant 0 : i32
          %dma_wait3A_66 = tpu.memref_slice %arg11[%add3A, %dma_wait3A_64, %dma_wait3A_65] : memref<512x25x125xi32, #tpu.memory_space<hbm>> -> memref<1x25x125xi32, #tpu.memory_space<hbm>>
          %dma_wait3A_67 = tpu.memref_squeeze %dma_wait3A_66 : memref<1x25x125xi32, #tpu.memory_space<hbm>> -> memref<25x125xi32, #tpu.memory_space<hbm>>
          tpu.wait_dma2 semaphore(%run_scoped3A : memref<!tpu.dma_semaphore, #tpu.memory_space<semaphore_mem>>) src(%dma_wait3A_67 : memref<25x125xi32, #tpu.memory_space<hbm>>) dst(%arg22 : memref<25x125xi32, #tpu.memory_space<vmem>>)
          tpu.yield
        }) : () -> ()
        %scan3A_48 = arith.constant 0 : i32
        %scan3A_49 = arith.constant 0 : i32
        %scan3A_50 = arith.constant 25 : i32
        %scan3A_51 = arith.addi %scan3A_49, %scan3A_50 : i32
        %scan3A_52 = arith.constant 1 : i32
        scf.for %scan3A_54 = %scan3A_49 to %scan3A_51 step %scan3A_52  : i32 {
          %dma_start3A = arith.constant 0 : i32
          %dma_start3A_55 = tpu.memref_slice %arg21[%scan3A_54, %dma_start3A] : memref<25x125xi32, #tpu.memory_space<vmem>> -> memref<1x125xi32, #tpu.memory_space<vmem>>
          %dma_start3A_56 = tpu.memref_squeeze %dma_start3A_55 : memref<1x125xi32, #tpu.memory_space<vmem>> -> memref<125xi32, #tpu.memory_space<vmem>>
          %dma_start3A_57 = arith.constant 0 : i32
          %dma_start3A_58 = arith.constant 0 : i32
          %dma_start3A_59 = tpu.memref_slice %arg5[%dma_start3A_57, %dma_start3A_58] : memref<50000x32xf32, #tpu.memory_space<hbm>> -> memref<50000x32xf32, #tpu.memory_space<hbm>>
          tpu.enqueue_indirect_dma source(%dma_start3A_59 : memref<50000x32xf32, #tpu.memory_space<hbm>>) target(%arg23 : memref<125x32xf32, #tpu.memory_space<vmem>>) offsets(%dma_start3A_56 : memref<125xi32, #tpu.memory_space<vmem>>) semaphore(%arg24 : memref<!tpu.dma_semaphore, #tpu.memory_space<semaphore_mem>>)
          %dma_wait3A = arith.constant 0 : i32
          %dma_wait3A_60 = tpu.memref_slice %arg21[%scan3A_54, %dma_wait3A] : memref<25x125xi32, #tpu.memory_space<vmem>> -> memref<1x125xi32, #tpu.memory_space<vmem>>
          %dma_wait3A_61 = tpu.memref_squeeze %dma_wait3A_60 : memref<1x125xi32, #tpu.memory_space<vmem>> -> memref<125xi32, #tpu.memory_space<vmem>>
          %dma_wait3A_62 = arith.constant 0 : i32
          %dma_wait3A_63 = arith.constant 0 : i32
          %dma_wait3A_64 = tpu.memref_slice %arg5[%dma_wait3A_62, %dma_wait3A_63] : memref<50000x32xf32, #tpu.memory_space<hbm>> -> memref<50000x32xf32, #tpu.memory_space<hbm>>
          tpu.wait_indirect_dma semaphore(%arg24 : memref<!tpu.dma_semaphore, #tpu.memory_space<semaphore_mem>>) src(%dma_wait3A_64 : memref<50000x32xf32, #tpu.memory_space<hbm>>) dst(%arg23 : memref<125x32xf32, #tpu.memory_space<vmem>>)
          "tpu.region"() ({
            %run_scoped3A = tpu.sem_alloc : memref<!tpu.dma_semaphore, #tpu.memory_space<semaphore_mem>>
            %dma_start3A_65 = arith.constant 0 : i32
            %dma_start3A_66 = tpu.memref_slice %arg22[%scan3A_54, %dma_start3A_65] : memref<25x125xi32, #tpu.memory_space<vmem>> -> memref<1x125xi32, #tpu.memory_space<vmem>>
            %dma_start3A_67 = tpu.memref_squeeze %dma_start3A_66 : memref<1x125xi32, #tpu.memory_space<vmem>> -> memref<125xi32, #tpu.memory_space<vmem>>
            %dma_start3A_68 = arith.constant 0 : i32
            %dma_start3A_69 = arith.constant 0 : i32
            %dma_start3A_70 = tpu.memref_slice %arg25[%dma_start3A_68, %dma_start3A_69] : memref<50000x32xf32, #tpu.memory_space<vmem_shared>> -> memref<50000x32xf32, #tpu.memory_space<vmem_shared>>
            tpu.enqueue_indirect_dma source(%arg23 : memref<125x32xf32, #tpu.memory_space<vmem>>) target(%dma_start3A_70 : memref<50000x32xf32, #tpu.memory_space<vmem_shared>>) offsets(%dma_start3A_67 : memref<125xi32, #tpu.memory_space<vmem>>) semaphore(%run_scoped3A : memref<!tpu.dma_semaphore, #tpu.memory_space<semaphore_mem>>) {add = true}
            %dma_wait3A_71 = arith.constant 0 : i32
            %dma_wait3A_72 = tpu.memref_slice %arg22[%scan3A_54, %dma_wait3A_71] : memref<25x125xi32, #tpu.memory_space<vmem>> -> memref<1x125xi32, #tpu.memory_space<vmem>>
            %dma_wait3A_73 = tpu.memref_squeeze %dma_wait3A_72 : memref<1x125xi32, #tpu.memory_space<vmem>> -> memref<125xi32, #tpu.memory_space<vmem>>
            %dma_wait3A_74 = arith.constant 0 : i32
            %dma_wait3A_75 = arith.constant 0 : i32
            %dma_wait3A_76 = tpu.memref_slice %arg25[%dma_wait3A_74, %dma_wait3A_75] : memref<50000x32xf32, #tpu.memory_space<vmem_shared>> -> memref<50000x32xf32, #tpu.memory_space<vmem_shared>>
            tpu.wait_indirect_dma semaphore(%run_scoped3A : memref<!tpu.dma_semaphore, #tpu.memory_space<semaphore_mem>>) src(%arg23 : memref<125x32xf32, #tpu.memory_space<vmem>>) dst(%dma_wait3A_76 : memref<50000x32xf32, #tpu.memory_space<vmem_shared>>)
            tpu.yield
          }) : () -> ()
        }
        %scan3A_53 = arith.constant 25 : i32
      }
      %scan3A_42 = arith.constant 32 : i32
      %barrier3A_43 = arith.constant 0 : index
      tpu.barrier barrier_id(%barrier3A_43)
      "tpu.region"() ({
        %run_scoped3A = tpu.sem_alloc : memref<!tpu.dma_semaphore, #tpu.memory_space<semaphore_mem>>
        %dma_start3A = arith.constant 0 : i32
        %dma_start3A_45 = tpu.memref_slice %arg16[%mul3A_0, %dma_start3A] : memref<50000x32xf32, #tpu.memory_space<hbm>> -> memref<3125x32xf32, #tpu.memory_space<hbm>>
        %dma_start3A_46 = arith.constant 0 : i32
        %dma_start3A_47 = tpu.memref_slice %arg25[%mul3A_0, %dma_start3A_46] : memref<50000x32xf32, #tpu.memory_space<vmem_shared>> -> memref<3125x32xf32, #tpu.memory_space<vmem_shared>>
        tpu.enqueue_dma source(%dma_start3A_47 : memref<3125x32xf32, #tpu.memory_space<vmem_shared>>) target(%dma_start3A_45 : memref<3125x32xf32, #tpu.memory_space<hbm>>) target_semaphore(%run_scoped3A : memref<!tpu.dma_semaphore, #tpu.memory_space<semaphore_mem>>)
        %dma_wait3A = arith.constant 0 : i32
        %dma_wait3A_48 = tpu.memref_slice %arg16[%mul3A_0, %dma_wait3A] : memref<50000x32xf32, #tpu.memory_space<hbm>> -> memref<3125x32xf32, #tpu.memory_space<hbm>>
        %dma_wait3A_49 = arith.constant 0 : i32
        %dma_wait3A_50 = tpu.memref_slice %arg25[%mul3A_0, %dma_wait3A_49] : memref<50000x32xf32, #tpu.memory_space<vmem_shared>> -> memref<3125x32xf32, #tpu.memory_space<vmem_shared>>
        tpu.wait_dma2 semaphore(%run_scoped3A : memref<!tpu.dma_semaphore, #tpu.memory_space<semaphore_mem>>) src(%dma_wait3A_50 : memref<3125x32xf32, #tpu.memory_space<vmem_shared>>) dst(%dma_wait3A_48 : memref<3125x32xf32, #tpu.memory_space<hbm>>)
        tpu.yield
      }) : () -> ()
      %barrier3A_44 = arith.constant 0 : index
      tpu.barrier barrier_id(%barrier3A_44)
    } else {
    }
    %eq3A_18 = arith.constant 1 : i32
    %eq3A_19 = arith.cmpi eq, %arg0, %eq3A_18 : i32
    %convert_element_type3A_20 = arith.extui %eq3A_19 : i1 to i32
    %cond3A_21 = arith.constant 0 : i32
    %cond3A_22 = arith.cmpi ne, %convert_element_type3A_20, %cond3A_21 : i32
    scf.if %cond3A_22 {
      "tpu.region"() ({
        %run_scoped3A = tpu.sem_alloc : memref<!tpu.dma_semaphore, #tpu.memory_space<semaphore_mem>>
        %dma_start3A = arith.constant 0 : i32
        %dma_start3A_45 = tpu.memref_slice %arg25[%mul3A_0, %dma_start3A] : memref<50000x32xf32, #tpu.memory_space<vmem_shared>> -> memref<3125x32xf32, #tpu.memory_space<vmem_shared>>
        tpu.enqueue_dma source(%arg12 : memref<3125x32xf32, #tpu.memory_space<hbm>>) target(%dma_start3A_45 : memref<3125x32xf32, #tpu.memory_space<vmem_shared>>) target_semaphore(%run_scoped3A : memref<!tpu.dma_semaphore, #tpu.memory_space<semaphore_mem>>)
        %dma_wait3A = arith.constant 0 : i32
        %dma_wait3A_46 = tpu.memref_slice %arg25[%mul3A_0, %dma_wait3A] : memref<50000x32xf32, #tpu.memory_space<vmem_shared>> -> memref<3125x32xf32, #tpu.memory_space<vmem_shared>>
        tpu.wait_dma2 semaphore(%run_scoped3A : memref<!tpu.dma_semaphore, #tpu.memory_space<semaphore_mem>>) src(%arg12 : memref<3125x32xf32, #tpu.memory_space<hbm>>) dst(%dma_wait3A_46 : memref<3125x32xf32, #tpu.memory_space<vmem_shared>>)
        tpu.yield
      }) : () -> ()
      %barrier3A = arith.constant 0 : index
      tpu.barrier barrier_id(%barrier3A)
      %scan3A = arith.constant 0 : i32
      %scan3A_38 = arith.constant 0 : i32
      %scan3A_39 = arith.constant 32 : i32
      %scan3A_40 = arith.addi %scan3A_38, %scan3A_39 : i32
      %scan3A_41 = arith.constant 1 : i32
      scf.for %scan3A_45 = %scan3A_38 to %scan3A_40 step %scan3A_41  : i32 {
        %mul3A_46 = arith.constant 32 : i32
        %mul3A_47 = arith.muli %arg1, %mul3A_46 : i32
        %add3A = arith.addi %mul3A_47, %scan3A_45 : i32
        "tpu.region"() ({
          %run_scoped3A = tpu.sem_alloc : memref<!tpu.dma_semaphore, #tpu.memory_space<semaphore_mem>>
          %dma_start3A = arith.constant 0 : i32
          %dma_start3A_54 = arith.constant 0 : i32
          %dma_start3A_55 = tpu.memref_slice %arg10[%add3A, %dma_start3A, %dma_start3A_54] : memref<512x25x125xi32, #tpu.memory_space<hbm>> -> memref<1x25x125xi32, #tpu.memory_space<hbm>>
          %dma_start3A_56 = tpu.memref_squeeze %dma_start3A_55 : memref<1x25x125xi32, #tpu.memory_space<hbm>> -> memref<25x125xi32, #tpu.memory_space<hbm>>
          %dma_start3A_57 = arith.constant 0 : i32
          %dma_start3A_58 = arith.constant 0 : i32
          %dma_start3A_59 = tpu.memref_slice %arg10[%add3A, %dma_start3A_57, %dma_start3A_58] : memref<512x25x125xi32, #tpu.memory_space<hbm>> -> memref<1x25x125xi32, #tpu.memory_space<hbm>>
          %dma_start3A_60 = tpu.memref_squeeze %dma_start3A_59 : memref<1x25x125xi32, #tpu.memory_space<hbm>> -> memref<25x125xi32, #tpu.memory_space<hbm>>
          tpu.enqueue_dma source(%dma_start3A_60 : memref<25x125xi32, #tpu.memory_space<hbm>>) target(%arg21 : memref<25x125xi32, #tpu.memory_space<vmem>>) target_semaphore(%run_scoped3A : memref<!tpu.dma_semaphore, #tpu.memory_space<semaphore_mem>>)
          %dma_wait3A = arith.constant 0 : i32
          %dma_wait3A_61 = arith.constant 0 : i32
          %dma_wait3A_62 = tpu.memref_slice %arg10[%add3A, %dma_wait3A, %dma_wait3A_61] : memref<512x25x125xi32, #tpu.memory_space<hbm>> -> memref<1x25x125xi32, #tpu.memory_space<hbm>>
          %dma_wait3A_63 = tpu.memref_squeeze %dma_wait3A_62 : memref<1x25x125xi32, #tpu.memory_space<hbm>> -> memref<25x125xi32, #tpu.memory_space<hbm>>
          %dma_wait3A_64 = arith.constant 0 : i32
          %dma_wait3A_65 = arith.constant 0 : i32
          %dma_wait3A_66 = tpu.memref_slice %arg10[%add3A, %dma_wait3A_64, %dma_wait3A_65] : memref<512x25x125xi32, #tpu.memory_space<hbm>> -> memref<1x25x125xi32, #tpu.memory_space<hbm>>
          %dma_wait3A_67 = tpu.memref_squeeze %dma_wait3A_66 : memref<1x25x125xi32, #tpu.memory_space<hbm>> -> memref<25x125xi32, #tpu.memory_space<hbm>>
          tpu.wait_dma2 semaphore(%run_scoped3A : memref<!tpu.dma_semaphore, #tpu.memory_space<semaphore_mem>>) src(%dma_wait3A_67 : memref<25x125xi32, #tpu.memory_space<hbm>>) dst(%arg21 : memref<25x125xi32, #tpu.memory_space<vmem>>)
          tpu.yield
        }) : () -> ()
        "tpu.region"() ({
          %run_scoped3A = tpu.sem_alloc : memref<!tpu.dma_semaphore, #tpu.memory_space<semaphore_mem>>
          %dma_start3A = arith.constant 0 : i32
          %dma_start3A_54 = arith.constant 0 : i32
          %dma_start3A_55 = tpu.memref_slice %arg11[%add3A, %dma_start3A, %dma_start3A_54] : memref<512x25x125xi32, #tpu.memory_space<hbm>> -> memref<1x25x125xi32, #tpu.memory_space<hbm>>
          %dma_start3A_56 = tpu.memref_squeeze %dma_start3A_55 : memref<1x25x125xi32, #tpu.memory_space<hbm>> -> memref<25x125xi32, #tpu.memory_space<hbm>>
          %dma_start3A_57 = arith.constant 0 : i32
          %dma_start3A_58 = arith.constant 0 : i32
          %dma_start3A_59 = tpu.memref_slice %arg11[%add3A, %dma_start3A_57, %dma_start3A_58] : memref<512x25x125xi32, #tpu.memory_space<hbm>> -> memref<1x25x125xi32, #tpu.memory_space<hbm>>
          %dma_start3A_60 = tpu.memref_squeeze %dma_start3A_59 : memref<1x25x125xi32, #tpu.memory_space<hbm>> -> memref<25x125xi32, #tpu.memory_space<hbm>>
          tpu.enqueue_dma source(%dma_start3A_60 : memref<25x125xi32, #tpu.memory_space<hbm>>) target(%arg22 : memref<25x125xi32, #tpu.memory_space<vmem>>) target_semaphore(%run_scoped3A : memref<!tpu.dma_semaphore, #tpu.memory_space<semaphore_mem>>)
          %dma_wait3A = arith.constant 0 : i32
          %dma_wait3A_61 = arith.constant 0 : i32
          %dma_wait3A_62 = tpu.memref_slice %arg11[%add3A, %dma_wait3A, %dma_wait3A_61] : memref<512x25x125xi32, #tpu.memory_space<hbm>> -> memref<1x25x125xi32, #tpu.memory_space<hbm>>
          %dma_wait3A_63 = tpu.memref_squeeze %dma_wait3A_62 : memref<1x25x125xi32, #tpu.memory_space<hbm>> -> memref<25x125xi32, #tpu.memory_space<hbm>>
          %dma_wait3A_64 = arith.constant 0 : i32
          %dma_wait3A_65 = arith.constant 0 : i32
          %dma_wait3A_66 = tpu.memref_slice %arg11[%add3A, %dma_wait3A_64, %dma_wait3A_65] : memref<512x25x125xi32, #tpu.memory_space<hbm>> -> memref<1x25x125xi32, #tpu.memory_space<hbm>>
          %dma_wait3A_67 = tpu.memref_squeeze %dma_wait3A_66 : memref<1x25x125xi32, #tpu.memory_space<hbm>> -> memref<25x125xi32, #tpu.memory_space<hbm>>
          tpu.wait_dma2 semaphore(%run_scoped3A : memref<!tpu.dma_semaphore, #tpu.memory_space<semaphore_mem>>) src(%dma_wait3A_67 : memref<25x125xi32, #tpu.memory_space<hbm>>) dst(%arg22 : memref<25x125xi32, #tpu.memory_space<vmem>>)
          tpu.yield
        }) : () -> ()
        %scan3A_48 = arith.constant 0 : i32
        %scan3A_49 = arith.constant 0 : i32
        %scan3A_50 = arith.constant 25 : i32
        %scan3A_51 = arith.addi %scan3A_49, %scan3A_50 : i32
        %scan3A_52 = arith.constant 1 : i32
        scf.for %scan3A_54 = %scan3A_49 to %scan3A_51 step %scan3A_52  : i32 {
          %dma_start3A = arith.constant 0 : i32
          %dma_start3A_55 = tpu.memref_slice %arg21[%scan3A_54, %dma_start3A] : memref<25x125xi32, #tpu.memory_space<vmem>> -> memref<1x125xi32, #tpu.memory_space<vmem>>
          %dma_start3A_56 = tpu.memref_squeeze %dma_start3A_55 : memref<1x125xi32, #tpu.memory_space<vmem>> -> memref<125xi32, #tpu.memory_space<vmem>>
          %dma_start3A_57 = arith.constant 0 : i32
          %dma_start3A_58 = arith.constant 0 : i32
          %dma_start3A_59 = tpu.memref_slice %arg6[%dma_start3A_57, %dma_start3A_58] : memref<50000x32xf32, #tpu.memory_space<hbm>> -> memref<50000x32xf32, #tpu.memory_space<hbm>>
          tpu.enqueue_indirect_dma source(%dma_start3A_59 : memref<50000x32xf32, #tpu.memory_space<hbm>>) target(%arg23 : memref<125x32xf32, #tpu.memory_space<vmem>>) offsets(%dma_start3A_56 : memref<125xi32, #tpu.memory_space<vmem>>) semaphore(%arg24 : memref<!tpu.dma_semaphore, #tpu.memory_space<semaphore_mem>>)
          %dma_wait3A = arith.constant 0 : i32
          %dma_wait3A_60 = tpu.memref_slice %arg21[%scan3A_54, %dma_wait3A] : memref<25x125xi32, #tpu.memory_space<vmem>> -> memref<1x125xi32, #tpu.memory_space<vmem>>
          %dma_wait3A_61 = tpu.memref_squeeze %dma_wait3A_60 : memref<1x125xi32, #tpu.memory_space<vmem>> -> memref<125xi32, #tpu.memory_space<vmem>>
          %dma_wait3A_62 = arith.constant 0 : i32
          %dma_wait3A_63 = arith.constant 0 : i32
          %dma_wait3A_64 = tpu.memref_slice %arg6[%dma_wait3A_62, %dma_wait3A_63] : memref<50000x32xf32, #tpu.memory_space<hbm>> -> memref<50000x32xf32, #tpu.memory_space<hbm>>
          tpu.wait_indirect_dma semaphore(%arg24 : memref<!tpu.dma_semaphore, #tpu.memory_space<semaphore_mem>>) src(%dma_wait3A_64 : memref<50000x32xf32, #tpu.memory_space<hbm>>) dst(%arg23 : memref<125x32xf32, #tpu.memory_space<vmem>>)
          "tpu.region"() ({
            %run_scoped3A = tpu.sem_alloc : memref<!tpu.dma_semaphore, #tpu.memory_space<semaphore_mem>>
            %dma_start3A_65 = arith.constant 0 : i32
            %dma_start3A_66 = tpu.memref_slice %arg22[%scan3A_54, %dma_start3A_65] : memref<25x125xi32, #tpu.memory_space<vmem>> -> memref<1x125xi32, #tpu.memory_space<vmem>>
            %dma_start3A_67 = tpu.memref_squeeze %dma_start3A_66 : memref<1x125xi32, #tpu.memory_space<vmem>> -> memref<125xi32, #tpu.memory_space<vmem>>
            %dma_start3A_68 = arith.constant 0 : i32
            %dma_start3A_69 = arith.constant 0 : i32
            %dma_start3A_70 = tpu.memref_slice %arg25[%dma_start3A_68, %dma_start3A_69] : memref<50000x32xf32, #tpu.memory_space<vmem_shared>> -> memref<50000x32xf32, #tpu.memory_space<vmem_shared>>
            tpu.enqueue_indirect_dma source(%arg23 : memref<125x32xf32, #tpu.memory_space<vmem>>) target(%dma_start3A_70 : memref<50000x32xf32, #tpu.memory_space<vmem_shared>>) offsets(%dma_start3A_67 : memref<125xi32, #tpu.memory_space<vmem>>) semaphore(%run_scoped3A : memref<!tpu.dma_semaphore, #tpu.memory_space<semaphore_mem>>) {add = true}
            %dma_wait3A_71 = arith.constant 0 : i32
            %dma_wait3A_72 = tpu.memref_slice %arg22[%scan3A_54, %dma_wait3A_71] : memref<25x125xi32, #tpu.memory_space<vmem>> -> memref<1x125xi32, #tpu.memory_space<vmem>>
            %dma_wait3A_73 = tpu.memref_squeeze %dma_wait3A_72 : memref<1x125xi32, #tpu.memory_space<vmem>> -> memref<125xi32, #tpu.memory_space<vmem>>
            %dma_wait3A_74 = arith.constant 0 : i32
            %dma_wait3A_75 = arith.constant 0 : i32
            %dma_wait3A_76 = tpu.memref_slice %arg25[%dma_wait3A_74, %dma_wait3A_75] : memref<50000x32xf32, #tpu.memory_space<vmem_shared>> -> memref<50000x32xf32, #tpu.memory_space<vmem_shared>>
            tpu.wait_indirect_dma semaphore(%run_scoped3A : memref<!tpu.dma_semaphore, #tpu.memory_space<semaphore_mem>>) src(%arg23 : memref<125x32xf32, #tpu.memory_space<vmem>>) dst(%dma_wait3A_76 : memref<50000x32xf32, #tpu.memory_space<vmem_shared>>)
            tpu.yield
          }) : () -> ()
        }
        %scan3A_53 = arith.constant 25 : i32
      }
      %scan3A_42 = arith.constant 32 : i32
      %barrier3A_43 = arith.constant 0 : index
      tpu.barrier barrier_id(%barrier3A_43)
      "tpu.region"() ({
        %run_scoped3A = tpu.sem_alloc : memref<!tpu.dma_semaphore, #tpu.memory_space<semaphore_mem>>
        %dma_start3A = arith.constant 0 : i32
        %dma_start3A_45 = tpu.memref_slice %arg17[%mul3A_0, %dma_start3A] : memref<50000x32xf32, #tpu.memory_space<hbm>> -> memref<3125x32xf32, #tpu.memory_space<hbm>>
        %dma_start3A_46 = arith.constant 0 : i32
        %dma_start3A_47 = tpu.memref_slice %arg25[%mul3A_0, %dma_start3A_46] : memref<50000x32xf32, #tpu.memory_space<vmem_shared>> -> memref<3125x32xf32, #tpu.memory_space<vmem_shared>>
        tpu.enqueue_dma source(%dma_start3A_47 : memref<3125x32xf32, #tpu.memory_space<vmem_shared>>) target(%dma_start3A_45 : memref<3125x32xf32, #tpu.memory_space<hbm>>) target_semaphore(%run_scoped3A : memref<!tpu.dma_semaphore, #tpu.memory_space<semaphore_mem>>)
        %dma_wait3A = arith.constant 0 : i32
        %dma_wait3A_48 = tpu.memref_slice %arg17[%mul3A_0, %dma_wait3A] : memref<50000x32xf32, #tpu.memory_space<hbm>> -> memref<3125x32xf32, #tpu.memory_space<hbm>>
        %dma_wait3A_49 = arith.constant 0 : i32
        %dma_wait3A_50 = tpu.memref_slice %arg25[%mul3A_0, %dma_wait3A_49] : memref<50000x32xf32, #tpu.memory_space<vmem_shared>> -> memref<3125x32xf32, #tpu.memory_space<vmem_shared>>
        tpu.wait_dma2 semaphore(%run_scoped3A : memref<!tpu.dma_semaphore, #tpu.memory_space<semaphore_mem>>) src(%dma_wait3A_50 : memref<3125x32xf32, #tpu.memory_space<vmem_shared>>) dst(%dma_wait3A_48 : memref<3125x32xf32, #tpu.memory_space<hbm>>)
        tpu.yield
      }) : () -> ()
      %barrier3A_44 = arith.constant 0 : index
      tpu.barrier barrier_id(%barrier3A_44)
    } else {
    }
    %eq3A_23 = arith.constant 1 : i32
    %eq3A_24 = arith.cmpi eq, %arg0, %eq3A_23 : i32
    %convert_element_type3A_25 = arith.extui %eq3A_24 : i1 to i32
    %cond3A_26 = arith.constant 0 : i32
    %cond3A_27 = arith.cmpi ne, %convert_element_type3A_25, %cond3A_26 : i32
    scf.if %cond3A_27 {
      "tpu.region"() ({
        %run_scoped3A = tpu.sem_alloc : memref<!tpu.dma_semaphore, #tpu.memory_space<semaphore_mem>>
        %dma_start3A = arith.constant 0 : i32
        %dma_start3A_45 = tpu.memref_slice %arg25[%mul3A_0, %dma_start3A] : memref<50000x32xf32, #tpu.memory_space<vmem_shared>> -> memref<3125x32xf32, #tpu.memory_space<vmem_shared>>
        tpu.enqueue_dma source(%arg12 : memref<3125x32xf32, #tpu.memory_space<hbm>>) target(%dma_start3A_45 : memref<3125x32xf32, #tpu.memory_space<vmem_shared>>) target_semaphore(%run_scoped3A : memref<!tpu.dma_semaphore, #tpu.memory_space<semaphore_mem>>)
        %dma_wait3A = arith.constant 0 : i32
        %dma_wait3A_46 = tpu.memref_slice %arg25[%mul3A_0, %dma_wait3A] : memref<50000x32xf32, #tpu.memory_space<vmem_shared>> -> memref<3125x32xf32, #tpu.memory_space<vmem_shared>>
        tpu.wait_dma2 semaphore(%run_scoped3A : memref<!tpu.dma_semaphore, #tpu.memory_space<semaphore_mem>>) src(%arg12 : memref<3125x32xf32, #tpu.memory_space<hbm>>) dst(%dma_wait3A_46 : memref<3125x32xf32, #tpu.memory_space<vmem_shared>>)
        tpu.yield
      }) : () -> ()
      %barrier3A = arith.constant 0 : index
      tpu.barrier barrier_id(%barrier3A)
      %scan3A = arith.constant 0 : i32
      %scan3A_38 = arith.constant 0 : i32
      %scan3A_39 = arith.constant 32 : i32
      %scan3A_40 = arith.addi %scan3A_38, %scan3A_39 : i32
      %scan3A_41 = arith.constant 1 : i32
      scf.for %scan3A_45 = %scan3A_38 to %scan3A_40 step %scan3A_41  : i32 {
        %mul3A_46 = arith.constant 32 : i32
        %mul3A_47 = arith.muli %arg1, %mul3A_46 : i32
        %add3A = arith.addi %mul3A_47, %scan3A_45 : i32
        "tpu.region"() ({
          %run_scoped3A = tpu.sem_alloc : memref<!tpu.dma_semaphore, #tpu.memory_space<semaphore_mem>>
          %dma_start3A = arith.constant 0 : i32
          %dma_start3A_54 = arith.constant 0 : i32
          %dma_start3A_55 = tpu.memref_slice %arg10[%add3A, %dma_start3A, %dma_start3A_54] : memref<512x25x125xi32, #tpu.memory_space<hbm>> -> memref<1x25x125xi32, #tpu.memory_space<hbm>>
          %dma_start3A_56 = tpu.memref_squeeze %dma_start3A_55 : memref<1x25x125xi32, #tpu.memory_space<hbm>> -> memref<25x125xi32, #tpu.memory_space<hbm>>
          %dma_start3A_57 = arith.constant 0 : i32
          %dma_start3A_58 = arith.constant 0 : i32
          %dma_start3A_59 = tpu.memref_slice %arg10[%add3A, %dma_start3A_57, %dma_start3A_58] : memref<512x25x125xi32, #tpu.memory_space<hbm>> -> memref<1x25x125xi32, #tpu.memory_space<hbm>>
          %dma_start3A_60 = tpu.memref_squeeze %dma_start3A_59 : memref<1x25x125xi32, #tpu.memory_space<hbm>> -> memref<25x125xi32, #tpu.memory_space<hbm>>
          tpu.enqueue_dma source(%dma_start3A_60 : memref<25x125xi32, #tpu.memory_space<hbm>>) target(%arg21 : memref<25x125xi32, #tpu.memory_space<vmem>>) target_semaphore(%run_scoped3A : memref<!tpu.dma_semaphore, #tpu.memory_space<semaphore_mem>>)
          %dma_wait3A = arith.constant 0 : i32
          %dma_wait3A_61 = arith.constant 0 : i32
          %dma_wait3A_62 = tpu.memref_slice %arg10[%add3A, %dma_wait3A, %dma_wait3A_61] : memref<512x25x125xi32, #tpu.memory_space<hbm>> -> memref<1x25x125xi32, #tpu.memory_space<hbm>>
          %dma_wait3A_63 = tpu.memref_squeeze %dma_wait3A_62 : memref<1x25x125xi32, #tpu.memory_space<hbm>> -> memref<25x125xi32, #tpu.memory_space<hbm>>
          %dma_wait3A_64 = arith.constant 0 : i32
          %dma_wait3A_65 = arith.constant 0 : i32
          %dma_wait3A_66 = tpu.memref_slice %arg10[%add3A, %dma_wait3A_64, %dma_wait3A_65] : memref<512x25x125xi32, #tpu.memory_space<hbm>> -> memref<1x25x125xi32, #tpu.memory_space<hbm>>
          %dma_wait3A_67 = tpu.memref_squeeze %dma_wait3A_66 : memref<1x25x125xi32, #tpu.memory_space<hbm>> -> memref<25x125xi32, #tpu.memory_space<hbm>>
          tpu.wait_dma2 semaphore(%run_scoped3A : memref<!tpu.dma_semaphore, #tpu.memory_space<semaphore_mem>>) src(%dma_wait3A_67 : memref<25x125xi32, #tpu.memory_space<hbm>>) dst(%arg21 : memref<25x125xi32, #tpu.memory_space<vmem>>)
          tpu.yield
        }) : () -> ()
        "tpu.region"() ({
          %run_scoped3A = tpu.sem_alloc : memref<!tpu.dma_semaphore, #tpu.memory_space<semaphore_mem>>
          %dma_start3A = arith.constant 0 : i32
          %dma_start3A_54 = arith.constant 0 : i32
          %dma_start3A_55 = tpu.memref_slice %arg11[%add3A, %dma_start3A, %dma_start3A_54] : memref<512x25x125xi32, #tpu.memory_space<hbm>> -> memref<1x25x125xi32, #tpu.memory_space<hbm>>
          %dma_start3A_56 = tpu.memref_squeeze %dma_start3A_55 : memref<1x25x125xi32, #tpu.memory_space<hbm>> -> memref<25x125xi32, #tpu.memory_space<hbm>>
          %dma_start3A_57 = arith.constant 0 : i32
          %dma_start3A_58 = arith.constant 0 : i32
          %dma_start3A_59 = tpu.memref_slice %arg11[%add3A, %dma_start3A_57, %dma_start3A_58] : memref<512x25x125xi32, #tpu.memory_space<hbm>> -> memref<1x25x125xi32, #tpu.memory_space<hbm>>
          %dma_start3A_60 = tpu.memref_squeeze %dma_start3A_59 : memref<1x25x125xi32, #tpu.memory_space<hbm>> -> memref<25x125xi32, #tpu.memory_space<hbm>>
          tpu.enqueue_dma source(%dma_start3A_60 : memref<25x125xi32, #tpu.memory_space<hbm>>) target(%arg22 : memref<25x125xi32, #tpu.memory_space<vmem>>) target_semaphore(%run_scoped3A : memref<!tpu.dma_semaphore, #tpu.memory_space<semaphore_mem>>)
          %dma_wait3A = arith.constant 0 : i32
          %dma_wait3A_61 = arith.constant 0 : i32
          %dma_wait3A_62 = tpu.memref_slice %arg11[%add3A, %dma_wait3A, %dma_wait3A_61] : memref<512x25x125xi32, #tpu.memory_space<hbm>> -> memref<1x25x125xi32, #tpu.memory_space<hbm>>
          %dma_wait3A_63 = tpu.memref_squeeze %dma_wait3A_62 : memref<1x25x125xi32, #tpu.memory_space<hbm>> -> memref<25x125xi32, #tpu.memory_space<hbm>>
          %dma_wait3A_64 = arith.constant 0 : i32
          %dma_wait3A_65 = arith.constant 0 : i32
          %dma_wait3A_66 = tpu.memref_slice %arg11[%add3A, %dma_wait3A_64, %dma_wait3A_65] : memref<512x25x125xi32, #tpu.memory_space<hbm>> -> memref<1x25x125xi32, #tpu.memory_space<hbm>>
          %dma_wait3A_67 = tpu.memref_squeeze %dma_wait3A_66 : memref<1x25x125xi32, #tpu.memory_space<hbm>> -> memref<25x125xi32, #tpu.memory_space<hbm>>
          tpu.wait_dma2 semaphore(%run_scoped3A : memref<!tpu.dma_semaphore, #tpu.memory_space<semaphore_mem>>) src(%dma_wait3A_67 : memref<25x125xi32, #tpu.memory_space<hbm>>) dst(%arg22 : memref<25x125xi32, #tpu.memory_space<vmem>>)
          tpu.yield
        }) : () -> ()
        %scan3A_48 = arith.constant 0 : i32
        %scan3A_49 = arith.constant 0 : i32
        %scan3A_50 = arith.constant 25 : i32
        %scan3A_51 = arith.addi %scan3A_49, %scan3A_50 : i32
        %scan3A_52 = arith.constant 1 : i32
        scf.for %scan3A_54 = %scan3A_49 to %scan3A_51 step %scan3A_52  : i32 {
          %dma_start3A = arith.constant 0 : i32
          %dma_start3A_55 = tpu.memref_slice %arg21[%scan3A_54, %dma_start3A] : memref<25x125xi32, #tpu.memory_space<vmem>> -> memref<1x125xi32, #tpu.memory_space<vmem>>
          %dma_start3A_56 = tpu.memref_squeeze %dma_start3A_55 : memref<1x125xi32, #tpu.memory_space<vmem>> -> memref<125xi32, #tpu.memory_space<vmem>>
          %dma_start3A_57 = arith.constant 0 : i32
          %dma_start3A_58 = arith.constant 0 : i32
          %dma_start3A_59 = tpu.memref_slice %arg7[%dma_start3A_57, %dma_start3A_58] : memref<50000x32xf32, #tpu.memory_space<hbm>> -> memref<50000x32xf32, #tpu.memory_space<hbm>>
          tpu.enqueue_indirect_dma source(%dma_start3A_59 : memref<50000x32xf32, #tpu.memory_space<hbm>>) target(%arg23 : memref<125x32xf32, #tpu.memory_space<vmem>>) offsets(%dma_start3A_56 : memref<125xi32, #tpu.memory_space<vmem>>) semaphore(%arg24 : memref<!tpu.dma_semaphore, #tpu.memory_space<semaphore_mem>>)
          %dma_wait3A = arith.constant 0 : i32
          %dma_wait3A_60 = tpu.memref_slice %arg21[%scan3A_54, %dma_wait3A] : memref<25x125xi32, #tpu.memory_space<vmem>> -> memref<1x125xi32, #tpu.memory_space<vmem>>
          %dma_wait3A_61 = tpu.memref_squeeze %dma_wait3A_60 : memref<1x125xi32, #tpu.memory_space<vmem>> -> memref<125xi32, #tpu.memory_space<vmem>>
          %dma_wait3A_62 = arith.constant 0 : i32
          %dma_wait3A_63 = arith.constant 0 : i32
          %dma_wait3A_64 = tpu.memref_slice %arg7[%dma_wait3A_62, %dma_wait3A_63] : memref<50000x32xf32, #tpu.memory_space<hbm>> -> memref<50000x32xf32, #tpu.memory_space<hbm>>
          tpu.wait_indirect_dma semaphore(%arg24 : memref<!tpu.dma_semaphore, #tpu.memory_space<semaphore_mem>>) src(%dma_wait3A_64 : memref<50000x32xf32, #tpu.memory_space<hbm>>) dst(%arg23 : memref<125x32xf32, #tpu.memory_space<vmem>>)
          "tpu.region"() ({
            %run_scoped3A = tpu.sem_alloc : memref<!tpu.dma_semaphore, #tpu.memory_space<semaphore_mem>>
            %dma_start3A_65 = arith.constant 0 : i32
            %dma_start3A_66 = tpu.memref_slice %arg22[%scan3A_54, %dma_start3A_65] : memref<25x125xi32, #tpu.memory_space<vmem>> -> memref<1x125xi32, #tpu.memory_space<vmem>>
            %dma_start3A_67 = tpu.memref_squeeze %dma_start3A_66 : memref<1x125xi32, #tpu.memory_space<vmem>> -> memref<125xi32, #tpu.memory_space<vmem>>
            %dma_start3A_68 = arith.constant 0 : i32
            %dma_start3A_69 = arith.constant 0 : i32
            %dma_start3A_70 = tpu.memref_slice %arg25[%dma_start3A_68, %dma_start3A_69] : memref<50000x32xf32, #tpu.memory_space<vmem_shared>> -> memref<50000x32xf32, #tpu.memory_space<vmem_shared>>
            tpu.enqueue_indirect_dma source(%arg23 : memref<125x32xf32, #tpu.memory_space<vmem>>) target(%dma_start3A_70 : memref<50000x32xf32, #tpu.memory_space<vmem_shared>>) offsets(%dma_start3A_67 : memref<125xi32, #tpu.memory_space<vmem>>) semaphore(%run_scoped3A : memref<!tpu.dma_semaphore, #tpu.memory_space<semaphore_mem>>) {add = true}
            %dma_wait3A_71 = arith.constant 0 : i32
            %dma_wait3A_72 = tpu.memref_slice %arg22[%scan3A_54, %dma_wait3A_71] : memref<25x125xi32, #tpu.memory_space<vmem>> -> memref<1x125xi32, #tpu.memory_space<vmem>>
            %dma_wait3A_73 = tpu.memref_squeeze %dma_wait3A_72 : memref<1x125xi32, #tpu.memory_space<vmem>> -> memref<125xi32, #tpu.memory_space<vmem>>
            %dma_wait3A_74 = arith.constant 0 : i32
            %dma_wait3A_75 = arith.constant 0 : i32
            %dma_wait3A_76 = tpu.memref_slice %arg25[%dma_wait3A_74, %dma_wait3A_75] : memref<50000x32xf32, #tpu.memory_space<vmem_shared>> -> memref<50000x32xf32, #tpu.memory_space<vmem_shared>>
            tpu.wait_indirect_dma semaphore(%run_scoped3A : memref<!tpu.dma_semaphore, #tpu.memory_space<semaphore_mem>>) src(%arg23 : memref<125x32xf32, #tpu.memory_space<vmem>>) dst(%dma_wait3A_76 : memref<50000x32xf32, #tpu.memory_space<vmem_shared>>)
            tpu.yield
          }) : () -> ()
        }
        %scan3A_53 = arith.constant 25 : i32
      }
      %scan3A_42 = arith.constant 32 : i32
      %barrier3A_43 = arith.constant 0 : index
      tpu.barrier barrier_id(%barrier3A_43)
      "tpu.region"() ({
        %run_scoped3A = tpu.sem_alloc : memref<!tpu.dma_semaphore, #tpu.memory_space<semaphore_mem>>
        %dma_start3A = arith.constant 0 : i32
        %dma_start3A_45 = tpu.memref_slice %arg18[%mul3A_0, %dma_start3A] : memref<50000x32xf32, #tpu.memory_space<hbm>> -> memref<3125x32xf32, #tpu.memory_space<hbm>>
        %dma_start3A_46 = arith.constant 0 : i32
        %dma_start3A_47 = tpu.memref_slice %arg25[%mul3A_0, %dma_start3A_46] : memref<50000x32xf32, #tpu.memory_space<vmem_shared>> -> memref<3125x32xf32, #tpu.memory_space<vmem_shared>>
        tpu.enqueue_dma source(%dma_start3A_47 : memref<3125x32xf32, #tpu.memory_space<vmem_shared>>) target(%dma_start3A_45 : memref<3125x32xf32, #tpu.memory_space<hbm>>) target_semaphore(%run_scoped3A : memref<!tpu.dma_semaphore, #tpu.memory_space<semaphore_mem>>)
        %dma_wait3A = arith.constant 0 : i32
        %dma_wait3A_48 = tpu.memref_slice %arg18[%mul3A_0, %dma_wait3A] : memref<50000x32xf32, #tpu.memory_space<hbm>> -> memref<3125x32xf32, #tpu.memory_space<hbm>>
        %dma_wait3A_49 = arith.constant 0 : i32
        %dma_wait3A_50 = tpu.memref_slice %arg25[%mul3A_0, %dma_wait3A_49] : memref<50000x32xf32, #tpu.memory_space<vmem_shared>> -> memref<3125x32xf32, #tpu.memory_space<vmem_shared>>
        tpu.wait_dma2 semaphore(%run_scoped3A : memref<!tpu.dma_semaphore, #tpu.memory_space<semaphore_mem>>) src(%dma_wait3A_50 : memref<3125x32xf32, #tpu.memory_space<vmem_shared>>) dst(%dma_wait3A_48 : memref<3125x32xf32, #tpu.memory_space<hbm>>)
        tpu.yield
      }) : () -> ()
      %barrier3A_44 = arith.constant 0 : index
      tpu.barrier barrier_id(%barrier3A_44)
    } else {
    }
    %eq3A_28 = arith.constant 1 : i32
    %eq3A_29 = arith.cmpi eq, %arg0, %eq3A_28 : i32
    %convert_element_type3A_30 = arith.extui %eq3A_29 : i1 to i32
    %cond3A_31 = arith.constant 0 : i32
    %cond3A_32 = arith.cmpi ne, %convert_element_type3A_30, %cond3A_31 : i32
    scf.if %cond3A_32 {
      "tpu.region"() ({
        %run_scoped3A = tpu.sem_alloc : memref<!tpu.dma_semaphore, #tpu.memory_space<semaphore_mem>>
        %dma_start3A = arith.constant 0 : i32
        %dma_start3A_45 = tpu.memref_slice %arg25[%mul3A_0, %dma_start3A] : memref<50000x32xf32, #tpu.memory_space<vmem_shared>> -> memref<3125x32xf32, #tpu.memory_space<vmem_shared>>
        tpu.enqueue_dma source(%arg12 : memref<3125x32xf32, #tpu.memory_space<hbm>>) target(%dma_start3A_45 : memref<3125x32xf32, #tpu.memory_space<vmem_shared>>) target_semaphore(%run_scoped3A : memref<!tpu.dma_semaphore, #tpu.memory_space<semaphore_mem>>)
        %dma_wait3A = arith.constant 0 : i32
        %dma_wait3A_46 = tpu.memref_slice %arg25[%mul3A_0, %dma_wait3A] : memref<50000x32xf32, #tpu.memory_space<vmem_shared>> -> memref<3125x32xf32, #tpu.memory_space<vmem_shared>>
        tpu.wait_dma2 semaphore(%run_scoped3A : memref<!tpu.dma_semaphore, #tpu.memory_space<semaphore_mem>>) src(%arg12 : memref<3125x32xf32, #tpu.memory_space<hbm>>) dst(%dma_wait3A_46 : memref<3125x32xf32, #tpu.memory_space<vmem_shared>>)
        tpu.yield
      }) : () -> ()
      %barrier3A = arith.constant 0 : index
      tpu.barrier barrier_id(%barrier3A)
      %scan3A = arith.constant 0 : i32
      %scan3A_38 = arith.constant 0 : i32
      %scan3A_39 = arith.constant 32 : i32
      %scan3A_40 = arith.addi %scan3A_38, %scan3A_39 : i32
      %scan3A_41 = arith.constant 1 : i32
      scf.for %scan3A_45 = %scan3A_38 to %scan3A_40 step %scan3A_41  : i32 {
        %mul3A_46 = arith.constant 32 : i32
        %mul3A_47 = arith.muli %arg1, %mul3A_46 : i32
        %add3A = arith.addi %mul3A_47, %scan3A_45 : i32
        "tpu.region"() ({
          %run_scoped3A = tpu.sem_alloc : memref<!tpu.dma_semaphore, #tpu.memory_space<semaphore_mem>>
          %dma_start3A = arith.constant 0 : i32
          %dma_start3A_54 = arith.constant 0 : i32
          %dma_start3A_55 = tpu.memref_slice %arg10[%add3A, %dma_start3A, %dma_start3A_54] : memref<512x25x125xi32, #tpu.memory_space<hbm>> -> memref<1x25x125xi32, #tpu.memory_space<hbm>>
          %dma_start3A_56 = tpu.memref_squeeze %dma_start3A_55 : memref<1x25x125xi32, #tpu.memory_space<hbm>> -> memref<25x125xi32, #tpu.memory_space<hbm>>
          %dma_start3A_57 = arith.constant 0 : i32
          %dma_start3A_58 = arith.constant 0 : i32
          %dma_start3A_59 = tpu.memref_slice %arg10[%add3A, %dma_start3A_57, %dma_start3A_58] : memref<512x25x125xi32, #tpu.memory_space<hbm>> -> memref<1x25x125xi32, #tpu.memory_space<hbm>>
          %dma_start3A_60 = tpu.memref_squeeze %dma_start3A_59 : memref<1x25x125xi32, #tpu.memory_space<hbm>> -> memref<25x125xi32, #tpu.memory_space<hbm>>
          tpu.enqueue_dma source(%dma_start3A_60 : memref<25x125xi32, #tpu.memory_space<hbm>>) target(%arg21 : memref<25x125xi32, #tpu.memory_space<vmem>>) target_semaphore(%run_scoped3A : memref<!tpu.dma_semaphore, #tpu.memory_space<semaphore_mem>>)
          %dma_wait3A = arith.constant 0 : i32
          %dma_wait3A_61 = arith.constant 0 : i32
          %dma_wait3A_62 = tpu.memref_slice %arg10[%add3A, %dma_wait3A, %dma_wait3A_61] : memref<512x25x125xi32, #tpu.memory_space<hbm>> -> memref<1x25x125xi32, #tpu.memory_space<hbm>>
          %dma_wait3A_63 = tpu.memref_squeeze %dma_wait3A_62 : memref<1x25x125xi32, #tpu.memory_space<hbm>> -> memref<25x125xi32, #tpu.memory_space<hbm>>
          %dma_wait3A_64 = arith.constant 0 : i32
          %dma_wait3A_65 = arith.constant 0 : i32
          %dma_wait3A_66 = tpu.memref_slice %arg10[%add3A, %dma_wait3A_64, %dma_wait3A_65] : memref<512x25x125xi32, #tpu.memory_space<hbm>> -> memref<1x25x125xi32, #tpu.memory_space<hbm>>
          %dma_wait3A_67 = tpu.memref_squeeze %dma_wait3A_66 : memref<1x25x125xi32, #tpu.memory_space<hbm>> -> memref<25x125xi32, #tpu.memory_space<hbm>>
          tpu.wait_dma2 semaphore(%run_scoped3A : memref<!tpu.dma_semaphore, #tpu.memory_space<semaphore_mem>>) src(%dma_wait3A_67 : memref<25x125xi32, #tpu.memory_space<hbm>>) dst(%arg21 : memref<25x125xi32, #tpu.memory_space<vmem>>)
          tpu.yield
        }) : () -> ()
        "tpu.region"() ({
          %run_scoped3A = tpu.sem_alloc : memref<!tpu.dma_semaphore, #tpu.memory_space<semaphore_mem>>
          %dma_start3A = arith.constant 0 : i32
          %dma_start3A_54 = arith.constant 0 : i32
          %dma_start3A_55 = tpu.memref_slice %arg11[%add3A, %dma_start3A, %dma_start3A_54] : memref<512x25x125xi32, #tpu.memory_space<hbm>> -> memref<1x25x125xi32, #tpu.memory_space<hbm>>
          %dma_start3A_56 = tpu.memref_squeeze %dma_start3A_55 : memref<1x25x125xi32, #tpu.memory_space<hbm>> -> memref<25x125xi32, #tpu.memory_space<hbm>>
          %dma_start3A_57 = arith.constant 0 : i32
          %dma_start3A_58 = arith.constant 0 : i32
          %dma_start3A_59 = tpu.memref_slice %arg11[%add3A, %dma_start3A_57, %dma_start3A_58] : memref<512x25x125xi32, #tpu.memory_space<hbm>> -> memref<1x25x125xi32, #tpu.memory_space<hbm>>
          %dma_start3A_60 = tpu.memref_squeeze %dma_start3A_59 : memref<1x25x125xi32, #tpu.memory_space<hbm>> -> memref<25x125xi32, #tpu.memory_space<hbm>>
          tpu.enqueue_dma source(%dma_start3A_60 : memref<25x125xi32, #tpu.memory_space<hbm>>) target(%arg22 : memref<25x125xi32, #tpu.memory_space<vmem>>) target_semaphore(%run_scoped3A : memref<!tpu.dma_semaphore, #tpu.memory_space<semaphore_mem>>)
          %dma_wait3A = arith.constant 0 : i32
          %dma_wait3A_61 = arith.constant 0 : i32
          %dma_wait3A_62 = tpu.memref_slice %arg11[%add3A, %dma_wait3A, %dma_wait3A_61] : memref<512x25x125xi32, #tpu.memory_space<hbm>> -> memref<1x25x125xi32, #tpu.memory_space<hbm>>
          %dma_wait3A_63 = tpu.memref_squeeze %dma_wait3A_62 : memref<1x25x125xi32, #tpu.memory_space<hbm>> -> memref<25x125xi32, #tpu.memory_space<hbm>>
          %dma_wait3A_64 = arith.constant 0 : i32
          %dma_wait3A_65 = arith.constant 0 : i32
          %dma_wait3A_66 = tpu.memref_slice %arg11[%add3A, %dma_wait3A_64, %dma_wait3A_65] : memref<512x25x125xi32, #tpu.memory_space<hbm>> -> memref<1x25x125xi32, #tpu.memory_space<hbm>>
          %dma_wait3A_67 = tpu.memref_squeeze %dma_wait3A_66 : memref<1x25x125xi32, #tpu.memory_space<hbm>> -> memref<25x125xi32, #tpu.memory_space<hbm>>
          tpu.wait_dma2 semaphore(%run_scoped3A : memref<!tpu.dma_semaphore, #tpu.memory_space<semaphore_mem>>) src(%dma_wait3A_67 : memref<25x125xi32, #tpu.memory_space<hbm>>) dst(%arg22 : memref<25x125xi32, #tpu.memory_space<vmem>>)
          tpu.yield
        }) : () -> ()
        %scan3A_48 = arith.constant 0 : i32
        %scan3A_49 = arith.constant 0 : i32
        %scan3A_50 = arith.constant 25 : i32
        %scan3A_51 = arith.addi %scan3A_49, %scan3A_50 : i32
        %scan3A_52 = arith.constant 1 : i32
        scf.for %scan3A_54 = %scan3A_49 to %scan3A_51 step %scan3A_52  : i32 {
          %dma_start3A = arith.constant 0 : i32
          %dma_start3A_55 = tpu.memref_slice %arg21[%scan3A_54, %dma_start3A] : memref<25x125xi32, #tpu.memory_space<vmem>> -> memref<1x125xi32, #tpu.memory_space<vmem>>
          %dma_start3A_56 = tpu.memref_squeeze %dma_start3A_55 : memref<1x125xi32, #tpu.memory_space<vmem>> -> memref<125xi32, #tpu.memory_space<vmem>>
          %dma_start3A_57 = arith.constant 0 : i32
          %dma_start3A_58 = arith.constant 0 : i32
          %dma_start3A_59 = tpu.memref_slice %arg8[%dma_start3A_57, %dma_start3A_58] : memref<50000x32xf32, #tpu.memory_space<hbm>> -> memref<50000x32xf32, #tpu.memory_space<hbm>>
          tpu.enqueue_indirect_dma source(%dma_start3A_59 : memref<50000x32xf32, #tpu.memory_space<hbm>>) target(%arg23 : memref<125x32xf32, #tpu.memory_space<vmem>>) offsets(%dma_start3A_56 : memref<125xi32, #tpu.memory_space<vmem>>) semaphore(%arg24 : memref<!tpu.dma_semaphore, #tpu.memory_space<semaphore_mem>>)
          %dma_wait3A = arith.constant 0 : i32
          %dma_wait3A_60 = tpu.memref_slice %arg21[%scan3A_54, %dma_wait3A] : memref<25x125xi32, #tpu.memory_space<vmem>> -> memref<1x125xi32, #tpu.memory_space<vmem>>
          %dma_wait3A_61 = tpu.memref_squeeze %dma_wait3A_60 : memref<1x125xi32, #tpu.memory_space<vmem>> -> memref<125xi32, #tpu.memory_space<vmem>>
          %dma_wait3A_62 = arith.constant 0 : i32
          %dma_wait3A_63 = arith.constant 0 : i32
          %dma_wait3A_64 = tpu.memref_slice %arg8[%dma_wait3A_62, %dma_wait3A_63] : memref<50000x32xf32, #tpu.memory_space<hbm>> -> memref<50000x32xf32, #tpu.memory_space<hbm>>
          tpu.wait_indirect_dma semaphore(%arg24 : memref<!tpu.dma_semaphore, #tpu.memory_space<semaphore_mem>>) src(%dma_wait3A_64 : memref<50000x32xf32, #tpu.memory_space<hbm>>) dst(%arg23 : memref<125x32xf32, #tpu.memory_space<vmem>>)
          "tpu.region"() ({
            %run_scoped3A = tpu.sem_alloc : memref<!tpu.dma_semaphore, #tpu.memory_space<semaphore_mem>>
            %dma_start3A_65 = arith.constant 0 : i32
            %dma_start3A_66 = tpu.memref_slice %arg22[%scan3A_54, %dma_start3A_65] : memref<25x125xi32, #tpu.memory_space<vmem>> -> memref<1x125xi32, #tpu.memory_space<vmem>>
            %dma_start3A_67 = tpu.memref_squeeze %dma_start3A_66 : memref<1x125xi32, #tpu.memory_space<vmem>> -> memref<125xi32, #tpu.memory_space<vmem>>
            %dma_start3A_68 = arith.constant 0 : i32
            %dma_start3A_69 = arith.constant 0 : i32
            %dma_start3A_70 = tpu.memref_slice %arg25[%dma_start3A_68, %dma_start3A_69] : memref<50000x32xf32, #tpu.memory_space<vmem_shared>> -> memref<50000x32xf32, #tpu.memory_space<vmem_shared>>
            tpu.enqueue_indirect_dma source(%arg23 : memref<125x32xf32, #tpu.memory_space<vmem>>) target(%dma_start3A_70 : memref<50000x32xf32, #tpu.memory_space<vmem_shared>>) offsets(%dma_start3A_67 : memref<125xi32, #tpu.memory_space<vmem>>) semaphore(%run_scoped3A : memref<!tpu.dma_semaphore, #tpu.memory_space<semaphore_mem>>) {add = true}
            %dma_wait3A_71 = arith.constant 0 : i32
            %dma_wait3A_72 = tpu.memref_slice %arg22[%scan3A_54, %dma_wait3A_71] : memref<25x125xi32, #tpu.memory_space<vmem>> -> memref<1x125xi32, #tpu.memory_space<vmem>>
            %dma_wait3A_73 = tpu.memref_squeeze %dma_wait3A_72 : memref<1x125xi32, #tpu.memory_space<vmem>> -> memref<125xi32, #tpu.memory_space<vmem>>
            %dma_wait3A_74 = arith.constant 0 : i32
            %dma_wait3A_75 = arith.constant 0 : i32
            %dma_wait3A_76 = tpu.memref_slice %arg25[%dma_wait3A_74, %dma_wait3A_75] : memref<50000x32xf32, #tpu.memory_space<vmem_shared>> -> memref<50000x32xf32, #tpu.memory_space<vmem_shared>>
            tpu.wait_indirect_dma semaphore(%run_scoped3A : memref<!tpu.dma_semaphore, #tpu.memory_space<semaphore_mem>>) src(%arg23 : memref<125x32xf32, #tpu.memory_space<vmem>>) dst(%dma_wait3A_76 : memref<50000x32xf32, #tpu.memory_space<vmem_shared>>)
            tpu.yield
          }) : () -> ()
        }
        %scan3A_53 = arith.constant 25 : i32
      }
      %scan3A_42 = arith.constant 32 : i32
      %barrier3A_43 = arith.constant 0 : index
      tpu.barrier barrier_id(%barrier3A_43)
      "tpu.region"() ({
        %run_scoped3A = tpu.sem_alloc : memref<!tpu.dma_semaphore, #tpu.memory_space<semaphore_mem>>
        %dma_start3A = arith.constant 0 : i32
        %dma_start3A_45 = tpu.memref_slice %arg19[%mul3A_0, %dma_start3A] : memref<50000x32xf32, #tpu.memory_space<hbm>> -> memref<3125x32xf32, #tpu.memory_space<hbm>>
        %dma_start3A_46 = arith.constant 0 : i32
        %dma_start3A_47 = tpu.memref_slice %arg25[%mul3A_0, %dma_start3A_46] : memref<50000x32xf32, #tpu.memory_space<vmem_shared>> -> memref<3125x32xf32, #tpu.memory_space<vmem_shared>>
        tpu.enqueue_dma source(%dma_start3A_47 : memref<3125x32xf32, #tpu.memory_space<vmem_shared>>) target(%dma_start3A_45 : memref<3125x32xf32, #tpu.memory_space<hbm>>) target_semaphore(%run_scoped3A : memref<!tpu.dma_semaphore, #tpu.memory_space<semaphore_mem>>)
        %dma_wait3A = arith.constant 0 : i32
        %dma_wait3A_48 = tpu.memref_slice %arg19[%mul3A_0, %dma_wait3A] : memref<50000x32xf32, #tpu.memory_space<hbm>> -> memref<3125x32xf32, #tpu.memory_space<hbm>>
        %dma_wait3A_49 = arith.constant 0 : i32
        %dma_wait3A_50 = tpu.memref_slice %arg25[%mul3A_0, %dma_wait3A_49] : memref<50000x32xf32, #tpu.memory_space<vmem_shared>> -> memref<3125x32xf32, #tpu.memory_space<vmem_shared>>
        tpu.wait_dma2 semaphore(%run_scoped3A : memref<!tpu.dma_semaphore, #tpu.memory_space<semaphore_mem>>) src(%dma_wait3A_50 : memref<3125x32xf32, #tpu.memory_space<vmem_shared>>) dst(%dma_wait3A_48 : memref<3125x32xf32, #tpu.memory_space<hbm>>)
        tpu.yield
      }) : () -> ()
      %barrier3A_44 = arith.constant 0 : index
      tpu.barrier barrier_id(%barrier3A_44)
    } else {
    }
    %eq3A_33 = arith.constant 1 : i32
    %eq3A_34 = arith.cmpi eq, %arg0, %eq3A_33 : i32
    %convert_element_type3A_35 = arith.extui %eq3A_34 : i1 to i32
    %cond3A_36 = arith.constant 0 : i32
    %cond3A_37 = arith.cmpi ne, %convert_element_type3A_35, %cond3A_36 : i32
    scf.if %cond3A_37 {
      "tpu.region"() ({
        %run_scoped3A = tpu.sem_alloc : memref<!tpu.dma_semaphore, #tpu.memory_space<semaphore_mem>>
        %dma_start3A = arith.constant 0 : i32
        %dma_start3A_45 = tpu.memref_slice %arg25[%mul3A_0, %dma_start3A] : memref<50000x32xf32, #tpu.memory_space<vmem_shared>> -> memref<3125x32xf32, #tpu.memory_space<vmem_shared>>
        tpu.enqueue_dma source(%arg12 : memref<3125x32xf32, #tpu.memory_space<hbm>>) target(%dma_start3A_45 : memref<3125x32xf32, #tpu.memory_space<vmem_shared>>) target_semaphore(%run_scoped3A : memref<!tpu.dma_semaphore, #tpu.memory_space<semaphore_mem>>)
        %dma_wait3A = arith.constant 0 : i32
        %dma_wait3A_46 = tpu.memref_slice %arg25[%mul3A_0, %dma_wait3A] : memref<50000x32xf32, #tpu.memory_space<vmem_shared>> -> memref<3125x32xf32, #tpu.memory_space<vmem_shared>>
        tpu.wait_dma2 semaphore(%run_scoped3A : memref<!tpu.dma_semaphore, #tpu.memory_space<semaphore_mem>>) src(%arg12 : memref<3125x32xf32, #tpu.memory_space<hbm>>) dst(%dma_wait3A_46 : memref<3125x32xf32, #tpu.memory_space<vmem_shared>>)
        tpu.yield
      }) : () -> ()
      %barrier3A = arith.constant 0 : index
      tpu.barrier barrier_id(%barrier3A)
      %scan3A = arith.constant 0 : i32
      %scan3A_38 = arith.constant 0 : i32
      %scan3A_39 = arith.constant 32 : i32
      %scan3A_40 = arith.addi %scan3A_38, %scan3A_39 : i32
      %scan3A_41 = arith.constant 1 : i32
      scf.for %scan3A_45 = %scan3A_38 to %scan3A_40 step %scan3A_41  : i32 {
        %mul3A_46 = arith.constant 32 : i32
        %mul3A_47 = arith.muli %arg1, %mul3A_46 : i32
        %add3A = arith.addi %mul3A_47, %scan3A_45 : i32
        "tpu.region"() ({
          %run_scoped3A = tpu.sem_alloc : memref<!tpu.dma_semaphore, #tpu.memory_space<semaphore_mem>>
          %dma_start3A = arith.constant 0 : i32
          %dma_start3A_54 = arith.constant 0 : i32
          %dma_start3A_55 = tpu.memref_slice %arg10[%add3A, %dma_start3A, %dma_start3A_54] : memref<512x25x125xi32, #tpu.memory_space<hbm>> -> memref<1x25x125xi32, #tpu.memory_space<hbm>>
          %dma_start3A_56 = tpu.memref_squeeze %dma_start3A_55 : memref<1x25x125xi32, #tpu.memory_space<hbm>> -> memref<25x125xi32, #tpu.memory_space<hbm>>
          %dma_start3A_57 = arith.constant 0 : i32
          %dma_start3A_58 = arith.constant 0 : i32
          %dma_start3A_59 = tpu.memref_slice %arg10[%add3A, %dma_start3A_57, %dma_start3A_58] : memref<512x25x125xi32, #tpu.memory_space<hbm>> -> memref<1x25x125xi32, #tpu.memory_space<hbm>>
          %dma_start3A_60 = tpu.memref_squeeze %dma_start3A_59 : memref<1x25x125xi32, #tpu.memory_space<hbm>> -> memref<25x125xi32, #tpu.memory_space<hbm>>
          tpu.enqueue_dma source(%dma_start3A_60 : memref<25x125xi32, #tpu.memory_space<hbm>>) target(%arg21 : memref<25x125xi32, #tpu.memory_space<vmem>>) target_semaphore(%run_scoped3A : memref<!tpu.dma_semaphore, #tpu.memory_space<semaphore_mem>>)
          %dma_wait3A = arith.constant 0 : i32
          %dma_wait3A_61 = arith.constant 0 : i32
          %dma_wait3A_62 = tpu.memref_slice %arg10[%add3A, %dma_wait3A, %dma_wait3A_61] : memref<512x25x125xi32, #tpu.memory_space<hbm>> -> memref<1x25x125xi32, #tpu.memory_space<hbm>>
          %dma_wait3A_63 = tpu.memref_squeeze %dma_wait3A_62 : memref<1x25x125xi32, #tpu.memory_space<hbm>> -> memref<25x125xi32, #tpu.memory_space<hbm>>
          %dma_wait3A_64 = arith.constant 0 : i32
          %dma_wait3A_65 = arith.constant 0 : i32
          %dma_wait3A_66 = tpu.memref_slice %arg10[%add3A, %dma_wait3A_64, %dma_wait3A_65] : memref<512x25x125xi32, #tpu.memory_space<hbm>> -> memref<1x25x125xi32, #tpu.memory_space<hbm>>
          %dma_wait3A_67 = tpu.memref_squeeze %dma_wait3A_66 : memref<1x25x125xi32, #tpu.memory_space<hbm>> -> memref<25x125xi32, #tpu.memory_space<hbm>>
          tpu.wait_dma2 semaphore(%run_scoped3A : memref<!tpu.dma_semaphore, #tpu.memory_space<semaphore_mem>>) src(%dma_wait3A_67 : memref<25x125xi32, #tpu.memory_space<hbm>>) dst(%arg21 : memref<25x125xi32, #tpu.memory_space<vmem>>)
          tpu.yield
        }) : () -> ()
        "tpu.region"() ({
          %run_scoped3A = tpu.sem_alloc : memref<!tpu.dma_semaphore, #tpu.memory_space<semaphore_mem>>
          %dma_start3A = arith.constant 0 : i32
          %dma_start3A_54 = arith.constant 0 : i32
          %dma_start3A_55 = tpu.memref_slice %arg11[%add3A, %dma_start3A, %dma_start3A_54] : memref<512x25x125xi32, #tpu.memory_space<hbm>> -> memref<1x25x125xi32, #tpu.memory_space<hbm>>
          %dma_start3A_56 = tpu.memref_squeeze %dma_start3A_55 : memref<1x25x125xi32, #tpu.memory_space<hbm>> -> memref<25x125xi32, #tpu.memory_space<hbm>>
          %dma_start3A_57 = arith.constant 0 : i32
          %dma_start3A_58 = arith.constant 0 : i32
          %dma_start3A_59 = tpu.memref_slice %arg11[%add3A, %dma_start3A_57, %dma_start3A_58] : memref<512x25x125xi32, #tpu.memory_space<hbm>> -> memref<1x25x125xi32, #tpu.memory_space<hbm>>
          %dma_start3A_60 = tpu.memref_squeeze %dma_start3A_59 : memref<1x25x125xi32, #tpu.memory_space<hbm>> -> memref<25x125xi32, #tpu.memory_space<hbm>>
          tpu.enqueue_dma source(%dma_start3A_60 : memref<25x125xi32, #tpu.memory_space<hbm>>) target(%arg22 : memref<25x125xi32, #tpu.memory_space<vmem>>) target_semaphore(%run_scoped3A : memref<!tpu.dma_semaphore, #tpu.memory_space<semaphore_mem>>)
          %dma_wait3A = arith.constant 0 : i32
          %dma_wait3A_61 = arith.constant 0 : i32
          %dma_wait3A_62 = tpu.memref_slice %arg11[%add3A, %dma_wait3A, %dma_wait3A_61] : memref<512x25x125xi32, #tpu.memory_space<hbm>> -> memref<1x25x125xi32, #tpu.memory_space<hbm>>
          %dma_wait3A_63 = tpu.memref_squeeze %dma_wait3A_62 : memref<1x25x125xi32, #tpu.memory_space<hbm>> -> memref<25x125xi32, #tpu.memory_space<hbm>>
          %dma_wait3A_64 = arith.constant 0 : i32
          %dma_wait3A_65 = arith.constant 0 : i32
          %dma_wait3A_66 = tpu.memref_slice %arg11[%add3A, %dma_wait3A_64, %dma_wait3A_65] : memref<512x25x125xi32, #tpu.memory_space<hbm>> -> memref<1x25x125xi32, #tpu.memory_space<hbm>>
          %dma_wait3A_67 = tpu.memref_squeeze %dma_wait3A_66 : memref<1x25x125xi32, #tpu.memory_space<hbm>> -> memref<25x125xi32, #tpu.memory_space<hbm>>
          tpu.wait_dma2 semaphore(%run_scoped3A : memref<!tpu.dma_semaphore, #tpu.memory_space<semaphore_mem>>) src(%dma_wait3A_67 : memref<25x125xi32, #tpu.memory_space<hbm>>) dst(%arg22 : memref<25x125xi32, #tpu.memory_space<vmem>>)
          tpu.yield
        }) : () -> ()
        %scan3A_48 = arith.constant 0 : i32
        %scan3A_49 = arith.constant 0 : i32
        %scan3A_50 = arith.constant 25 : i32
        %scan3A_51 = arith.addi %scan3A_49, %scan3A_50 : i32
        %scan3A_52 = arith.constant 1 : i32
        scf.for %scan3A_54 = %scan3A_49 to %scan3A_51 step %scan3A_52  : i32 {
          %dma_start3A = arith.constant 0 : i32
          %dma_start3A_55 = tpu.memref_slice %arg21[%scan3A_54, %dma_start3A] : memref<25x125xi32, #tpu.memory_space<vmem>> -> memref<1x125xi32, #tpu.memory_space<vmem>>
          %dma_start3A_56 = tpu.memref_squeeze %dma_start3A_55 : memref<1x125xi32, #tpu.memory_space<vmem>> -> memref<125xi32, #tpu.memory_space<vmem>>
          %dma_start3A_57 = arith.constant 0 : i32
          %dma_start3A_58 = arith.constant 0 : i32
          %dma_start3A_59 = tpu.memref_slice %arg9[%dma_start3A_57, %dma_start3A_58] : memref<50000x32xf32, #tpu.memory_space<hbm>> -> memref<50000x32xf32, #tpu.memory_space<hbm>>
          tpu.enqueue_indirect_dma source(%dma_start3A_59 : memref<50000x32xf32, #tpu.memory_space<hbm>>) target(%arg23 : memref<125x32xf32, #tpu.memory_space<vmem>>) offsets(%dma_start3A_56 : memref<125xi32, #tpu.memory_space<vmem>>) semaphore(%arg24 : memref<!tpu.dma_semaphore, #tpu.memory_space<semaphore_mem>>)
          %dma_wait3A = arith.constant 0 : i32
          %dma_wait3A_60 = tpu.memref_slice %arg21[%scan3A_54, %dma_wait3A] : memref<25x125xi32, #tpu.memory_space<vmem>> -> memref<1x125xi32, #tpu.memory_space<vmem>>
          %dma_wait3A_61 = tpu.memref_squeeze %dma_wait3A_60 : memref<1x125xi32, #tpu.memory_space<vmem>> -> memref<125xi32, #tpu.memory_space<vmem>>
          %dma_wait3A_62 = arith.constant 0 : i32
          %dma_wait3A_63 = arith.constant 0 : i32
          %dma_wait3A_64 = tpu.memref_slice %arg9[%dma_wait3A_62, %dma_wait3A_63] : memref<50000x32xf32, #tpu.memory_space<hbm>> -> memref<50000x32xf32, #tpu.memory_space<hbm>>
          tpu.wait_indirect_dma semaphore(%arg24 : memref<!tpu.dma_semaphore, #tpu.memory_space<semaphore_mem>>) src(%dma_wait3A_64 : memref<50000x32xf32, #tpu.memory_space<hbm>>) dst(%arg23 : memref<125x32xf32, #tpu.memory_space<vmem>>)
          "tpu.region"() ({
            %run_scoped3A = tpu.sem_alloc : memref<!tpu.dma_semaphore, #tpu.memory_space<semaphore_mem>>
            %dma_start3A_65 = arith.constant 0 : i32
            %dma_start3A_66 = tpu.memref_slice %arg22[%scan3A_54, %dma_start3A_65] : memref<25x125xi32, #tpu.memory_space<vmem>> -> memref<1x125xi32, #tpu.memory_space<vmem>>
            %dma_start3A_67 = tpu.memref_squeeze %dma_start3A_66 : memref<1x125xi32, #tpu.memory_space<vmem>> -> memref<125xi32, #tpu.memory_space<vmem>>
            %dma_start3A_68 = arith.constant 0 : i32
            %dma_start3A_69 = arith.constant 0 : i32
            %dma_start3A_70 = tpu.memref_slice %arg25[%dma_start3A_68, %dma_start3A_69] : memref<50000x32xf32, #tpu.memory_space<vmem_shared>> -> memref<50000x32xf32, #tpu.memory_space<vmem_shared>>
            tpu.enqueue_indirect_dma source(%arg23 : memref<125x32xf32, #tpu.memory_space<vmem>>) target(%dma_start3A_70 : memref<50000x32xf32, #tpu.memory_space<vmem_shared>>) offsets(%dma_start3A_67 : memref<125xi32, #tpu.memory_space<vmem>>) semaphore(%run_scoped3A : memref<!tpu.dma_semaphore, #tpu.memory_space<semaphore_mem>>) {add = true}
            %dma_wait3A_71 = arith.constant 0 : i32
            %dma_wait3A_72 = tpu.memref_slice %arg22[%scan3A_54, %dma_wait3A_71] : memref<25x125xi32, #tpu.memory_space<vmem>> -> memref<1x125xi32, #tpu.memory_space<vmem>>
            %dma_wait3A_73 = tpu.memref_squeeze %dma_wait3A_72 : memref<1x125xi32, #tpu.memory_space<vmem>> -> memref<125xi32, #tpu.memory_space<vmem>>
            %dma_wait3A_74 = arith.constant 0 : i32
            %dma_wait3A_75 = arith.constant 0 : i32
            %dma_wait3A_76 = tpu.memref_slice %arg25[%dma_wait3A_74, %dma_wait3A_75] : memref<50000x32xf32, #tpu.memory_space<vmem_shared>> -> memref<50000x32xf32, #tpu.memory_space<vmem_shared>>
            tpu.wait_indirect_dma semaphore(%run_scoped3A : memref<!tpu.dma_semaphore, #tpu.memory_space<semaphore_mem>>) src(%arg23 : memref<125x32xf32, #tpu.memory_space<vmem>>) dst(%dma_wait3A_76 : memref<50000x32xf32, #tpu.memory_space<vmem_shared>>)
            tpu.yield
          }) : () -> ()
        }
        %scan3A_53 = arith.constant 25 : i32
      }
      %scan3A_42 = arith.constant 32 : i32
      %barrier3A_43 = arith.constant 0 : index
      tpu.barrier barrier_id(%barrier3A_43)
      "tpu.region"() ({
        %run_scoped3A = tpu.sem_alloc : memref<!tpu.dma_semaphore, #tpu.memory_space<semaphore_mem>>
        %dma_start3A = arith.constant 0 : i32
        %dma_start3A_45 = tpu.memref_slice %arg20[%mul3A_0, %dma_start3A] : memref<50000x32xf32, #tpu.memory_space<hbm>> -> memref<3125x32xf32, #tpu.memory_space<hbm>>
        %dma_start3A_46 = arith.constant 0 : i32
        %dma_start3A_47 = tpu.memref_slice %arg25[%mul3A_0, %dma_start3A_46] : memref<50000x32xf32, #tpu.memory_space<vmem_shared>> -> memref<3125x32xf32, #tpu.memory_space<vmem_shared>>
        tpu.enqueue_dma source(%dma_start3A_47 : memref<3125x32xf32, #tpu.memory_space<vmem_shared>>) target(%dma_start3A_45 : memref<3125x32xf32, #tpu.memory_space<hbm>>) target_semaphore(%run_scoped3A : memref<!tpu.dma_semaphore, #tpu.memory_space<semaphore_mem>>)
        %dma_wait3A = arith.constant 0 : i32
        %dma_wait3A_48 = tpu.memref_slice %arg20[%mul3A_0, %dma_wait3A] : memref<50000x32xf32, #tpu.memory_space<hbm>> -> memref<3125x32xf32, #tpu.memory_space<hbm>>
        %dma_wait3A_49 = arith.constant 0 : i32
        %dma_wait3A_50 = tpu.memref_slice %arg25[%mul3A_0, %dma_wait3A_49] : memref<50000x32xf32, #tpu.memory_space<vmem_shared>> -> memref<3125x32xf32, #tpu.memory_space<vmem_shared>>
        tpu.wait_dma2 semaphore(%run_scoped3A : memref<!tpu.dma_semaphore, #tpu.memory_space<semaphore_mem>>) src(%dma_wait3A_50 : memref<3125x32xf32, #tpu.memory_space<vmem_shared>>) dst(%dma_wait3A_48 : memref<3125x32xf32, #tpu.memory_space<hbm>>)
        tpu.yield
      }) : () -> ()
      %barrier3A_44 = arith.constant 0 : index
      tpu.barrier barrier_id(%barrier3A_44)
    } else {
    }
    return
  }
}

module attributes {stable_mosaic.version = 14 : i64} {
  func.func @_tca_body(%arg0: i32, %arg1: memref<1000x2xf32, #tpu.memory_space<vmem>>, %arg2: memref<1000x32xf32, #tpu.memory_space<vmem>>, %arg3: memref<1000x32xf32, #tpu.memory_space<vmem>>, %arg4: memref<1x256xf32, #tpu.memory_space<vmem>>, %arg5: memref<1x256xf32, #tpu.memory_space<vmem>>, %arg6: memref<1x256xf32, #tpu.memory_space<vmem>>, %arg7: memref<1x256xf32, #tpu.memory_space<vmem>>, %arg8: memref<256x128xf32, #tpu.memory_space<vmem>>, %arg9: memref<1x128xf32, #tpu.memory_space<vmem>>, %arg10: memref<1000x32xf32, #tpu.memory_space<vmem>>, %arg11: memref<1000x32xf32, #tpu.memory_space<vmem>>, %arg12: memref<1000x32xf32, #tpu.memory_space<vmem>>, %arg13: memref<1000x32xf32, #tpu.memory_space<vmem>>, %arg14: memref<1000x32xf32, #tpu.memory_space<vmem>>, %arg15: memref<1000x32xf32, #tpu.memory_space<vmem>>, %arg16: memref<1000x32xf32, #tpu.memory_space<vmem>>, %arg17: memref<1000x32xf32, #tpu.memory_space<vmem>>) attributes {dimension_semantics = [#tpu.dimension_semantics<arbitrary>], iteration_bounds = array<i64: 50>, scalar_prefetch = 0 : i64, scratch_operands = 0 : i64, tpu.core_type = #tpu.core_type<tc>, window_params = [{transform_indices = @transform_0, window_bounds = array<i64: 1000, 2>}, {transform_indices = @transform_1, window_bounds = array<i64: 1000, 32>}, {transform_indices = @transform_2, window_bounds = array<i64: 1000, 32>}, {pipeline_mode = #tpu.pipeline_mode<synchronous>, transform_indices = @transform_3, window_bounds = array<i64: 1, 256>}, {pipeline_mode = #tpu.pipeline_mode<synchronous>, transform_indices = @transform_4, window_bounds = array<i64: 1, 256>}, {pipeline_mode = #tpu.pipeline_mode<synchronous>, transform_indices = @transform_5, window_bounds = array<i64: 1, 256>}, {pipeline_mode = #tpu.pipeline_mode<synchronous>, transform_indices = @transform_6, window_bounds = array<i64: 1, 256>}, {pipeline_mode = #tpu.pipeline_mode<synchronous>, transform_indices = @transform_7, window_bounds = array<i64: 256, 128>}, {pipeline_mode = #tpu.pipeline_mode<synchronous>, transform_indices = @transform_8, window_bounds = array<i64: 1, 128>}, {transform_indices = @transform_9, window_bounds = array<i64: 1000, 32>}, {transform_indices = @transform_10, window_bounds = array<i64: 1000, 32>}, {transform_indices = @transform_11, window_bounds = array<i64: 1000, 32>}, {transform_indices = @transform_12, window_bounds = array<i64: 1000, 32>}, {transform_indices = @transform_13, window_bounds = array<i64: 1000, 32>}, {transform_indices = @transform_14, window_bounds = array<i64: 1000, 32>}, {transform_indices = @transform_15, window_bounds = array<i64: 1000, 32>}, {transform_indices = @transform_16, window_bounds = array<i64: 1000, 32>}]} {
    %get3A = arith.constant 0 : index
    %get3A_0 = arith.constant 1 : index
    %get3A_1 = vector.load %arg1[%get3A, %get3A_0] : memref<1000x2xf32, #tpu.memory_space<vmem>>, vector<1000x1xf32>
    %get3A_2 = arith.constant 0 : index
    %get3A_3 = arith.constant 0 : index
    %get3A_4 = vector.load %arg2[%get3A_2, %get3A_3] : memref<1000x32xf32, #tpu.memory_space<vmem>>, vector<1000x32xf32>
    %reduce_sum3A = arith.constant dense<0.000000e+00> : vector<1000xf32>
    %reduce_sum3A_5 = vector.multi_reduction <add>, %get3A_4, %reduce_sum3A [1] : vector<1000x32xf32> to vector<1000xf32>
    %broadcast_in_dim3A = vector.shape_cast %reduce_sum3A_5 : vector<1000xf32> to vector<1000x1xf32>
    %add3A = arith.addf %get3A_1, %broadcast_in_dim3A : vector<1000x1xf32>
    %get3A_6 = arith.constant 0 : index
    %get3A_7 = arith.constant 0 : index
    %get3A_8 = vector.load %arg1[%get3A_6, %get3A_7] : memref<1000x2xf32, #tpu.memory_space<vmem>>, vector<1000x1xf32>
    %get3A_9 = arith.constant 0 : index
    %get3A_10 = arith.constant 0 : index
    %get3A_11 = vector.load %arg3[%get3A_9, %get3A_10] : memref<1000x32xf32, #tpu.memory_space<vmem>>, vector<1000x32xf32>
    %reduce_sum3A_12 = arith.constant dense<0.000000e+00> : vector<1000xf32>
    %reduce_sum3A_13 = vector.multi_reduction <add>, %get3A_11, %reduce_sum3A_12 [1] : vector<1000x32xf32> to vector<1000xf32>
    %broadcast_in_dim3A_14 = vector.shape_cast %reduce_sum3A_13 : vector<1000xf32> to vector<1000x1xf32>
    %add3A_15 = arith.addf %get3A_8, %broadcast_in_dim3A_14 : vector<1000x1xf32>
    %get3A_16 = arith.constant 0 : index
    %get3A_17 = arith.constant 0 : index
    %get3A_18 = vector.load %arg4[%get3A_16, %get3A_17] : memref<1x256xf32, #tpu.memory_space<vmem>>, vector<1x256xf32>
    %mul3A = vector.broadcast %add3A : vector<1000x1xf32> to vector<1000x256xf32>
    %mul3A_19 = vector.broadcast %get3A_18 : vector<1x256xf32> to vector<1000x256xf32>
    %mul3A_20 = arith.mulf %mul3A, %mul3A_19 : vector<1000x256xf32>
    %get3A_21 = arith.constant 0 : index
    %get3A_22 = arith.constant 0 : index
    %get3A_23 = vector.load %arg5[%get3A_21, %get3A_22] : memref<1x256xf32, #tpu.memory_space<vmem>>, vector<1x256xf32>
    %add3A_24 = vector.broadcast %get3A_23 : vector<1x256xf32> to vector<1000x256xf32>
    %add3A_25 = arith.addf %mul3A_20, %add3A_24 : vector<1000x256xf32>
    %get3A_26 = arith.constant 0 : index
    %get3A_27 = arith.constant 0 : index
    %get3A_28 = vector.load %arg6[%get3A_26, %get3A_27] : memref<1x256xf32, #tpu.memory_space<vmem>>, vector<1x256xf32>
    %mul3A_29 = vector.broadcast %get3A_28 : vector<1x256xf32> to vector<1000x256xf32>
    %mul3A_30 = arith.mulf %add3A_25, %mul3A_29 : vector<1000x256xf32>
    %get3A_31 = arith.constant 0 : index
    %get3A_32 = arith.constant 0 : index
    %get3A_33 = vector.load %arg7[%get3A_31, %get3A_32] : memref<1x256xf32, #tpu.memory_space<vmem>>, vector<1x256xf32>
    %add3A_34 = vector.broadcast %get3A_33 : vector<1x256xf32> to vector<1000x256xf32>
    %add3A_35 = arith.addf %mul3A_30, %add3A_34 : vector<1000x256xf32>
    %max3A = arith.constant 0.000000e+00 : f32
    %max3A_36 = vector.broadcast %max3A : f32 to vector<1000x256xf32>
    %max3A_37 = arith.maximumf %add3A_35, %max3A_36 : vector<1000x256xf32>
    %get3A_38 = arith.constant 0 : index
    %get3A_39 = arith.constant 0 : index
    %get3A_40 = vector.load %arg8[%get3A_38, %get3A_39] : memref<256x128xf32, #tpu.memory_space<vmem>>, vector<256x128xf32>
    %dot_general3A = arith.constant dense<0.000000e+00> : vector<1000x128xf32>
    %dot_general3A_41 = tpu.matmul %max3A_37, %get3A_40, %dot_general3A {dimension_numbers = #tpu.dot_dimension_numbers<[1], [0], [0], [1], [0, 0, 1, 1], [], []>, transpose_lhs_hint = false} : vector<1000x256xf32>, vector<256x128xf32>, vector<1000x128xf32> -> vector<1000x128xf32>
    %get3A_42 = arith.constant 0 : index
    %get3A_43 = arith.constant 0 : index
    %get3A_44 = vector.load %arg9[%get3A_42, %get3A_43] : memref<1x128xf32, #tpu.memory_space<vmem>>, vector<1x128xf32>
    %add3A_45 = vector.broadcast %get3A_44 : vector<1x128xf32> to vector<1000x128xf32>
    %add3A_46 = arith.addf %dot_general3A_41, %add3A_45 : vector<1000x128xf32>
    %get3A_47 = arith.constant 0 : index
    %get3A_48 = arith.constant 0 : index
    %get3A_49 = vector.load %arg4[%get3A_47, %get3A_48] : memref<1x256xf32, #tpu.memory_space<vmem>>, vector<1x256xf32>
    %mul3A_50 = vector.broadcast %add3A_15 : vector<1000x1xf32> to vector<1000x256xf32>
    %mul3A_51 = vector.broadcast %get3A_49 : vector<1x256xf32> to vector<1000x256xf32>
    %mul3A_52 = arith.mulf %mul3A_50, %mul3A_51 : vector<1000x256xf32>
    %get3A_53 = arith.constant 0 : index
    %get3A_54 = arith.constant 0 : index
    %get3A_55 = vector.load %arg5[%get3A_53, %get3A_54] : memref<1x256xf32, #tpu.memory_space<vmem>>, vector<1x256xf32>
    %add3A_56 = vector.broadcast %get3A_55 : vector<1x256xf32> to vector<1000x256xf32>
    %add3A_57 = arith.addf %mul3A_52, %add3A_56 : vector<1000x256xf32>
    %get3A_58 = arith.constant 0 : index
    %get3A_59 = arith.constant 0 : index
    %get3A_60 = vector.load %arg6[%get3A_58, %get3A_59] : memref<1x256xf32, #tpu.memory_space<vmem>>, vector<1x256xf32>
    %mul3A_61 = vector.broadcast %get3A_60 : vector<1x256xf32> to vector<1000x256xf32>
    %mul3A_62 = arith.mulf %add3A_57, %mul3A_61 : vector<1000x256xf32>
    %get3A_63 = arith.constant 0 : index
    %get3A_64 = arith.constant 0 : index
    %get3A_65 = vector.load %arg7[%get3A_63, %get3A_64] : memref<1x256xf32, #tpu.memory_space<vmem>>, vector<1x256xf32>
    %add3A_66 = vector.broadcast %get3A_65 : vector<1x256xf32> to vector<1000x256xf32>
    %add3A_67 = arith.addf %mul3A_62, %add3A_66 : vector<1000x256xf32>
    %max3A_68 = arith.constant 0.000000e+00 : f32
    %max3A_69 = vector.broadcast %max3A_68 : f32 to vector<1000x256xf32>
    %max3A_70 = arith.maximumf %add3A_67, %max3A_69 : vector<1000x256xf32>
    %get3A_71 = arith.constant 0 : index
    %get3A_72 = arith.constant 0 : index
    %get3A_73 = vector.load %arg8[%get3A_71, %get3A_72] : memref<256x128xf32, #tpu.memory_space<vmem>>, vector<256x128xf32>
    %dot_general3A_74 = arith.constant dense<0.000000e+00> : vector<1000x128xf32>
    %dot_general3A_75 = tpu.matmul %max3A_70, %get3A_73, %dot_general3A_74 {dimension_numbers = #tpu.dot_dimension_numbers<[1], [0], [0], [1], [0, 0, 1, 1], [], []>, transpose_lhs_hint = false} : vector<1000x256xf32>, vector<256x128xf32>, vector<1000x128xf32> -> vector<1000x128xf32>
    %get3A_76 = arith.constant 0 : index
    %get3A_77 = arith.constant 0 : index
    %get3A_78 = vector.load %arg9[%get3A_76, %get3A_77] : memref<1x128xf32, #tpu.memory_space<vmem>>, vector<1x128xf32>
    %add3A_79 = vector.broadcast %get3A_78 : vector<1x128xf32> to vector<1000x128xf32>
    %add3A_80 = arith.addf %dot_general3A_75, %add3A_79 : vector<1000x128xf32>
    %slice3A = vector.extract_strided_slice %add3A_46 {offsets = [0, 0], sizes = [1000, 32], strides = [1, 1]} : vector<1000x128xf32> to vector<1000x32xf32>
    %swap3A = arith.constant 0 : index
    %swap3A_81 = arith.constant 0 : index
    %swap3A_82 = vector.load %arg10[%swap3A, %swap3A_81] : memref<1000x32xf32, #tpu.memory_space<vmem>>, vector<1000x32xf32>
    tpu.vector_store %arg10[%swap3A, %swap3A_81], %slice3A {strides = array<i32>} : memref<1000x32xf32, #tpu.memory_space<vmem>>, vector<1000x32xf32>,
    %slice3A_83 = vector.extract_strided_slice %add3A_80 {offsets = [0, 0], sizes = [1000, 32], strides = [1, 1]} : vector<1000x128xf32> to vector<1000x32xf32>
    %swap3A_84 = arith.constant 0 : index
    %swap3A_85 = arith.constant 0 : index
    %swap3A_86 = vector.load %arg14[%swap3A_84, %swap3A_85] : memref<1000x32xf32, #tpu.memory_space<vmem>>, vector<1000x32xf32>
    tpu.vector_store %arg14[%swap3A_84, %swap3A_85], %slice3A_83 {strides = array<i32>} : memref<1000x32xf32, #tpu.memory_space<vmem>>, vector<1000x32xf32>,
    %slice3A_87 = vector.extract_strided_slice %add3A_46 {offsets = [0, 32], sizes = [1000, 32], strides = [1, 1]} : vector<1000x128xf32> to vector<1000x32xf32>
    %swap3A_88 = arith.constant 0 : index
    %swap3A_89 = arith.constant 0 : index
    %swap3A_90 = vector.load %arg11[%swap3A_88, %swap3A_89] : memref<1000x32xf32, #tpu.memory_space<vmem>>, vector<1000x32xf32>
    tpu.vector_store %arg11[%swap3A_88, %swap3A_89], %slice3A_87 {strides = array<i32>} : memref<1000x32xf32, #tpu.memory_space<vmem>>, vector<1000x32xf32>,
    %slice3A_91 = vector.extract_strided_slice %add3A_80 {offsets = [0, 32], sizes = [1000, 32], strides = [1, 1]} : vector<1000x128xf32> to vector<1000x32xf32>
    %swap3A_92 = arith.constant 0 : index
    %swap3A_93 = arith.constant 0 : index
    %swap3A_94 = vector.load %arg15[%swap3A_92, %swap3A_93] : memref<1000x32xf32, #tpu.memory_space<vmem>>, vector<1000x32xf32>
    tpu.vector_store %arg15[%swap3A_92, %swap3A_93], %slice3A_91 {strides = array<i32>} : memref<1000x32xf32, #tpu.memory_space<vmem>>, vector<1000x32xf32>,
    %slice3A_95 = vector.extract_strided_slice %add3A_46 {offsets = [0, 64], sizes = [1000, 32], strides = [1, 1]} : vector<1000x128xf32> to vector<1000x32xf32>
    %swap3A_96 = arith.constant 0 : index
    %swap3A_97 = arith.constant 0 : index
    %swap3A_98 = vector.load %arg12[%swap3A_96, %swap3A_97] : memref<1000x32xf32, #tpu.memory_space<vmem>>, vector<1000x32xf32>
    tpu.vector_store %arg12[%swap3A_96, %swap3A_97], %slice3A_95 {strides = array<i32>} : memref<1000x32xf32, #tpu.memory_space<vmem>>, vector<1000x32xf32>,
    %slice3A_99 = vector.extract_strided_slice %add3A_80 {offsets = [0, 64], sizes = [1000, 32], strides = [1, 1]} : vector<1000x128xf32> to vector<1000x32xf32>
    %swap3A_100 = arith.constant 0 : index
    %swap3A_101 = arith.constant 0 : index
    %swap3A_102 = vector.load %arg16[%swap3A_100, %swap3A_101] : memref<1000x32xf32, #tpu.memory_space<vmem>>, vector<1000x32xf32>
    tpu.vector_store %arg16[%swap3A_100, %swap3A_101], %slice3A_99 {strides = array<i32>} : memref<1000x32xf32, #tpu.memory_space<vmem>>, vector<1000x32xf32>,
    %slice3A_103 = vector.extract_strided_slice %add3A_46 {offsets = [0, 96], sizes = [1000, 32], strides = [1, 1]} : vector<1000x128xf32> to vector<1000x32xf32>
    %swap3A_104 = arith.constant 0 : index
    %swap3A_105 = arith.constant 0 : index
    %swap3A_106 = vector.load %arg13[%swap3A_104, %swap3A_105] : memref<1000x32xf32, #tpu.memory_space<vmem>>, vector<1000x32xf32>
    tpu.vector_store %arg13[%swap3A_104, %swap3A_105], %slice3A_103 {strides = array<i32>} : memref<1000x32xf32, #tpu.memory_space<vmem>>, vector<1000x32xf32>,
    %slice3A_107 = vector.extract_strided_slice %add3A_80 {offsets = [0, 96], sizes = [1000, 32], strides = [1, 1]} : vector<1000x128xf32> to vector<1000x32xf32>
    %swap3A_108 = arith.constant 0 : index
    %swap3A_109 = arith.constant 0 : index
    %swap3A_110 = vector.load %arg17[%swap3A_108, %swap3A_109] : memref<1000x32xf32, #tpu.memory_space<vmem>>, vector<1000x32xf32>
    tpu.vector_store %arg17[%swap3A_108, %swap3A_109], %slice3A_107 {strides = array<i32>} : memref<1000x32xf32, #tpu.memory_space<vmem>>, vector<1000x32xf32>,
    return
  }
  func.func @transform_0(%arg0: i32) -> (i32, i32) {
    %c0_i32 = arith.constant 0 : i32
    %c0_i32_0 = arith.constant 0 : i32
    return %arg0, %c0_i32 : i32, i32
  }
  func.func @transform_1(%arg0: i32) -> (i32, i32) {
    %c0_i32 = arith.constant 0 : i32
    %c0_i32_0 = arith.constant 0 : i32
    return %arg0, %c0_i32 : i32, i32
  }
  func.func @transform_2(%arg0: i32) -> (i32, i32) {
    %c0_i32 = arith.constant 0 : i32
    %c0_i32_0 = arith.constant 0 : i32
    return %arg0, %c0_i32 : i32, i32
  }
  func.func @transform_3(%arg0: i32) -> (i32, i32) {
    %c0_i32 = arith.constant 0 : i32
    %c0_i32_0 = arith.constant 0 : i32
    %c0_i32_1 = arith.constant 0 : i32
    return %c0_i32, %c0_i32_0 : i32, i32
  }
  func.func @transform_4(%arg0: i32) -> (i32, i32) {
    %c0_i32 = arith.constant 0 : i32
    %c0_i32_0 = arith.constant 0 : i32
    %c0_i32_1 = arith.constant 0 : i32
    return %c0_i32, %c0_i32_0 : i32, i32
  }
  func.func @transform_5(%arg0: i32) -> (i32, i32) {
    %c0_i32 = arith.constant 0 : i32
    %c0_i32_0 = arith.constant 0 : i32
    %c0_i32_1 = arith.constant 0 : i32
    return %c0_i32, %c0_i32_0 : i32, i32
  }
  func.func @transform_6(%arg0: i32) -> (i32, i32) {
    %c0_i32 = arith.constant 0 : i32
    %c0_i32_0 = arith.constant 0 : i32
    %c0_i32_1 = arith.constant 0 : i32
    return %c0_i32, %c0_i32_0 : i32, i32
  }
  func.func @transform_7(%arg0: i32) -> (i32, i32) {
    %c0_i32 = arith.constant 0 : i32
    %c0_i32_0 = arith.constant 0 : i32
    %c0_i32_1 = arith.constant 0 : i32
    return %c0_i32, %c0_i32_0 : i32, i32
  }
  func.func @transform_8(%arg0: i32) -> (i32, i32) {
    %c0_i32 = arith.constant 0 : i32
    %c0_i32_0 = arith.constant 0 : i32
    %c0_i32_1 = arith.constant 0 : i32
    return %c0_i32, %c0_i32_0 : i32, i32
  }
  func.func @transform_9(%arg0: i32) -> (i32, i32) {
    %c0_i32 = arith.constant 0 : i32
    %c0_i32_0 = arith.constant 0 : i32
    return %arg0, %c0_i32 : i32, i32
  }
  func.func @transform_10(%arg0: i32) -> (i32, i32) {
    %c0_i32 = arith.constant 0 : i32
    %c0_i32_0 = arith.constant 0 : i32
    return %arg0, %c0_i32 : i32, i32
  }
  func.func @transform_11(%arg0: i32) -> (i32, i32) {
    %c0_i32 = arith.constant 0 : i32
    %c0_i32_0 = arith.constant 0 : i32
    return %arg0, %c0_i32 : i32, i32
  }
  func.func @transform_12(%arg0: i32) -> (i32, i32) {
    %c0_i32 = arith.constant 0 : i32
    %c0_i32_0 = arith.constant 0 : i32
    return %arg0, %c0_i32 : i32, i32
  }
  func.func @transform_13(%arg0: i32) -> (i32, i32) {
    %c0_i32 = arith.constant 0 : i32
    %c0_i32_0 = arith.constant 0 : i32
    return %arg0, %c0_i32 : i32, i32
  }
  func.func @transform_14(%arg0: i32) -> (i32, i32) {
    %c0_i32 = arith.constant 0 : i32
    %c0_i32_0 = arith.constant 0 : i32
    return %arg0, %c0_i32 : i32, i32
  }
  func.func @transform_15(%arg0: i32) -> (i32, i32) {
    %c0_i32 = arith.constant 0 : i32
    %c0_i32_0 = arith.constant 0 : i32
    return %arg0, %c0_i32 : i32, i32
  }
  func.func @transform_16(%arg0: i32) -> (i32, i32) {
    %c0_i32 = arith.constant 0 : i32
    %c0_i32_0 = arith.constant 0 : i32
    return %arg0, %c0_i32 : i32, i32
  }
}

module attributes {stable_mosaic.version = 14 : i64} {
  func.func @_tcb_body(%arg0: i32, %arg1: memref<1000x32xf32, #tpu.memory_space<vmem>>, %arg2: memref<1000x32xf32, #tpu.memory_space<vmem>>, %arg3: memref<1000x32xf32, #tpu.memory_space<vmem>>, %arg4: memref<1000x32xf32, #tpu.memory_space<vmem>>, %arg5: memref<1000x32xf32, #tpu.memory_space<vmem>>, %arg6: memref<1000x32xf32, #tpu.memory_space<vmem>>, %arg7: memref<1000x32xf32, #tpu.memory_space<vmem>>, %arg8: memref<1000x32xf32, #tpu.memory_space<vmem>>, %arg9: memref<1000x32xf32, #tpu.memory_space<vmem>>, %arg10: memref<1000x32xf32, #tpu.memory_space<vmem>>, %arg11: memref<1000x32xf32, #tpu.memory_space<vmem>>, %arg12: memref<1000x32xf32, #tpu.memory_space<vmem>>, %arg13: memref<1000x32xf32, #tpu.memory_space<vmem>>, %arg14: memref<1000x32xf32, #tpu.memory_space<vmem>>, %arg15: memref<1000x32xf32, #tpu.memory_space<vmem>>, %arg16: memref<1000x32xf32, #tpu.memory_space<vmem>>, %arg17: memref<128x64xf32, #tpu.memory_space<vmem>>, %arg18: memref<1x64xf32, #tpu.memory_space<vmem>>, %arg19: memref<1x64xf32, #tpu.memory_space<vmem>>, %arg20: memref<1x64xf32, #tpu.memory_space<vmem>>, %arg21: memref<64x64xf32, #tpu.memory_space<vmem>>, %arg22: memref<1x64xf32, #tpu.memory_space<vmem>>, %arg23: memref<128x64xf32, #tpu.memory_space<vmem>>, %arg24: memref<64x64x64xf32, #tpu.memory_space<vmem>>, %arg25: memref<1x1xf32, #tpu.memory_space<vmem>>, %arg26: memref<1000x64xf32, #tpu.memory_space<vmem>>, %arg27: memref<1000x64xf32, #tpu.memory_space<vmem>>) attributes {dimension_semantics = [#tpu.dimension_semantics<arbitrary>], iteration_bounds = array<i64: 50>, scalar_prefetch = 0 : i64, scratch_operands = 0 : i64, tpu.core_type = #tpu.core_type<tc>, window_params = [{transform_indices = @transform_0, window_bounds = array<i64: 1000, 32>}, {transform_indices = @transform_1, window_bounds = array<i64: 1000, 32>}, {transform_indices = @transform_2, window_bounds = array<i64: 1000, 32>}, {transform_indices = @transform_3, window_bounds = array<i64: 1000, 32>}, {transform_indices = @transform_4, window_bounds = array<i64: 1000, 32>}, {transform_indices = @transform_5, window_bounds = array<i64: 1000, 32>}, {transform_indices = @transform_6, window_bounds = array<i64: 1000, 32>}, {transform_indices = @transform_7, window_bounds = array<i64: 1000, 32>}, {transform_indices = @transform_8, window_bounds = array<i64: 1000, 32>}, {transform_indices = @transform_9, window_bounds = array<i64: 1000, 32>}, {transform_indices = @transform_10, window_bounds = array<i64: 1000, 32>}, {transform_indices = @transform_11, window_bounds = array<i64: 1000, 32>}, {transform_indices = @transform_12, window_bounds = array<i64: 1000, 32>}, {transform_indices = @transform_13, window_bounds = array<i64: 1000, 32>}, {transform_indices = @transform_14, window_bounds = array<i64: 1000, 32>}, {transform_indices = @transform_15, window_bounds = array<i64: 1000, 32>}, {pipeline_mode = #tpu.pipeline_mode<synchronous>, transform_indices = @transform_16, window_bounds = array<i64: 128, 64>}, {pipeline_mode = #tpu.pipeline_mode<synchronous>, transform_indices = @transform_17, window_bounds = array<i64: 1, 64>}, {pipeline_mode = #tpu.pipeline_mode<synchronous>, transform_indices = @transform_18, window_bounds = array<i64: 1, 64>}, {pipeline_mode = #tpu.pipeline_mode<synchronous>, transform_indices = @transform_19, window_bounds = array<i64: 1, 64>}, {pipeline_mode = #tpu.pipeline_mode<synchronous>, transform_indices = @transform_20, window_bounds = array<i64: 64, 64>}, {pipeline_mode = #tpu.pipeline_mode<synchronous>, transform_indices = @transform_21, window_bounds = array<i64: 1, 64>}, {pipeline_mode = #tpu.pipeline_mode<synchronous>, transform_indices = @transform_22, window_bounds = array<i64: 128, 64>}, {pipeline_mode = #tpu.pipeline_mode<synchronous>, transform_indices = @transform_23, window_bounds = array<i64: 64, 64, 64>}, {pipeline_mode = #tpu.pipeline_mode<synchronous>, transform_indices = @transform_24, window_bounds = array<i64: 1, 1>}, {transform_indices = @transform_25, window_bounds = array<i64: 1000, 64>}, {transform_indices = @transform_26, window_bounds = array<i64: 1000, 64>}]} {
    %get3A = arith.constant 0 : index
    %get3A_0 = arith.constant 0 : index
    %get3A_1 = vector.load %arg1[%get3A, %get3A_0] : memref<1000x32xf32, #tpu.memory_space<vmem>>, vector<1000x32xf32>
    %get3A_2 = arith.constant 0 : index
    %get3A_3 = arith.constant 0 : index
    %get3A_4 = vector.load %arg9[%get3A_2, %get3A_3] : memref<1000x32xf32, #tpu.memory_space<vmem>>, vector<1000x32xf32>
    %add3A = arith.addf %get3A_1, %get3A_4 : vector<1000x32xf32>
    %get3A_5 = arith.constant 0 : index
    %get3A_6 = arith.constant 0 : index
    %get3A_7 = vector.load %arg2[%get3A_5, %get3A_6] : memref<1000x32xf32, #tpu.memory_space<vmem>>, vector<1000x32xf32>
    %get3A_8 = arith.constant 0 : index
    %get3A_9 = arith.constant 0 : index
    %get3A_10 = vector.load %arg10[%get3A_8, %get3A_9] : memref<1000x32xf32, #tpu.memory_space<vmem>>, vector<1000x32xf32>
    %add3A_11 = arith.addf %get3A_7, %get3A_10 : vector<1000x32xf32>
    %get3A_12 = arith.constant 0 : index
    %get3A_13 = arith.constant 0 : index
    %get3A_14 = vector.load %arg3[%get3A_12, %get3A_13] : memref<1000x32xf32, #tpu.memory_space<vmem>>, vector<1000x32xf32>
    %get3A_15 = arith.constant 0 : index
    %get3A_16 = arith.constant 0 : index
    %get3A_17 = vector.load %arg11[%get3A_15, %get3A_16] : memref<1000x32xf32, #tpu.memory_space<vmem>>, vector<1000x32xf32>
    %add3A_18 = arith.addf %get3A_14, %get3A_17 : vector<1000x32xf32>
    %get3A_19 = arith.constant 0 : index
    %get3A_20 = arith.constant 0 : index
    %get3A_21 = vector.load %arg4[%get3A_19, %get3A_20] : memref<1000x32xf32, #tpu.memory_space<vmem>>, vector<1000x32xf32>
    %get3A_22 = arith.constant 0 : index
    %get3A_23 = arith.constant 0 : index
    %get3A_24 = vector.load %arg12[%get3A_22, %get3A_23] : memref<1000x32xf32, #tpu.memory_space<vmem>>, vector<1000x32xf32>
    %add3A_25 = arith.addf %get3A_21, %get3A_24 : vector<1000x32xf32>
    %get3A_26 = arith.constant 0 : index
    %get3A_27 = arith.constant 0 : index
    %get3A_28 = vector.load %arg18[%get3A_26, %get3A_27] : memref<1x64xf32, #tpu.memory_space<vmem>>, vector<1x64xf32>
    %get3A_29 = arith.constant 0 : index
    %get3A_30 = arith.constant 0 : index
    %get3A_31 = vector.load %arg17[%get3A_29, %get3A_30] : memref<128x64xf32, #tpu.memory_space<vmem>>, vector<32x64xf32>
    %dot_general3A = arith.constant dense<0.000000e+00> : vector<1000x64xf32>
    %dot_general3A_32 = tpu.matmul %add3A, %get3A_31, %dot_general3A {dimension_numbers = #tpu.dot_dimension_numbers<[1], [0], [0], [1], [0, 0, 1, 1], [], []>, transpose_lhs_hint = false} : vector<1000x32xf32>, vector<32x64xf32>, vector<1000x64xf32> -> vector<1000x64xf32>
    %add3A_33 = vector.broadcast %get3A_28 : vector<1x64xf32> to vector<1000x64xf32>
    %add3A_34 = arith.addf %add3A_33, %dot_general3A_32 : vector<1000x64xf32>
    %get3A_35 = arith.constant 32 : index
    %get3A_36 = arith.constant 0 : index
    %get3A_37 = vector.load %arg17[%get3A_35, %get3A_36] : memref<128x64xf32, #tpu.memory_space<vmem>>, vector<32x64xf32>
    %dot_general3A_38 = arith.constant dense<0.000000e+00> : vector<1000x64xf32>
    %dot_general3A_39 = tpu.matmul %add3A_11, %get3A_37, %dot_general3A_38 {dimension_numbers = #tpu.dot_dimension_numbers<[1], [0], [0], [1], [0, 0, 1, 1], [], []>, transpose_lhs_hint = false} : vector<1000x32xf32>, vector<32x64xf32>, vector<1000x64xf32> -> vector<1000x64xf32>
    %add3A_40 = arith.addf %add3A_34, %dot_general3A_39 : vector<1000x64xf32>
    %get3A_41 = arith.constant 64 : index
    %get3A_42 = arith.constant 0 : index
    %get3A_43 = vector.load %arg17[%get3A_41, %get3A_42] : memref<128x64xf32, #tpu.memory_space<vmem>>, vector<32x64xf32>
    %dot_general3A_44 = arith.constant dense<0.000000e+00> : vector<1000x64xf32>
    %dot_general3A_45 = tpu.matmul %add3A_18, %get3A_43, %dot_general3A_44 {dimension_numbers = #tpu.dot_dimension_numbers<[1], [0], [0], [1], [0, 0, 1, 1], [], []>, transpose_lhs_hint = false} : vector<1000x32xf32>, vector<32x64xf32>, vector<1000x64xf32> -> vector<1000x64xf32>
    %add3A_46 = arith.addf %add3A_40, %dot_general3A_45 : vector<1000x64xf32>
    %get3A_47 = arith.constant 96 : index
    %get3A_48 = arith.constant 0 : index
    %get3A_49 = vector.load %arg17[%get3A_47, %get3A_48] : memref<128x64xf32, #tpu.memory_space<vmem>>, vector<32x64xf32>
    %dot_general3A_50 = arith.constant dense<0.000000e+00> : vector<1000x64xf32>
    %dot_general3A_51 = tpu.matmul %add3A_25, %get3A_49, %dot_general3A_50 {dimension_numbers = #tpu.dot_dimension_numbers<[1], [0], [0], [1], [0, 0, 1, 1], [], []>, transpose_lhs_hint = false} : vector<1000x32xf32>, vector<32x64xf32>, vector<1000x64xf32> -> vector<1000x64xf32>
    %add3A_52 = arith.addf %add3A_46, %dot_general3A_51 : vector<1000x64xf32>
    %get3A_53 = arith.constant 0 : index
    %get3A_54 = arith.constant 0 : index
    %get3A_55 = vector.load %arg19[%get3A_53, %get3A_54] : memref<1x64xf32, #tpu.memory_space<vmem>>, vector<1x64xf32>
    %mul3A = vector.broadcast %get3A_55 : vector<1x64xf32> to vector<1000x64xf32>
    %mul3A_56 = arith.mulf %add3A_52, %mul3A : vector<1000x64xf32>
    %get3A_57 = arith.constant 0 : index
    %get3A_58 = arith.constant 0 : index
    %get3A_59 = vector.load %arg20[%get3A_57, %get3A_58] : memref<1x64xf32, #tpu.memory_space<vmem>>, vector<1x64xf32>
    %add3A_60 = vector.broadcast %get3A_59 : vector<1x64xf32> to vector<1000x64xf32>
    %add3A_61 = arith.addf %mul3A_56, %add3A_60 : vector<1000x64xf32>
    %max3A = arith.constant 0.000000e+00 : f32
    %max3A_62 = vector.broadcast %max3A : f32 to vector<1000x64xf32>
    %max3A_63 = arith.maximumf %add3A_61, %max3A_62 : vector<1000x64xf32>
    %get3A_64 = arith.constant 0 : index
    %get3A_65 = arith.constant 0 : index
    %get3A_66 = vector.load %arg21[%get3A_64, %get3A_65] : memref<64x64xf32, #tpu.memory_space<vmem>>, vector<64x64xf32>
    %dot_general3A_67 = arith.constant dense<0.000000e+00> : vector<1000x64xf32>
    %dot_general3A_68 = tpu.matmul %max3A_63, %get3A_66, %dot_general3A_67 {dimension_numbers = #tpu.dot_dimension_numbers<[1], [0], [0], [1], [0, 0, 1, 1], [], []>, transpose_lhs_hint = false} : vector<1000x64xf32>, vector<64x64xf32>, vector<1000x64xf32> -> vector<1000x64xf32>
    %get3A_69 = arith.constant 0 : index
    %get3A_70 = arith.constant 0 : index
    %get3A_71 = vector.load %arg22[%get3A_69, %get3A_70] : memref<1x64xf32, #tpu.memory_space<vmem>>, vector<1x64xf32>
    %add3A_72 = vector.broadcast %get3A_71 : vector<1x64xf32> to vector<1000x64xf32>
    %add3A_73 = arith.addf %dot_general3A_68, %add3A_72 : vector<1000x64xf32>
    %get3A_74 = arith.constant 0 : index
    %get3A_75 = arith.constant 0 : index
    %get3A_76 = vector.load %arg5[%get3A_74, %get3A_75] : memref<1000x32xf32, #tpu.memory_space<vmem>>, vector<1000x32xf32>
    %get3A_77 = arith.constant 0 : index
    %get3A_78 = arith.constant 0 : index
    %get3A_79 = vector.load %arg13[%get3A_77, %get3A_78] : memref<1000x32xf32, #tpu.memory_space<vmem>>, vector<1000x32xf32>
    %add3A_80 = arith.addf %get3A_76, %get3A_79 : vector<1000x32xf32>
    %get3A_81 = arith.constant 0 : index
    %get3A_82 = arith.constant 0 : index
    %get3A_83 = vector.load %arg6[%get3A_81, %get3A_82] : memref<1000x32xf32, #tpu.memory_space<vmem>>, vector<1000x32xf32>
    %get3A_84 = arith.constant 0 : index
    %get3A_85 = arith.constant 0 : index
    %get3A_86 = vector.load %arg14[%get3A_84, %get3A_85] : memref<1000x32xf32, #tpu.memory_space<vmem>>, vector<1000x32xf32>
    %add3A_87 = arith.addf %get3A_83, %get3A_86 : vector<1000x32xf32>
    %get3A_88 = arith.constant 0 : index
    %get3A_89 = arith.constant 0 : index
    %get3A_90 = vector.load %arg7[%get3A_88, %get3A_89] : memref<1000x32xf32, #tpu.memory_space<vmem>>, vector<1000x32xf32>
    %get3A_91 = arith.constant 0 : index
    %get3A_92 = arith.constant 0 : index
    %get3A_93 = vector.load %arg15[%get3A_91, %get3A_92] : memref<1000x32xf32, #tpu.memory_space<vmem>>, vector<1000x32xf32>
    %add3A_94 = arith.addf %get3A_90, %get3A_93 : vector<1000x32xf32>
    %get3A_95 = arith.constant 0 : index
    %get3A_96 = arith.constant 0 : index
    %get3A_97 = vector.load %arg8[%get3A_95, %get3A_96] : memref<1000x32xf32, #tpu.memory_space<vmem>>, vector<1000x32xf32>
    %get3A_98 = arith.constant 0 : index
    %get3A_99 = arith.constant 0 : index
    %get3A_100 = vector.load %arg16[%get3A_98, %get3A_99] : memref<1000x32xf32, #tpu.memory_space<vmem>>, vector<1000x32xf32>
    %add3A_101 = arith.addf %get3A_97, %get3A_100 : vector<1000x32xf32>
    %get3A_102 = arith.constant 0 : index
    %get3A_103 = arith.constant 0 : index
    %get3A_104 = vector.load %arg18[%get3A_102, %get3A_103] : memref<1x64xf32, #tpu.memory_space<vmem>>, vector<1x64xf32>
    %get3A_105 = arith.constant 0 : index
    %get3A_106 = arith.constant 0 : index
    %get3A_107 = vector.load %arg17[%get3A_105, %get3A_106] : memref<128x64xf32, #tpu.memory_space<vmem>>, vector<32x64xf32>
    %dot_general3A_108 = arith.constant dense<0.000000e+00> : vector<1000x64xf32>
    %dot_general3A_109 = tpu.matmul %add3A_80, %get3A_107, %dot_general3A_108 {dimension_numbers = #tpu.dot_dimension_numbers<[1], [0], [0], [1], [0, 0, 1, 1], [], []>, transpose_lhs_hint = false} : vector<1000x32xf32>, vector<32x64xf32>, vector<1000x64xf32> -> vector<1000x64xf32>
    %add3A_110 = vector.broadcast %get3A_104 : vector<1x64xf32> to vector<1000x64xf32>
    %add3A_111 = arith.addf %add3A_110, %dot_general3A_109 : vector<1000x64xf32>
    %get3A_112 = arith.constant 32 : index
    %get3A_113 = arith.constant 0 : index
    %get3A_114 = vector.load %arg17[%get3A_112, %get3A_113] : memref<128x64xf32, #tpu.memory_space<vmem>>, vector<32x64xf32>
    %dot_general3A_115 = arith.constant dense<0.000000e+00> : vector<1000x64xf32>
    %dot_general3A_116 = tpu.matmul %add3A_87, %get3A_114, %dot_general3A_115 {dimension_numbers = #tpu.dot_dimension_numbers<[1], [0], [0], [1], [0, 0, 1, 1], [], []>, transpose_lhs_hint = false} : vector<1000x32xf32>, vector<32x64xf32>, vector<1000x64xf32> -> vector<1000x64xf32>
    %add3A_117 = arith.addf %add3A_111, %dot_general3A_116 : vector<1000x64xf32>
    %get3A_118 = arith.constant 64 : index
    %get3A_119 = arith.constant 0 : index
    %get3A_120 = vector.load %arg17[%get3A_118, %get3A_119] : memref<128x64xf32, #tpu.memory_space<vmem>>, vector<32x64xf32>
    %dot_general3A_121 = arith.constant dense<0.000000e+00> : vector<1000x64xf32>
    %dot_general3A_122 = tpu.matmul %add3A_94, %get3A_120, %dot_general3A_121 {dimension_numbers = #tpu.dot_dimension_numbers<[1], [0], [0], [1], [0, 0, 1, 1], [], []>, transpose_lhs_hint = false} : vector<1000x32xf32>, vector<32x64xf32>, vector<1000x64xf32> -> vector<1000x64xf32>
    %add3A_123 = arith.addf %add3A_117, %dot_general3A_122 : vector<1000x64xf32>
    %get3A_124 = arith.constant 96 : index
    %get3A_125 = arith.constant 0 : index
    %get3A_126 = vector.load %arg17[%get3A_124, %get3A_125] : memref<128x64xf32, #tpu.memory_space<vmem>>, vector<32x64xf32>
    %dot_general3A_127 = arith.constant dense<0.000000e+00> : vector<1000x64xf32>
    %dot_general3A_128 = tpu.matmul %add3A_101, %get3A_126, %dot_general3A_127 {dimension_numbers = #tpu.dot_dimension_numbers<[1], [0], [0], [1], [0, 0, 1, 1], [], []>, transpose_lhs_hint = false} : vector<1000x32xf32>, vector<32x64xf32>, vector<1000x64xf32> -> vector<1000x64xf32>
    %add3A_129 = arith.addf %add3A_123, %dot_general3A_128 : vector<1000x64xf32>
    %get3A_130 = arith.constant 0 : index
    %get3A_131 = arith.constant 0 : index
    %get3A_132 = vector.load %arg19[%get3A_130, %get3A_131] : memref<1x64xf32, #tpu.memory_space<vmem>>, vector<1x64xf32>
    %mul3A_133 = vector.broadcast %get3A_132 : vector<1x64xf32> to vector<1000x64xf32>
    %mul3A_134 = arith.mulf %add3A_129, %mul3A_133 : vector<1000x64xf32>
    %get3A_135 = arith.constant 0 : index
    %get3A_136 = arith.constant 0 : index
    %get3A_137 = vector.load %arg20[%get3A_135, %get3A_136] : memref<1x64xf32, #tpu.memory_space<vmem>>, vector<1x64xf32>
    %add3A_138 = vector.broadcast %get3A_137 : vector<1x64xf32> to vector<1000x64xf32>
    %add3A_139 = arith.addf %mul3A_134, %add3A_138 : vector<1000x64xf32>
    %max3A_140 = arith.constant 0.000000e+00 : f32
    %max3A_141 = vector.broadcast %max3A_140 : f32 to vector<1000x64xf32>
    %max3A_142 = arith.maximumf %add3A_139, %max3A_141 : vector<1000x64xf32>
    %get3A_143 = arith.constant 0 : index
    %get3A_144 = arith.constant 0 : index
    %get3A_145 = vector.load %arg21[%get3A_143, %get3A_144] : memref<64x64xf32, #tpu.memory_space<vmem>>, vector<64x64xf32>
    %dot_general3A_146 = arith.constant dense<0.000000e+00> : vector<1000x64xf32>
    %dot_general3A_147 = tpu.matmul %max3A_142, %get3A_145, %dot_general3A_146 {dimension_numbers = #tpu.dot_dimension_numbers<[1], [0], [0], [1], [0, 0, 1, 1], [], []>, transpose_lhs_hint = false} : vector<1000x64xf32>, vector<64x64xf32>, vector<1000x64xf32> -> vector<1000x64xf32>
    %get3A_148 = arith.constant 0 : index
    %get3A_149 = arith.constant 0 : index
    %get3A_150 = vector.load %arg22[%get3A_148, %get3A_149] : memref<1x64xf32, #tpu.memory_space<vmem>>, vector<1x64xf32>
    %add3A_151 = vector.broadcast %get3A_150 : vector<1x64xf32> to vector<1000x64xf32>
    %add3A_152 = arith.addf %dot_general3A_147, %add3A_151 : vector<1000x64xf32>
    %get3A_153 = arith.constant 0 : index
    %get3A_154 = arith.constant 0 : index
    %get3A_155 = vector.load %arg23[%get3A_153, %get3A_154] : memref<128x64xf32, #tpu.memory_space<vmem>>, vector<64x64xf32>
    %dot_general3A_156 = arith.constant dense<0.000000e+00> : vector<1000x64xf32>
    %dot_general3A_157 = tpu.matmul %add3A_73, %get3A_155, %dot_general3A_156 {dimension_numbers = #tpu.dot_dimension_numbers<[1], [0], [0], [1], [0, 0, 1, 1], [], []>, transpose_lhs_hint = false} : vector<1000x64xf32>, vector<64x64xf32>, vector<1000x64xf32> -> vector<1000x64xf32>
    %get3A_158 = arith.constant 64 : index
    %get3A_159 = arith.constant 0 : index
    %get3A_160 = vector.load %arg23[%get3A_158, %get3A_159] : memref<128x64xf32, #tpu.memory_space<vmem>>, vector<64x64xf32>
    %dot_general3A_161 = arith.constant dense<0.000000e+00> : vector<1000x64xf32>
    %dot_general3A_162 = tpu.matmul %add3A_152, %get3A_160, %dot_general3A_161 {dimension_numbers = #tpu.dot_dimension_numbers<[1], [0], [0], [1], [0, 0, 1, 1], [], []>, transpose_lhs_hint = false} : vector<1000x64xf32>, vector<64x64xf32>, vector<1000x64xf32> -> vector<1000x64xf32>
    %add3A_163 = arith.addf %dot_general3A_157, %dot_general3A_162 : vector<1000x64xf32>
    %swap3A = arith.constant 0 : index
    %swap3A_164 = arith.constant 0 : index
    %swap3A_165 = vector.load %arg27[%swap3A, %swap3A_164] : memref<1000x64xf32, #tpu.memory_space<vmem>>, vector<1000x64xf32>
    tpu.vector_store %arg27[%swap3A, %swap3A_164], %add3A_163 {strides = array<i32>} : memref<1000x64xf32, #tpu.memory_space<vmem>>, vector<1000x64xf32>,
    %broadcast_in_dim3A = arith.constant 0.000000e+00 : f32
    %broadcast_in_dim3A_166 = vector.broadcast %broadcast_in_dim3A : f32 to vector<1000x64xf32>
    %get3A_167 = arith.constant 0 : index
    %get3A_168 = arith.constant 0 : index
    %get3A_169 = vector.load %arg25[%get3A_167, %get3A_168] : memref<1x1xf32, #tpu.memory_space<vmem>>, vector<1x1xf32>
    %add3A_170 = vector.broadcast %get3A_169 : vector<1x1xf32> to vector<1000x64xf32>
    %add3A_171 = arith.addf %broadcast_in_dim3A_166, %add3A_170 : vector<1000x64xf32>
    %slice3A = vector.extract_strided_slice %add3A_152 {offsets = [0, 0], sizes = [1000, 1], strides = [1, 1]} : vector<1000x64xf32> to vector<1000x1xf32>
    %get3A_172 = arith.constant 0 : index
    %get3A_173 = arith.constant 0 : index
    %get3A_174 = arith.constant 0 : index
    %get3A_175 = vector.load %arg24[%get3A_172, %get3A_173, %get3A_174] : memref<64x64x64xf32, #tpu.memory_space<vmem>>, vector<1x64x64xf32>
    %get3A_176 = vector.shape_cast %get3A_175 : vector<1x64x64xf32> to vector<64x64xf32>
    %dot_general3A_177 = arith.constant dense<0.000000e+00> : vector<1000x64xf32>
    %dot_general3A_178 = tpu.matmul %add3A_73, %get3A_176, %dot_general3A_177 {dimension_numbers = #tpu.dot_dimension_numbers<[1], [0], [0], [1], [0, 0, 1, 1], [], []>, transpose_lhs_hint = false} : vector<1000x64xf32>, vector<64x64xf32>, vector<1000x64xf32> -> vector<1000x64xf32>
    %mul3A_179 = vector.broadcast %slice3A : vector<1000x1xf32> to vector<1000x64xf32>
    %mul3A_180 = arith.mulf %mul3A_179, %dot_general3A_178 : vector<1000x64xf32>
    %add3A_181 = arith.addf %add3A_171, %mul3A_180 : vector<1000x64xf32>
    %slice3A_182 = vector.extract_strided_slice %add3A_152 {offsets = [0, 1], sizes = [1000, 1], strides = [1, 1]} : vector<1000x64xf32> to vector<1000x1xf32>
    %get3A_183 = arith.constant 1 : index
    %get3A_184 = arith.constant 0 : index
    %get3A_185 = arith.constant 0 : index
    %get3A_186 = vector.load %arg24[%get3A_183, %get3A_184, %get3A_185] : memref<64x64x64xf32, #tpu.memory_space<vmem>>, vector<1x64x64xf32>
    %get3A_187 = vector.shape_cast %get3A_186 : vector<1x64x64xf32> to vector<64x64xf32>
    %dot_general3A_188 = arith.constant dense<0.000000e+00> : vector<1000x64xf32>
    %dot_general3A_189 = tpu.matmul %add3A_73, %get3A_187, %dot_general3A_188 {dimension_numbers = #tpu.dot_dimension_numbers<[1], [0], [0], [1], [0, 0, 1, 1], [], []>, transpose_lhs_hint = false} : vector<1000x64xf32>, vector<64x64xf32>, vector<1000x64xf32> -> vector<1000x64xf32>
    %mul3A_190 = vector.broadcast %slice3A_182 : vector<1000x1xf32> to vector<1000x64xf32>
    %mul3A_191 = arith.mulf %mul3A_190, %dot_general3A_189 : vector<1000x64xf32>
    %add3A_192 = arith.addf %add3A_181, %mul3A_191 : vector<1000x64xf32>
    %slice3A_193 = vector.extract_strided_slice %add3A_152 {offsets = [0, 2], sizes = [1000, 1], strides = [1, 1]} : vector<1000x64xf32> to vector<1000x1xf32>
    %get3A_194 = arith.constant 2 : index
    %get3A_195 = arith.constant 0 : index
    %get3A_196 = arith.constant 0 : index
    %get3A_197 = vector.load %arg24[%get3A_194, %get3A_195, %get3A_196] : memref<64x64x64xf32, #tpu.memory_space<vmem>>, vector<1x64x64xf32>
    %get3A_198 = vector.shape_cast %get3A_197 : vector<1x64x64xf32> to vector<64x64xf32>
    %dot_general3A_199 = arith.constant dense<0.000000e+00> : vector<1000x64xf32>
    %dot_general3A_200 = tpu.matmul %add3A_73, %get3A_198, %dot_general3A_199 {dimension_numbers = #tpu.dot_dimension_numbers<[1], [0], [0], [1], [0, 0, 1, 1], [], []>, transpose_lhs_hint = false} : vector<1000x64xf32>, vector<64x64xf32>, vector<1000x64xf32> -> vector<1000x64xf32>
    %mul3A_201 = vector.broadcast %slice3A_193 : vector<1000x1xf32> to vector<1000x64xf32>
    %mul3A_202 = arith.mulf %mul3A_201, %dot_general3A_200 : vector<1000x64xf32>
    %add3A_203 = arith.addf %add3A_192, %mul3A_202 : vector<1000x64xf32>
    %slice3A_204 = vector.extract_strided_slice %add3A_152 {offsets = [0, 3], sizes = [1000, 1], strides = [1, 1]} : vector<1000x64xf32> to vector<1000x1xf32>
    %get3A_205 = arith.constant 3 : index
    %get3A_206 = arith.constant 0 : index
    %get3A_207 = arith.constant 0 : index
    %get3A_208 = vector.load %arg24[%get3A_205, %get3A_206, %get3A_207] : memref<64x64x64xf32, #tpu.memory_space<vmem>>, vector<1x64x64xf32>
    %get3A_209 = vector.shape_cast %get3A_208 : vector<1x64x64xf32> to vector<64x64xf32>
    %dot_general3A_210 = arith.constant dense<0.000000e+00> : vector<1000x64xf32>
    %dot_general3A_211 = tpu.matmul %add3A_73, %get3A_209, %dot_general3A_210 {dimension_numbers = #tpu.dot_dimension_numbers<[1], [0], [0], [1], [0, 0, 1, 1], [], []>, transpose_lhs_hint = false} : vector<1000x64xf32>, vector<64x64xf32>, vector<1000x64xf32> -> vector<1000x64xf32>
    %mul3A_212 = vector.broadcast %slice3A_204 : vector<1000x1xf32> to vector<1000x64xf32>
    %mul3A_213 = arith.mulf %mul3A_212, %dot_general3A_211 : vector<1000x64xf32>
    %add3A_214 = arith.addf %add3A_203, %mul3A_213 : vector<1000x64xf32>
    %slice3A_215 = vector.extract_strided_slice %add3A_152 {offsets = [0, 4], sizes = [1000, 1], strides = [1, 1]} : vector<1000x64xf32> to vector<1000x1xf32>
    %get3A_216 = arith.constant 4 : index
    %get3A_217 = arith.constant 0 : index
    %get3A_218 = arith.constant 0 : index
    %get3A_219 = vector.load %arg24[%get3A_216, %get3A_217, %get3A_218] : memref<64x64x64xf32, #tpu.memory_space<vmem>>, vector<1x64x64xf32>
    %get3A_220 = vector.shape_cast %get3A_219 : vector<1x64x64xf32> to vector<64x64xf32>
    %dot_general3A_221 = arith.constant dense<0.000000e+00> : vector<1000x64xf32>
    %dot_general3A_222 = tpu.matmul %add3A_73, %get3A_220, %dot_general3A_221 {dimension_numbers = #tpu.dot_dimension_numbers<[1], [0], [0], [1], [0, 0, 1, 1], [], []>, transpose_lhs_hint = false} : vector<1000x64xf32>, vector<64x64xf32>, vector<1000x64xf32> -> vector<1000x64xf32>
    %mul3A_223 = vector.broadcast %slice3A_215 : vector<1000x1xf32> to vector<1000x64xf32>
    %mul3A_224 = arith.mulf %mul3A_223, %dot_general3A_222 : vector<1000x64xf32>
    %add3A_225 = arith.addf %add3A_214, %mul3A_224 : vector<1000x64xf32>
    %slice3A_226 = vector.extract_strided_slice %add3A_152 {offsets = [0, 5], sizes = [1000, 1], strides = [1, 1]} : vector<1000x64xf32> to vector<1000x1xf32>
    %get3A_227 = arith.constant 5 : index
    %get3A_228 = arith.constant 0 : index
    %get3A_229 = arith.constant 0 : index
    %get3A_230 = vector.load %arg24[%get3A_227, %get3A_228, %get3A_229] : memref<64x64x64xf32, #tpu.memory_space<vmem>>, vector<1x64x64xf32>
    %get3A_231 = vector.shape_cast %get3A_230 : vector<1x64x64xf32> to vector<64x64xf32>
    %dot_general3A_232 = arith.constant dense<0.000000e+00> : vector<1000x64xf32>
    %dot_general3A_233 = tpu.matmul %add3A_73, %get3A_231, %dot_general3A_232 {dimension_numbers = #tpu.dot_dimension_numbers<[1], [0], [0], [1], [0, 0, 1, 1], [], []>, transpose_lhs_hint = false} : vector<1000x64xf32>, vector<64x64xf32>, vector<1000x64xf32> -> vector<1000x64xf32>
    %mul3A_234 = vector.broadcast %slice3A_226 : vector<1000x1xf32> to vector<1000x64xf32>
    %mul3A_235 = arith.mulf %mul3A_234, %dot_general3A_233 : vector<1000x64xf32>
    %add3A_236 = arith.addf %add3A_225, %mul3A_235 : vector<1000x64xf32>
    %slice3A_237 = vector.extract_strided_slice %add3A_152 {offsets = [0, 6], sizes = [1000, 1], strides = [1, 1]} : vector<1000x64xf32> to vector<1000x1xf32>
    %get3A_238 = arith.constant 6 : index
    %get3A_239 = arith.constant 0 : index
    %get3A_240 = arith.constant 0 : index
    %get3A_241 = vector.load %arg24[%get3A_238, %get3A_239, %get3A_240] : memref<64x64x64xf32, #tpu.memory_space<vmem>>, vector<1x64x64xf32>
    %get3A_242 = vector.shape_cast %get3A_241 : vector<1x64x64xf32> to vector<64x64xf32>
    %dot_general3A_243 = arith.constant dense<0.000000e+00> : vector<1000x64xf32>
    %dot_general3A_244 = tpu.matmul %add3A_73, %get3A_242, %dot_general3A_243 {dimension_numbers = #tpu.dot_dimension_numbers<[1], [0], [0], [1], [0, 0, 1, 1], [], []>, transpose_lhs_hint = false} : vector<1000x64xf32>, vector<64x64xf32>, vector<1000x64xf32> -> vector<1000x64xf32>
    %mul3A_245 = vector.broadcast %slice3A_237 : vector<1000x1xf32> to vector<1000x64xf32>
    %mul3A_246 = arith.mulf %mul3A_245, %dot_general3A_244 : vector<1000x64xf32>
    %add3A_247 = arith.addf %add3A_236, %mul3A_246 : vector<1000x64xf32>
    %slice3A_248 = vector.extract_strided_slice %add3A_152 {offsets = [0, 7], sizes = [1000, 1], strides = [1, 1]} : vector<1000x64xf32> to vector<1000x1xf32>
    %get3A_249 = arith.constant 7 : index
    %get3A_250 = arith.constant 0 : index
    %get3A_251 = arith.constant 0 : index
    %get3A_252 = vector.load %arg24[%get3A_249, %get3A_250, %get3A_251] : memref<64x64x64xf32, #tpu.memory_space<vmem>>, vector<1x64x64xf32>
    %get3A_253 = vector.shape_cast %get3A_252 : vector<1x64x64xf32> to vector<64x64xf32>
    %dot_general3A_254 = arith.constant dense<0.000000e+00> : vector<1000x64xf32>
    %dot_general3A_255 = tpu.matmul %add3A_73, %get3A_253, %dot_general3A_254 {dimension_numbers = #tpu.dot_dimension_numbers<[1], [0], [0], [1], [0, 0, 1, 1], [], []>, transpose_lhs_hint = false} : vector<1000x64xf32>, vector<64x64xf32>, vector<1000x64xf32> -> vector<1000x64xf32>
    %mul3A_256 = vector.broadcast %slice3A_248 : vector<1000x1xf32> to vector<1000x64xf32>
    %mul3A_257 = arith.mulf %mul3A_256, %dot_general3A_255 : vector<1000x64xf32>
    %add3A_258 = arith.addf %add3A_247, %mul3A_257 : vector<1000x64xf32>
    %slice3A_259 = vector.extract_strided_slice %add3A_152 {offsets = [0, 8], sizes = [1000, 1], strides = [1, 1]} : vector<1000x64xf32> to vector<1000x1xf32>
    %get3A_260 = arith.constant 8 : index
    %get3A_261 = arith.constant 0 : index
    %get3A_262 = arith.constant 0 : index
    %get3A_263 = vector.load %arg24[%get3A_260, %get3A_261, %get3A_262] : memref<64x64x64xf32, #tpu.memory_space<vmem>>, vector<1x64x64xf32>
    %get3A_264 = vector.shape_cast %get3A_263 : vector<1x64x64xf32> to vector<64x64xf32>
    %dot_general3A_265 = arith.constant dense<0.000000e+00> : vector<1000x64xf32>
    %dot_general3A_266 = tpu.matmul %add3A_73, %get3A_264, %dot_general3A_265 {dimension_numbers = #tpu.dot_dimension_numbers<[1], [0], [0], [1], [0, 0, 1, 1], [], []>, transpose_lhs_hint = false} : vector<1000x64xf32>, vector<64x64xf32>, vector<1000x64xf32> -> vector<1000x64xf32>
    %mul3A_267 = vector.broadcast %slice3A_259 : vector<1000x1xf32> to vector<1000x64xf32>
    %mul3A_268 = arith.mulf %mul3A_267, %dot_general3A_266 : vector<1000x64xf32>
    %add3A_269 = arith.addf %add3A_258, %mul3A_268 : vector<1000x64xf32>
    %slice3A_270 = vector.extract_strided_slice %add3A_152 {offsets = [0, 9], sizes = [1000, 1], strides = [1, 1]} : vector<1000x64xf32> to vector<1000x1xf32>
    %get3A_271 = arith.constant 9 : index
    %get3A_272 = arith.constant 0 : index
    %get3A_273 = arith.constant 0 : index
    %get3A_274 = vector.load %arg24[%get3A_271, %get3A_272, %get3A_273] : memref<64x64x64xf32, #tpu.memory_space<vmem>>, vector<1x64x64xf32>
    %get3A_275 = vector.shape_cast %get3A_274 : vector<1x64x64xf32> to vector<64x64xf32>
    %dot_general3A_276 = arith.constant dense<0.000000e+00> : vector<1000x64xf32>
    %dot_general3A_277 = tpu.matmul %add3A_73, %get3A_275, %dot_general3A_276 {dimension_numbers = #tpu.dot_dimension_numbers<[1], [0], [0], [1], [0, 0, 1, 1], [], []>, transpose_lhs_hint = false} : vector<1000x64xf32>, vector<64x64xf32>, vector<1000x64xf32> -> vector<1000x64xf32>
    %mul3A_278 = vector.broadcast %slice3A_270 : vector<1000x1xf32> to vector<1000x64xf32>
    %mul3A_279 = arith.mulf %mul3A_278, %dot_general3A_277 : vector<1000x64xf32>
    %add3A_280 = arith.addf %add3A_269, %mul3A_279 : vector<1000x64xf32>
    %slice3A_281 = vector.extract_strided_slice %add3A_152 {offsets = [0, 10], sizes = [1000, 1], strides = [1, 1]} : vector<1000x64xf32> to vector<1000x1xf32>
    %get3A_282 = arith.constant 10 : index
    %get3A_283 = arith.constant 0 : index
    %get3A_284 = arith.constant 0 : index
    %get3A_285 = vector.load %arg24[%get3A_282, %get3A_283, %get3A_284] : memref<64x64x64xf32, #tpu.memory_space<vmem>>, vector<1x64x64xf32>
    %get3A_286 = vector.shape_cast %get3A_285 : vector<1x64x64xf32> to vector<64x64xf32>
    %dot_general3A_287 = arith.constant dense<0.000000e+00> : vector<1000x64xf32>
    %dot_general3A_288 = tpu.matmul %add3A_73, %get3A_286, %dot_general3A_287 {dimension_numbers = #tpu.dot_dimension_numbers<[1], [0], [0], [1], [0, 0, 1, 1], [], []>, transpose_lhs_hint = false} : vector<1000x64xf32>, vector<64x64xf32>, vector<1000x64xf32> -> vector<1000x64xf32>
    %mul3A_289 = vector.broadcast %slice3A_281 : vector<1000x1xf32> to vector<1000x64xf32>
    %mul3A_290 = arith.mulf %mul3A_289, %dot_general3A_288 : vector<1000x64xf32>
    %add3A_291 = arith.addf %add3A_280, %mul3A_290 : vector<1000x64xf32>
    %slice3A_292 = vector.extract_strided_slice %add3A_152 {offsets = [0, 11], sizes = [1000, 1], strides = [1, 1]} : vector<1000x64xf32> to vector<1000x1xf32>
    %get3A_293 = arith.constant 11 : index
    %get3A_294 = arith.constant 0 : index
    %get3A_295 = arith.constant 0 : index
    %get3A_296 = vector.load %arg24[%get3A_293, %get3A_294, %get3A_295] : memref<64x64x64xf32, #tpu.memory_space<vmem>>, vector<1x64x64xf32>
    %get3A_297 = vector.shape_cast %get3A_296 : vector<1x64x64xf32> to vector<64x64xf32>
    %dot_general3A_298 = arith.constant dense<0.000000e+00> : vector<1000x64xf32>
    %dot_general3A_299 = tpu.matmul %add3A_73, %get3A_297, %dot_general3A_298 {dimension_numbers = #tpu.dot_dimension_numbers<[1], [0], [0], [1], [0, 0, 1, 1], [], []>, transpose_lhs_hint = false} : vector<1000x64xf32>, vector<64x64xf32>, vector<1000x64xf32> -> vector<1000x64xf32>
    %mul3A_300 = vector.broadcast %slice3A_292 : vector<1000x1xf32> to vector<1000x64xf32>
    %mul3A_301 = arith.mulf %mul3A_300, %dot_general3A_299 : vector<1000x64xf32>
    %add3A_302 = arith.addf %add3A_291, %mul3A_301 : vector<1000x64xf32>
    %slice3A_303 = vector.extract_strided_slice %add3A_152 {offsets = [0, 12], sizes = [1000, 1], strides = [1, 1]} : vector<1000x64xf32> to vector<1000x1xf32>
    %get3A_304 = arith.constant 12 : index
    %get3A_305 = arith.constant 0 : index
    %get3A_306 = arith.constant 0 : index
    %get3A_307 = vector.load %arg24[%get3A_304, %get3A_305, %get3A_306] : memref<64x64x64xf32, #tpu.memory_space<vmem>>, vector<1x64x64xf32>
    %get3A_308 = vector.shape_cast %get3A_307 : vector<1x64x64xf32> to vector<64x64xf32>
    %dot_general3A_309 = arith.constant dense<0.000000e+00> : vector<1000x64xf32>
    %dot_general3A_310 = tpu.matmul %add3A_73, %get3A_308, %dot_general3A_309 {dimension_numbers = #tpu.dot_dimension_numbers<[1], [0], [0], [1], [0, 0, 1, 1], [], []>, transpose_lhs_hint = false} : vector<1000x64xf32>, vector<64x64xf32>, vector<1000x64xf32> -> vector<1000x64xf32>
    %mul3A_311 = vector.broadcast %slice3A_303 : vector<1000x1xf32> to vector<1000x64xf32>
    %mul3A_312 = arith.mulf %mul3A_311, %dot_general3A_310 : vector<1000x64xf32>
    %add3A_313 = arith.addf %add3A_302, %mul3A_312 : vector<1000x64xf32>
    %slice3A_314 = vector.extract_strided_slice %add3A_152 {offsets = [0, 13], sizes = [1000, 1], strides = [1, 1]} : vector<1000x64xf32> to vector<1000x1xf32>
    %get3A_315 = arith.constant 13 : index
    %get3A_316 = arith.constant 0 : index
    %get3A_317 = arith.constant 0 : index
    %get3A_318 = vector.load %arg24[%get3A_315, %get3A_316, %get3A_317] : memref<64x64x64xf32, #tpu.memory_space<vmem>>, vector<1x64x64xf32>
    %get3A_319 = vector.shape_cast %get3A_318 : vector<1x64x64xf32> to vector<64x64xf32>
    %dot_general3A_320 = arith.constant dense<0.000000e+00> : vector<1000x64xf32>
    %dot_general3A_321 = tpu.matmul %add3A_73, %get3A_319, %dot_general3A_320 {dimension_numbers = #tpu.dot_dimension_numbers<[1], [0], [0], [1], [0, 0, 1, 1], [], []>, transpose_lhs_hint = false} : vector<1000x64xf32>, vector<64x64xf32>, vector<1000x64xf32> -> vector<1000x64xf32>
    %mul3A_322 = vector.broadcast %slice3A_314 : vector<1000x1xf32> to vector<1000x64xf32>
    %mul3A_323 = arith.mulf %mul3A_322, %dot_general3A_321 : vector<1000x64xf32>
    %add3A_324 = arith.addf %add3A_313, %mul3A_323 : vector<1000x64xf32>
    %slice3A_325 = vector.extract_strided_slice %add3A_152 {offsets = [0, 14], sizes = [1000, 1], strides = [1, 1]} : vector<1000x64xf32> to vector<1000x1xf32>
    %get3A_326 = arith.constant 14 : index
    %get3A_327 = arith.constant 0 : index
    %get3A_328 = arith.constant 0 : index
    %get3A_329 = vector.load %arg24[%get3A_326, %get3A_327, %get3A_328] : memref<64x64x64xf32, #tpu.memory_space<vmem>>, vector<1x64x64xf32>
    %get3A_330 = vector.shape_cast %get3A_329 : vector<1x64x64xf32> to vector<64x64xf32>
    %dot_general3A_331 = arith.constant dense<0.000000e+00> : vector<1000x64xf32>
    %dot_general3A_332 = tpu.matmul %add3A_73, %get3A_330, %dot_general3A_331 {dimension_numbers = #tpu.dot_dimension_numbers<[1], [0], [0], [1], [0, 0, 1, 1], [], []>, transpose_lhs_hint = false} : vector<1000x64xf32>, vector<64x64xf32>, vector<1000x64xf32> -> vector<1000x64xf32>
    %mul3A_333 = vector.broadcast %slice3A_325 : vector<1000x1xf32> to vector<1000x64xf32>
    %mul3A_334 = arith.mulf %mul3A_333, %dot_general3A_332 : vector<1000x64xf32>
    %add3A_335 = arith.addf %add3A_324, %mul3A_334 : vector<1000x64xf32>
    %slice3A_336 = vector.extract_strided_slice %add3A_152 {offsets = [0, 15], sizes = [1000, 1], strides = [1, 1]} : vector<1000x64xf32> to vector<1000x1xf32>
    %get3A_337 = arith.constant 15 : index
    %get3A_338 = arith.constant 0 : index
    %get3A_339 = arith.constant 0 : index
    %get3A_340 = vector.load %arg24[%get3A_337, %get3A_338, %get3A_339] : memref<64x64x64xf32, #tpu.memory_space<vmem>>, vector<1x64x64xf32>
    %get3A_341 = vector.shape_cast %get3A_340 : vector<1x64x64xf32> to vector<64x64xf32>
    %dot_general3A_342 = arith.constant dense<0.000000e+00> : vector<1000x64xf32>
    %dot_general3A_343 = tpu.matmul %add3A_73, %get3A_341, %dot_general3A_342 {dimension_numbers = #tpu.dot_dimension_numbers<[1], [0], [0], [1], [0, 0, 1, 1], [], []>, transpose_lhs_hint = false} : vector<1000x64xf32>, vector<64x64xf32>, vector<1000x64xf32> -> vector<1000x64xf32>
    %mul3A_344 = vector.broadcast %slice3A_336 : vector<1000x1xf32> to vector<1000x64xf32>
    %mul3A_345 = arith.mulf %mul3A_344, %dot_general3A_343 : vector<1000x64xf32>
    %add3A_346 = arith.addf %add3A_335, %mul3A_345 : vector<1000x64xf32>
    %slice3A_347 = vector.extract_strided_slice %add3A_152 {offsets = [0, 16], sizes = [1000, 1], strides = [1, 1]} : vector<1000x64xf32> to vector<1000x1xf32>
    %get3A_348 = arith.constant 16 : index
    %get3A_349 = arith.constant 0 : index
    %get3A_350 = arith.constant 0 : index
    %get3A_351 = vector.load %arg24[%get3A_348, %get3A_349, %get3A_350] : memref<64x64x64xf32, #tpu.memory_space<vmem>>, vector<1x64x64xf32>
    %get3A_352 = vector.shape_cast %get3A_351 : vector<1x64x64xf32> to vector<64x64xf32>
    %dot_general3A_353 = arith.constant dense<0.000000e+00> : vector<1000x64xf32>
    %dot_general3A_354 = tpu.matmul %add3A_73, %get3A_352, %dot_general3A_353 {dimension_numbers = #tpu.dot_dimension_numbers<[1], [0], [0], [1], [0, 0, 1, 1], [], []>, transpose_lhs_hint = false} : vector<1000x64xf32>, vector<64x64xf32>, vector<1000x64xf32> -> vector<1000x64xf32>
    %mul3A_355 = vector.broadcast %slice3A_347 : vector<1000x1xf32> to vector<1000x64xf32>
    %mul3A_356 = arith.mulf %mul3A_355, %dot_general3A_354 : vector<1000x64xf32>
    %add3A_357 = arith.addf %add3A_346, %mul3A_356 : vector<1000x64xf32>
    %slice3A_358 = vector.extract_strided_slice %add3A_152 {offsets = [0, 17], sizes = [1000, 1], strides = [1, 1]} : vector<1000x64xf32> to vector<1000x1xf32>
    %get3A_359 = arith.constant 17 : index
    %get3A_360 = arith.constant 0 : index
    %get3A_361 = arith.constant 0 : index
    %get3A_362 = vector.load %arg24[%get3A_359, %get3A_360, %get3A_361] : memref<64x64x64xf32, #tpu.memory_space<vmem>>, vector<1x64x64xf32>
    %get3A_363 = vector.shape_cast %get3A_362 : vector<1x64x64xf32> to vector<64x64xf32>
    %dot_general3A_364 = arith.constant dense<0.000000e+00> : vector<1000x64xf32>
    %dot_general3A_365 = tpu.matmul %add3A_73, %get3A_363, %dot_general3A_364 {dimension_numbers = #tpu.dot_dimension_numbers<[1], [0], [0], [1], [0, 0, 1, 1], [], []>, transpose_lhs_hint = false} : vector<1000x64xf32>, vector<64x64xf32>, vector<1000x64xf32> -> vector<1000x64xf32>
    %mul3A_366 = vector.broadcast %slice3A_358 : vector<1000x1xf32> to vector<1000x64xf32>
    %mul3A_367 = arith.mulf %mul3A_366, %dot_general3A_365 : vector<1000x64xf32>
    %add3A_368 = arith.addf %add3A_357, %mul3A_367 : vector<1000x64xf32>
    %slice3A_369 = vector.extract_strided_slice %add3A_152 {offsets = [0, 18], sizes = [1000, 1], strides = [1, 1]} : vector<1000x64xf32> to vector<1000x1xf32>
    %get3A_370 = arith.constant 18 : index
    %get3A_371 = arith.constant 0 : index
    %get3A_372 = arith.constant 0 : index
    %get3A_373 = vector.load %arg24[%get3A_370, %get3A_371, %get3A_372] : memref<64x64x64xf32, #tpu.memory_space<vmem>>, vector<1x64x64xf32>
    %get3A_374 = vector.shape_cast %get3A_373 : vector<1x64x64xf32> to vector<64x64xf32>
    %dot_general3A_375 = arith.constant dense<0.000000e+00> : vector<1000x64xf32>
    %dot_general3A_376 = tpu.matmul %add3A_73, %get3A_374, %dot_general3A_375 {dimension_numbers = #tpu.dot_dimension_numbers<[1], [0], [0], [1], [0, 0, 1, 1], [], []>, transpose_lhs_hint = false} : vector<1000x64xf32>, vector<64x64xf32>, vector<1000x64xf32> -> vector<1000x64xf32>
    %mul3A_377 = vector.broadcast %slice3A_369 : vector<1000x1xf32> to vector<1000x64xf32>
    %mul3A_378 = arith.mulf %mul3A_377, %dot_general3A_376 : vector<1000x64xf32>
    %add3A_379 = arith.addf %add3A_368, %mul3A_378 : vector<1000x64xf32>
    %slice3A_380 = vector.extract_strided_slice %add3A_152 {offsets = [0, 19], sizes = [1000, 1], strides = [1, 1]} : vector<1000x64xf32> to vector<1000x1xf32>
    %get3A_381 = arith.constant 19 : index
    %get3A_382 = arith.constant 0 : index
    %get3A_383 = arith.constant 0 : index
    %get3A_384 = vector.load %arg24[%get3A_381, %get3A_382, %get3A_383] : memref<64x64x64xf32, #tpu.memory_space<vmem>>, vector<1x64x64xf32>
    %get3A_385 = vector.shape_cast %get3A_384 : vector<1x64x64xf32> to vector<64x64xf32>
    %dot_general3A_386 = arith.constant dense<0.000000e+00> : vector<1000x64xf32>
    %dot_general3A_387 = tpu.matmul %add3A_73, %get3A_385, %dot_general3A_386 {dimension_numbers = #tpu.dot_dimension_numbers<[1], [0], [0], [1], [0, 0, 1, 1], [], []>, transpose_lhs_hint = false} : vector<1000x64xf32>, vector<64x64xf32>, vector<1000x64xf32> -> vector<1000x64xf32>
    %mul3A_388 = vector.broadcast %slice3A_380 : vector<1000x1xf32> to vector<1000x64xf32>
    %mul3A_389 = arith.mulf %mul3A_388, %dot_general3A_387 : vector<1000x64xf32>
    %add3A_390 = arith.addf %add3A_379, %mul3A_389 : vector<1000x64xf32>
    %slice3A_391 = vector.extract_strided_slice %add3A_152 {offsets = [0, 20], sizes = [1000, 1], strides = [1, 1]} : vector<1000x64xf32> to vector<1000x1xf32>
    %get3A_392 = arith.constant 20 : index
    %get3A_393 = arith.constant 0 : index
    %get3A_394 = arith.constant 0 : index
    %get3A_395 = vector.load %arg24[%get3A_392, %get3A_393, %get3A_394] : memref<64x64x64xf32, #tpu.memory_space<vmem>>, vector<1x64x64xf32>
    %get3A_396 = vector.shape_cast %get3A_395 : vector<1x64x64xf32> to vector<64x64xf32>
    %dot_general3A_397 = arith.constant dense<0.000000e+00> : vector<1000x64xf32>
    %dot_general3A_398 = tpu.matmul %add3A_73, %get3A_396, %dot_general3A_397 {dimension_numbers = #tpu.dot_dimension_numbers<[1], [0], [0], [1], [0, 0, 1, 1], [], []>, transpose_lhs_hint = false} : vector<1000x64xf32>, vector<64x64xf32>, vector<1000x64xf32> -> vector<1000x64xf32>
    %mul3A_399 = vector.broadcast %slice3A_391 : vector<1000x1xf32> to vector<1000x64xf32>
    %mul3A_400 = arith.mulf %mul3A_399, %dot_general3A_398 : vector<1000x64xf32>
    %add3A_401 = arith.addf %add3A_390, %mul3A_400 : vector<1000x64xf32>
    %slice3A_402 = vector.extract_strided_slice %add3A_152 {offsets = [0, 21], sizes = [1000, 1], strides = [1, 1]} : vector<1000x64xf32> to vector<1000x1xf32>
    %get3A_403 = arith.constant 21 : index
    %get3A_404 = arith.constant 0 : index
    %get3A_405 = arith.constant 0 : index
    %get3A_406 = vector.load %arg24[%get3A_403, %get3A_404, %get3A_405] : memref<64x64x64xf32, #tpu.memory_space<vmem>>, vector<1x64x64xf32>
    %get3A_407 = vector.shape_cast %get3A_406 : vector<1x64x64xf32> to vector<64x64xf32>
    %dot_general3A_408 = arith.constant dense<0.000000e+00> : vector<1000x64xf32>
    %dot_general3A_409 = tpu.matmul %add3A_73, %get3A_407, %dot_general3A_408 {dimension_numbers = #tpu.dot_dimension_numbers<[1], [0], [0], [1], [0, 0, 1, 1], [], []>, transpose_lhs_hint = false} : vector<1000x64xf32>, vector<64x64xf32>, vector<1000x64xf32> -> vector<1000x64xf32>
    %mul3A_410 = vector.broadcast %slice3A_402 : vector<1000x1xf32> to vector<1000x64xf32>
    %mul3A_411 = arith.mulf %mul3A_410, %dot_general3A_409 : vector<1000x64xf32>
    %add3A_412 = arith.addf %add3A_401, %mul3A_411 : vector<1000x64xf32>
    %slice3A_413 = vector.extract_strided_slice %add3A_152 {offsets = [0, 22], sizes = [1000, 1], strides = [1, 1]} : vector<1000x64xf32> to vector<1000x1xf32>
    %get3A_414 = arith.constant 22 : index
    %get3A_415 = arith.constant 0 : index
    %get3A_416 = arith.constant 0 : index
    %get3A_417 = vector.load %arg24[%get3A_414, %get3A_415, %get3A_416] : memref<64x64x64xf32, #tpu.memory_space<vmem>>, vector<1x64x64xf32>
    %get3A_418 = vector.shape_cast %get3A_417 : vector<1x64x64xf32> to vector<64x64xf32>
    %dot_general3A_419 = arith.constant dense<0.000000e+00> : vector<1000x64xf32>
    %dot_general3A_420 = tpu.matmul %add3A_73, %get3A_418, %dot_general3A_419 {dimension_numbers = #tpu.dot_dimension_numbers<[1], [0], [0], [1], [0, 0, 1, 1], [], []>, transpose_lhs_hint = false} : vector<1000x64xf32>, vector<64x64xf32>, vector<1000x64xf32> -> vector<1000x64xf32>
    %mul3A_421 = vector.broadcast %slice3A_413 : vector<1000x1xf32> to vector<1000x64xf32>
    %mul3A_422 = arith.mulf %mul3A_421, %dot_general3A_420 : vector<1000x64xf32>
    %add3A_423 = arith.addf %add3A_412, %mul3A_422 : vector<1000x64xf32>
    %slice3A_424 = vector.extract_strided_slice %add3A_152 {offsets = [0, 23], sizes = [1000, 1], strides = [1, 1]} : vector<1000x64xf32> to vector<1000x1xf32>
    %get3A_425 = arith.constant 23 : index
    %get3A_426 = arith.constant 0 : index
    %get3A_427 = arith.constant 0 : index
    %get3A_428 = vector.load %arg24[%get3A_425, %get3A_426, %get3A_427] : memref<64x64x64xf32, #tpu.memory_space<vmem>>, vector<1x64x64xf32>
    %get3A_429 = vector.shape_cast %get3A_428 : vector<1x64x64xf32> to vector<64x64xf32>
    %dot_general3A_430 = arith.constant dense<0.000000e+00> : vector<1000x64xf32>
    %dot_general3A_431 = tpu.matmul %add3A_73, %get3A_429, %dot_general3A_430 {dimension_numbers = #tpu.dot_dimension_numbers<[1], [0], [0], [1], [0, 0, 1, 1], [], []>, transpose_lhs_hint = false} : vector<1000x64xf32>, vector<64x64xf32>, vector<1000x64xf32> -> vector<1000x64xf32>
    %mul3A_432 = vector.broadcast %slice3A_424 : vector<1000x1xf32> to vector<1000x64xf32>
    %mul3A_433 = arith.mulf %mul3A_432, %dot_general3A_431 : vector<1000x64xf32>
    %add3A_434 = arith.addf %add3A_423, %mul3A_433 : vector<1000x64xf32>
    %slice3A_435 = vector.extract_strided_slice %add3A_152 {offsets = [0, 24], sizes = [1000, 1], strides = [1, 1]} : vector<1000x64xf32> to vector<1000x1xf32>
    %get3A_436 = arith.constant 24 : index
    %get3A_437 = arith.constant 0 : index
    %get3A_438 = arith.constant 0 : index
    %get3A_439 = vector.load %arg24[%get3A_436, %get3A_437, %get3A_438] : memref<64x64x64xf32, #tpu.memory_space<vmem>>, vector<1x64x64xf32>
    %get3A_440 = vector.shape_cast %get3A_439 : vector<1x64x64xf32> to vector<64x64xf32>
    %dot_general3A_441 = arith.constant dense<0.000000e+00> : vector<1000x64xf32>
    %dot_general3A_442 = tpu.matmul %add3A_73, %get3A_440, %dot_general3A_441 {dimension_numbers = #tpu.dot_dimension_numbers<[1], [0], [0], [1], [0, 0, 1, 1], [], []>, transpose_lhs_hint = false} : vector<1000x64xf32>, vector<64x64xf32>, vector<1000x64xf32> -> vector<1000x64xf32>
    %mul3A_443 = vector.broadcast %slice3A_435 : vector<1000x1xf32> to vector<1000x64xf32>
    %mul3A_444 = arith.mulf %mul3A_443, %dot_general3A_442 : vector<1000x64xf32>
    %add3A_445 = arith.addf %add3A_434, %mul3A_444 : vector<1000x64xf32>
    %slice3A_446 = vector.extract_strided_slice %add3A_152 {offsets = [0, 25], sizes = [1000, 1], strides = [1, 1]} : vector<1000x64xf32> to vector<1000x1xf32>
    %get3A_447 = arith.constant 25 : index
    %get3A_448 = arith.constant 0 : index
    %get3A_449 = arith.constant 0 : index
    %get3A_450 = vector.load %arg24[%get3A_447, %get3A_448, %get3A_449] : memref<64x64x64xf32, #tpu.memory_space<vmem>>, vector<1x64x64xf32>
    %get3A_451 = vector.shape_cast %get3A_450 : vector<1x64x64xf32> to vector<64x64xf32>
    %dot_general3A_452 = arith.constant dense<0.000000e+00> : vector<1000x64xf32>
    %dot_general3A_453 = tpu.matmul %add3A_73, %get3A_451, %dot_general3A_452 {dimension_numbers = #tpu.dot_dimension_numbers<[1], [0], [0], [1], [0, 0, 1, 1], [], []>, transpose_lhs_hint = false} : vector<1000x64xf32>, vector<64x64xf32>, vector<1000x64xf32> -> vector<1000x64xf32>
    %mul3A_454 = vector.broadcast %slice3A_446 : vector<1000x1xf32> to vector<1000x64xf32>
    %mul3A_455 = arith.mulf %mul3A_454, %dot_general3A_453 : vector<1000x64xf32>
    %add3A_456 = arith.addf %add3A_445, %mul3A_455 : vector<1000x64xf32>
    %slice3A_457 = vector.extract_strided_slice %add3A_152 {offsets = [0, 26], sizes = [1000, 1], strides = [1, 1]} : vector<1000x64xf32> to vector<1000x1xf32>
    %get3A_458 = arith.constant 26 : index
    %get3A_459 = arith.constant 0 : index
    %get3A_460 = arith.constant 0 : index
    %get3A_461 = vector.load %arg24[%get3A_458, %get3A_459, %get3A_460] : memref<64x64x64xf32, #tpu.memory_space<vmem>>, vector<1x64x64xf32>
    %get3A_462 = vector.shape_cast %get3A_461 : vector<1x64x64xf32> to vector<64x64xf32>
    %dot_general3A_463 = arith.constant dense<0.000000e+00> : vector<1000x64xf32>
    %dot_general3A_464 = tpu.matmul %add3A_73, %get3A_462, %dot_general3A_463 {dimension_numbers = #tpu.dot_dimension_numbers<[1], [0], [0], [1], [0, 0, 1, 1], [], []>, transpose_lhs_hint = false} : vector<1000x64xf32>, vector<64x64xf32>, vector<1000x64xf32> -> vector<1000x64xf32>
    %mul3A_465 = vector.broadcast %slice3A_457 : vector<1000x1xf32> to vector<1000x64xf32>
    %mul3A_466 = arith.mulf %mul3A_465, %dot_general3A_464 : vector<1000x64xf32>
    %add3A_467 = arith.addf %add3A_456, %mul3A_466 : vector<1000x64xf32>
    %slice3A_468 = vector.extract_strided_slice %add3A_152 {offsets = [0, 27], sizes = [1000, 1], strides = [1, 1]} : vector<1000x64xf32> to vector<1000x1xf32>
    %get3A_469 = arith.constant 27 : index
    %get3A_470 = arith.constant 0 : index
    %get3A_471 = arith.constant 0 : index
    %get3A_472 = vector.load %arg24[%get3A_469, %get3A_470, %get3A_471] : memref<64x64x64xf32, #tpu.memory_space<vmem>>, vector<1x64x64xf32>
    %get3A_473 = vector.shape_cast %get3A_472 : vector<1x64x64xf32> to vector<64x64xf32>
    %dot_general3A_474 = arith.constant dense<0.000000e+00> : vector<1000x64xf32>
    %dot_general3A_475 = tpu.matmul %add3A_73, %get3A_473, %dot_general3A_474 {dimension_numbers = #tpu.dot_dimension_numbers<[1], [0], [0], [1], [0, 0, 1, 1], [], []>, transpose_lhs_hint = false} : vector<1000x64xf32>, vector<64x64xf32>, vector<1000x64xf32> -> vector<1000x64xf32>
    %mul3A_476 = vector.broadcast %slice3A_468 : vector<1000x1xf32> to vector<1000x64xf32>
    %mul3A_477 = arith.mulf %mul3A_476, %dot_general3A_475 : vector<1000x64xf32>
    %add3A_478 = arith.addf %add3A_467, %mul3A_477 : vector<1000x64xf32>
    %slice3A_479 = vector.extract_strided_slice %add3A_152 {offsets = [0, 28], sizes = [1000, 1], strides = [1, 1]} : vector<1000x64xf32> to vector<1000x1xf32>
    %get3A_480 = arith.constant 28 : index
    %get3A_481 = arith.constant 0 : index
    %get3A_482 = arith.constant 0 : index
    %get3A_483 = vector.load %arg24[%get3A_480, %get3A_481, %get3A_482] : memref<64x64x64xf32, #tpu.memory_space<vmem>>, vector<1x64x64xf32>
    %get3A_484 = vector.shape_cast %get3A_483 : vector<1x64x64xf32> to vector<64x64xf32>
    %dot_general3A_485 = arith.constant dense<0.000000e+00> : vector<1000x64xf32>
    %dot_general3A_486 = tpu.matmul %add3A_73, %get3A_484, %dot_general3A_485 {dimension_numbers = #tpu.dot_dimension_numbers<[1], [0], [0], [1], [0, 0, 1, 1], [], []>, transpose_lhs_hint = false} : vector<1000x64xf32>, vector<64x64xf32>, vector<1000x64xf32> -> vector<1000x64xf32>
    %mul3A_487 = vector.broadcast %slice3A_479 : vector<1000x1xf32> to vector<1000x64xf32>
    %mul3A_488 = arith.mulf %mul3A_487, %dot_general3A_486 : vector<1000x64xf32>
    %add3A_489 = arith.addf %add3A_478, %mul3A_488 : vector<1000x64xf32>
    %slice3A_490 = vector.extract_strided_slice %add3A_152 {offsets = [0, 29], sizes = [1000, 1], strides = [1, 1]} : vector<1000x64xf32> to vector<1000x1xf32>
    %get3A_491 = arith.constant 29 : index
    %get3A_492 = arith.constant 0 : index
    %get3A_493 = arith.constant 0 : index
    %get3A_494 = vector.load %arg24[%get3A_491, %get3A_492, %get3A_493] : memref<64x64x64xf32, #tpu.memory_space<vmem>>, vector<1x64x64xf32>
    %get3A_495 = vector.shape_cast %get3A_494 : vector<1x64x64xf32> to vector<64x64xf32>
    %dot_general3A_496 = arith.constant dense<0.000000e+00> : vector<1000x64xf32>
    %dot_general3A_497 = tpu.matmul %add3A_73, %get3A_495, %dot_general3A_496 {dimension_numbers = #tpu.dot_dimension_numbers<[1], [0], [0], [1], [0, 0, 1, 1], [], []>, transpose_lhs_hint = false} : vector<1000x64xf32>, vector<64x64xf32>, vector<1000x64xf32> -> vector<1000x64xf32>
    %mul3A_498 = vector.broadcast %slice3A_490 : vector<1000x1xf32> to vector<1000x64xf32>
    %mul3A_499 = arith.mulf %mul3A_498, %dot_general3A_497 : vector<1000x64xf32>
    %add3A_500 = arith.addf %add3A_489, %mul3A_499 : vector<1000x64xf32>
    %slice3A_501 = vector.extract_strided_slice %add3A_152 {offsets = [0, 30], sizes = [1000, 1], strides = [1, 1]} : vector<1000x64xf32> to vector<1000x1xf32>
    %get3A_502 = arith.constant 30 : index
    %get3A_503 = arith.constant 0 : index
    %get3A_504 = arith.constant 0 : index
    %get3A_505 = vector.load %arg24[%get3A_502, %get3A_503, %get3A_504] : memref<64x64x64xf32, #tpu.memory_space<vmem>>, vector<1x64x64xf32>
    %get3A_506 = vector.shape_cast %get3A_505 : vector<1x64x64xf32> to vector<64x64xf32>
    %dot_general3A_507 = arith.constant dense<0.000000e+00> : vector<1000x64xf32>
    %dot_general3A_508 = tpu.matmul %add3A_73, %get3A_506, %dot_general3A_507 {dimension_numbers = #tpu.dot_dimension_numbers<[1], [0], [0], [1], [0, 0, 1, 1], [], []>, transpose_lhs_hint = false} : vector<1000x64xf32>, vector<64x64xf32>, vector<1000x64xf32> -> vector<1000x64xf32>
    %mul3A_509 = vector.broadcast %slice3A_501 : vector<1000x1xf32> to vector<1000x64xf32>
    %mul3A_510 = arith.mulf %mul3A_509, %dot_general3A_508 : vector<1000x64xf32>
    %add3A_511 = arith.addf %add3A_500, %mul3A_510 : vector<1000x64xf32>
    %slice3A_512 = vector.extract_strided_slice %add3A_152 {offsets = [0, 31], sizes = [1000, 1], strides = [1, 1]} : vector<1000x64xf32> to vector<1000x1xf32>
    %get3A_513 = arith.constant 31 : index
    %get3A_514 = arith.constant 0 : index
    %get3A_515 = arith.constant 0 : index
    %get3A_516 = vector.load %arg24[%get3A_513, %get3A_514, %get3A_515] : memref<64x64x64xf32, #tpu.memory_space<vmem>>, vector<1x64x64xf32>
    %get3A_517 = vector.shape_cast %get3A_516 : vector<1x64x64xf32> to vector<64x64xf32>
    %dot_general3A_518 = arith.constant dense<0.000000e+00> : vector<1000x64xf32>
    %dot_general3A_519 = tpu.matmul %add3A_73, %get3A_517, %dot_general3A_518 {dimension_numbers = #tpu.dot_dimension_numbers<[1], [0], [0], [1], [0, 0, 1, 1], [], []>, transpose_lhs_hint = false} : vector<1000x64xf32>, vector<64x64xf32>, vector<1000x64xf32> -> vector<1000x64xf32>
    %mul3A_520 = vector.broadcast %slice3A_512 : vector<1000x1xf32> to vector<1000x64xf32>
    %mul3A_521 = arith.mulf %mul3A_520, %dot_general3A_519 : vector<1000x64xf32>
    %add3A_522 = arith.addf %add3A_511, %mul3A_521 : vector<1000x64xf32>
    %slice3A_523 = vector.extract_strided_slice %add3A_152 {offsets = [0, 32], sizes = [1000, 1], strides = [1, 1]} : vector<1000x64xf32> to vector<1000x1xf32>
    %get3A_524 = arith.constant 32 : index
    %get3A_525 = arith.constant 0 : index
    %get3A_526 = arith.constant 0 : index
    %get3A_527 = vector.load %arg24[%get3A_524, %get3A_525, %get3A_526] : memref<64x64x64xf32, #tpu.memory_space<vmem>>, vector<1x64x64xf32>
    %get3A_528 = vector.shape_cast %get3A_527 : vector<1x64x64xf32> to vector<64x64xf32>
    %dot_general3A_529 = arith.constant dense<0.000000e+00> : vector<1000x64xf32>
    %dot_general3A_530 = tpu.matmul %add3A_73, %get3A_528, %dot_general3A_529 {dimension_numbers = #tpu.dot_dimension_numbers<[1], [0], [0], [1], [0, 0, 1, 1], [], []>, transpose_lhs_hint = false} : vector<1000x64xf32>, vector<64x64xf32>, vector<1000x64xf32> -> vector<1000x64xf32>
    %mul3A_531 = vector.broadcast %slice3A_523 : vector<1000x1xf32> to vector<1000x64xf32>
    %mul3A_532 = arith.mulf %mul3A_531, %dot_general3A_530 : vector<1000x64xf32>
    %add3A_533 = arith.addf %add3A_522, %mul3A_532 : vector<1000x64xf32>
    %slice3A_534 = vector.extract_strided_slice %add3A_152 {offsets = [0, 33], sizes = [1000, 1], strides = [1, 1]} : vector<1000x64xf32> to vector<1000x1xf32>
    %get3A_535 = arith.constant 33 : index
    %get3A_536 = arith.constant 0 : index
    %get3A_537 = arith.constant 0 : index
    %get3A_538 = vector.load %arg24[%get3A_535, %get3A_536, %get3A_537] : memref<64x64x64xf32, #tpu.memory_space<vmem>>, vector<1x64x64xf32>
    %get3A_539 = vector.shape_cast %get3A_538 : vector<1x64x64xf32> to vector<64x64xf32>
    %dot_general3A_540 = arith.constant dense<0.000000e+00> : vector<1000x64xf32>
    %dot_general3A_541 = tpu.matmul %add3A_73, %get3A_539, %dot_general3A_540 {dimension_numbers = #tpu.dot_dimension_numbers<[1], [0], [0], [1], [0, 0, 1, 1], [], []>, transpose_lhs_hint = false} : vector<1000x64xf32>, vector<64x64xf32>, vector<1000x64xf32> -> vector<1000x64xf32>
    %mul3A_542 = vector.broadcast %slice3A_534 : vector<1000x1xf32> to vector<1000x64xf32>
    %mul3A_543 = arith.mulf %mul3A_542, %dot_general3A_541 : vector<1000x64xf32>
    %add3A_544 = arith.addf %add3A_533, %mul3A_543 : vector<1000x64xf32>
    %slice3A_545 = vector.extract_strided_slice %add3A_152 {offsets = [0, 34], sizes = [1000, 1], strides = [1, 1]} : vector<1000x64xf32> to vector<1000x1xf32>
    %get3A_546 = arith.constant 34 : index
    %get3A_547 = arith.constant 0 : index
    %get3A_548 = arith.constant 0 : index
    %get3A_549 = vector.load %arg24[%get3A_546, %get3A_547, %get3A_548] : memref<64x64x64xf32, #tpu.memory_space<vmem>>, vector<1x64x64xf32>
    %get3A_550 = vector.shape_cast %get3A_549 : vector<1x64x64xf32> to vector<64x64xf32>
    %dot_general3A_551 = arith.constant dense<0.000000e+00> : vector<1000x64xf32>
    %dot_general3A_552 = tpu.matmul %add3A_73, %get3A_550, %dot_general3A_551 {dimension_numbers = #tpu.dot_dimension_numbers<[1], [0], [0], [1], [0, 0, 1, 1], [], []>, transpose_lhs_hint = false} : vector<1000x64xf32>, vector<64x64xf32>, vector<1000x64xf32> -> vector<1000x64xf32>
    %mul3A_553 = vector.broadcast %slice3A_545 : vector<1000x1xf32> to vector<1000x64xf32>
    %mul3A_554 = arith.mulf %mul3A_553, %dot_general3A_552 : vector<1000x64xf32>
    %add3A_555 = arith.addf %add3A_544, %mul3A_554 : vector<1000x64xf32>
    %slice3A_556 = vector.extract_strided_slice %add3A_152 {offsets = [0, 35], sizes = [1000, 1], strides = [1, 1]} : vector<1000x64xf32> to vector<1000x1xf32>
    %get3A_557 = arith.constant 35 : index
    %get3A_558 = arith.constant 0 : index
    %get3A_559 = arith.constant 0 : index
    %get3A_560 = vector.load %arg24[%get3A_557, %get3A_558, %get3A_559] : memref<64x64x64xf32, #tpu.memory_space<vmem>>, vector<1x64x64xf32>
    %get3A_561 = vector.shape_cast %get3A_560 : vector<1x64x64xf32> to vector<64x64xf32>
    %dot_general3A_562 = arith.constant dense<0.000000e+00> : vector<1000x64xf32>
    %dot_general3A_563 = tpu.matmul %add3A_73, %get3A_561, %dot_general3A_562 {dimension_numbers = #tpu.dot_dimension_numbers<[1], [0], [0], [1], [0, 0, 1, 1], [], []>, transpose_lhs_hint = false} : vector<1000x64xf32>, vector<64x64xf32>, vector<1000x64xf32> -> vector<1000x64xf32>
    %mul3A_564 = vector.broadcast %slice3A_556 : vector<1000x1xf32> to vector<1000x64xf32>
    %mul3A_565 = arith.mulf %mul3A_564, %dot_general3A_563 : vector<1000x64xf32>
    %add3A_566 = arith.addf %add3A_555, %mul3A_565 : vector<1000x64xf32>
    %slice3A_567 = vector.extract_strided_slice %add3A_152 {offsets = [0, 36], sizes = [1000, 1], strides = [1, 1]} : vector<1000x64xf32> to vector<1000x1xf32>
    %get3A_568 = arith.constant 36 : index
    %get3A_569 = arith.constant 0 : index
    %get3A_570 = arith.constant 0 : index
    %get3A_571 = vector.load %arg24[%get3A_568, %get3A_569, %get3A_570] : memref<64x64x64xf32, #tpu.memory_space<vmem>>, vector<1x64x64xf32>
    %get3A_572 = vector.shape_cast %get3A_571 : vector<1x64x64xf32> to vector<64x64xf32>
    %dot_general3A_573 = arith.constant dense<0.000000e+00> : vector<1000x64xf32>
    %dot_general3A_574 = tpu.matmul %add3A_73, %get3A_572, %dot_general3A_573 {dimension_numbers = #tpu.dot_dimension_numbers<[1], [0], [0], [1], [0, 0, 1, 1], [], []>, transpose_lhs_hint = false} : vector<1000x64xf32>, vector<64x64xf32>, vector<1000x64xf32> -> vector<1000x64xf32>
    %mul3A_575 = vector.broadcast %slice3A_567 : vector<1000x1xf32> to vector<1000x64xf32>
    %mul3A_576 = arith.mulf %mul3A_575, %dot_general3A_574 : vector<1000x64xf32>
    %add3A_577 = arith.addf %add3A_566, %mul3A_576 : vector<1000x64xf32>
    %slice3A_578 = vector.extract_strided_slice %add3A_152 {offsets = [0, 37], sizes = [1000, 1], strides = [1, 1]} : vector<1000x64xf32> to vector<1000x1xf32>
    %get3A_579 = arith.constant 37 : index
    %get3A_580 = arith.constant 0 : index
    %get3A_581 = arith.constant 0 : index
    %get3A_582 = vector.load %arg24[%get3A_579, %get3A_580, %get3A_581] : memref<64x64x64xf32, #tpu.memory_space<vmem>>, vector<1x64x64xf32>
    %get3A_583 = vector.shape_cast %get3A_582 : vector<1x64x64xf32> to vector<64x64xf32>
    %dot_general3A_584 = arith.constant dense<0.000000e+00> : vector<1000x64xf32>
    %dot_general3A_585 = tpu.matmul %add3A_73, %get3A_583, %dot_general3A_584 {dimension_numbers = #tpu.dot_dimension_numbers<[1], [0], [0], [1], [0, 0, 1, 1], [], []>, transpose_lhs_hint = false} : vector<1000x64xf32>, vector<64x64xf32>, vector<1000x64xf32> -> vector<1000x64xf32>
    %mul3A_586 = vector.broadcast %slice3A_578 : vector<1000x1xf32> to vector<1000x64xf32>
    %mul3A_587 = arith.mulf %mul3A_586, %dot_general3A_585 : vector<1000x64xf32>
    %add3A_588 = arith.addf %add3A_577, %mul3A_587 : vector<1000x64xf32>
    %slice3A_589 = vector.extract_strided_slice %add3A_152 {offsets = [0, 38], sizes = [1000, 1], strides = [1, 1]} : vector<1000x64xf32> to vector<1000x1xf32>
    %get3A_590 = arith.constant 38 : index
    %get3A_591 = arith.constant 0 : index
    %get3A_592 = arith.constant 0 : index
    %get3A_593 = vector.load %arg24[%get3A_590, %get3A_591, %get3A_592] : memref<64x64x64xf32, #tpu.memory_space<vmem>>, vector<1x64x64xf32>
    %get3A_594 = vector.shape_cast %get3A_593 : vector<1x64x64xf32> to vector<64x64xf32>
    %dot_general3A_595 = arith.constant dense<0.000000e+00> : vector<1000x64xf32>
    %dot_general3A_596 = tpu.matmul %add3A_73, %get3A_594, %dot_general3A_595 {dimension_numbers = #tpu.dot_dimension_numbers<[1], [0], [0], [1], [0, 0, 1, 1], [], []>, transpose_lhs_hint = false} : vector<1000x64xf32>, vector<64x64xf32>, vector<1000x64xf32> -> vector<1000x64xf32>
    %mul3A_597 = vector.broadcast %slice3A_589 : vector<1000x1xf32> to vector<1000x64xf32>
    %mul3A_598 = arith.mulf %mul3A_597, %dot_general3A_596 : vector<1000x64xf32>
    %add3A_599 = arith.addf %add3A_588, %mul3A_598 : vector<1000x64xf32>
    %slice3A_600 = vector.extract_strided_slice %add3A_152 {offsets = [0, 39], sizes = [1000, 1], strides = [1, 1]} : vector<1000x64xf32> to vector<1000x1xf32>
    %get3A_601 = arith.constant 39 : index
    %get3A_602 = arith.constant 0 : index
    %get3A_603 = arith.constant 0 : index
    %get3A_604 = vector.load %arg24[%get3A_601, %get3A_602, %get3A_603] : memref<64x64x64xf32, #tpu.memory_space<vmem>>, vector<1x64x64xf32>
    %get3A_605 = vector.shape_cast %get3A_604 : vector<1x64x64xf32> to vector<64x64xf32>
    %dot_general3A_606 = arith.constant dense<0.000000e+00> : vector<1000x64xf32>
    %dot_general3A_607 = tpu.matmul %add3A_73, %get3A_605, %dot_general3A_606 {dimension_numbers = #tpu.dot_dimension_numbers<[1], [0], [0], [1], [0, 0, 1, 1], [], []>, transpose_lhs_hint = false} : vector<1000x64xf32>, vector<64x64xf32>, vector<1000x64xf32> -> vector<1000x64xf32>
    %mul3A_608 = vector.broadcast %slice3A_600 : vector<1000x1xf32> to vector<1000x64xf32>
    %mul3A_609 = arith.mulf %mul3A_608, %dot_general3A_607 : vector<1000x64xf32>
    %add3A_610 = arith.addf %add3A_599, %mul3A_609 : vector<1000x64xf32>
    %slice3A_611 = vector.extract_strided_slice %add3A_152 {offsets = [0, 40], sizes = [1000, 1], strides = [1, 1]} : vector<1000x64xf32> to vector<1000x1xf32>
    %get3A_612 = arith.constant 40 : index
    %get3A_613 = arith.constant 0 : index
    %get3A_614 = arith.constant 0 : index
    %get3A_615 = vector.load %arg24[%get3A_612, %get3A_613, %get3A_614] : memref<64x64x64xf32, #tpu.memory_space<vmem>>, vector<1x64x64xf32>
    %get3A_616 = vector.shape_cast %get3A_615 : vector<1x64x64xf32> to vector<64x64xf32>
    %dot_general3A_617 = arith.constant dense<0.000000e+00> : vector<1000x64xf32>
    %dot_general3A_618 = tpu.matmul %add3A_73, %get3A_616, %dot_general3A_617 {dimension_numbers = #tpu.dot_dimension_numbers<[1], [0], [0], [1], [0, 0, 1, 1], [], []>, transpose_lhs_hint = false} : vector<1000x64xf32>, vector<64x64xf32>, vector<1000x64xf32> -> vector<1000x64xf32>
    %mul3A_619 = vector.broadcast %slice3A_611 : vector<1000x1xf32> to vector<1000x64xf32>
    %mul3A_620 = arith.mulf %mul3A_619, %dot_general3A_618 : vector<1000x64xf32>
    %add3A_621 = arith.addf %add3A_610, %mul3A_620 : vector<1000x64xf32>
    %slice3A_622 = vector.extract_strided_slice %add3A_152 {offsets = [0, 41], sizes = [1000, 1], strides = [1, 1]} : vector<1000x64xf32> to vector<1000x1xf32>
    %get3A_623 = arith.constant 41 : index
    %get3A_624 = arith.constant 0 : index
    %get3A_625 = arith.constant 0 : index
    %get3A_626 = vector.load %arg24[%get3A_623, %get3A_624, %get3A_625] : memref<64x64x64xf32, #tpu.memory_space<vmem>>, vector<1x64x64xf32>
    %get3A_627 = vector.shape_cast %get3A_626 : vector<1x64x64xf32> to vector<64x64xf32>
    %dot_general3A_628 = arith.constant dense<0.000000e+00> : vector<1000x64xf32>
    %dot_general3A_629 = tpu.matmul %add3A_73, %get3A_627, %dot_general3A_628 {dimension_numbers = #tpu.dot_dimension_numbers<[1], [0], [0], [1], [0, 0, 1, 1], [], []>, transpose_lhs_hint = false} : vector<1000x64xf32>, vector<64x64xf32>, vector<1000x64xf32> -> vector<1000x64xf32>
    %mul3A_630 = vector.broadcast %slice3A_622 : vector<1000x1xf32> to vector<1000x64xf32>
    %mul3A_631 = arith.mulf %mul3A_630, %dot_general3A_629 : vector<1000x64xf32>
    %add3A_632 = arith.addf %add3A_621, %mul3A_631 : vector<1000x64xf32>
    %slice3A_633 = vector.extract_strided_slice %add3A_152 {offsets = [0, 42], sizes = [1000, 1], strides = [1, 1]} : vector<1000x64xf32> to vector<1000x1xf32>
    %get3A_634 = arith.constant 42 : index
    %get3A_635 = arith.constant 0 : index
    %get3A_636 = arith.constant 0 : index
    %get3A_637 = vector.load %arg24[%get3A_634, %get3A_635, %get3A_636] : memref<64x64x64xf32, #tpu.memory_space<vmem>>, vector<1x64x64xf32>
    %get3A_638 = vector.shape_cast %get3A_637 : vector<1x64x64xf32> to vector<64x64xf32>
    %dot_general3A_639 = arith.constant dense<0.000000e+00> : vector<1000x64xf32>
    %dot_general3A_640 = tpu.matmul %add3A_73, %get3A_638, %dot_general3A_639 {dimension_numbers = #tpu.dot_dimension_numbers<[1], [0], [0], [1], [0, 0, 1, 1], [], []>, transpose_lhs_hint = false} : vector<1000x64xf32>, vector<64x64xf32>, vector<1000x64xf32> -> vector<1000x64xf32>
    %mul3A_641 = vector.broadcast %slice3A_633 : vector<1000x1xf32> to vector<1000x64xf32>
    %mul3A_642 = arith.mulf %mul3A_641, %dot_general3A_640 : vector<1000x64xf32>
    %add3A_643 = arith.addf %add3A_632, %mul3A_642 : vector<1000x64xf32>
    %slice3A_644 = vector.extract_strided_slice %add3A_152 {offsets = [0, 43], sizes = [1000, 1], strides = [1, 1]} : vector<1000x64xf32> to vector<1000x1xf32>
    %get3A_645 = arith.constant 43 : index
    %get3A_646 = arith.constant 0 : index
    %get3A_647 = arith.constant 0 : index
    %get3A_648 = vector.load %arg24[%get3A_645, %get3A_646, %get3A_647] : memref<64x64x64xf32, #tpu.memory_space<vmem>>, vector<1x64x64xf32>
    %get3A_649 = vector.shape_cast %get3A_648 : vector<1x64x64xf32> to vector<64x64xf32>
    %dot_general3A_650 = arith.constant dense<0.000000e+00> : vector<1000x64xf32>
    %dot_general3A_651 = tpu.matmul %add3A_73, %get3A_649, %dot_general3A_650 {dimension_numbers = #tpu.dot_dimension_numbers<[1], [0], [0], [1], [0, 0, 1, 1], [], []>, transpose_lhs_hint = false} : vector<1000x64xf32>, vector<64x64xf32>, vector<1000x64xf32> -> vector<1000x64xf32>
    %mul3A_652 = vector.broadcast %slice3A_644 : vector<1000x1xf32> to vector<1000x64xf32>
    %mul3A_653 = arith.mulf %mul3A_652, %dot_general3A_651 : vector<1000x64xf32>
    %add3A_654 = arith.addf %add3A_643, %mul3A_653 : vector<1000x64xf32>
    %slice3A_655 = vector.extract_strided_slice %add3A_152 {offsets = [0, 44], sizes = [1000, 1], strides = [1, 1]} : vector<1000x64xf32> to vector<1000x1xf32>
    %get3A_656 = arith.constant 44 : index
    %get3A_657 = arith.constant 0 : index
    %get3A_658 = arith.constant 0 : index
    %get3A_659 = vector.load %arg24[%get3A_656, %get3A_657, %get3A_658] : memref<64x64x64xf32, #tpu.memory_space<vmem>>, vector<1x64x64xf32>
    %get3A_660 = vector.shape_cast %get3A_659 : vector<1x64x64xf32> to vector<64x64xf32>
    %dot_general3A_661 = arith.constant dense<0.000000e+00> : vector<1000x64xf32>
    %dot_general3A_662 = tpu.matmul %add3A_73, %get3A_660, %dot_general3A_661 {dimension_numbers = #tpu.dot_dimension_numbers<[1], [0], [0], [1], [0, 0, 1, 1], [], []>, transpose_lhs_hint = false} : vector<1000x64xf32>, vector<64x64xf32>, vector<1000x64xf32> -> vector<1000x64xf32>
    %mul3A_663 = vector.broadcast %slice3A_655 : vector<1000x1xf32> to vector<1000x64xf32>
    %mul3A_664 = arith.mulf %mul3A_663, %dot_general3A_662 : vector<1000x64xf32>
    %add3A_665 = arith.addf %add3A_654, %mul3A_664 : vector<1000x64xf32>
    %slice3A_666 = vector.extract_strided_slice %add3A_152 {offsets = [0, 45], sizes = [1000, 1], strides = [1, 1]} : vector<1000x64xf32> to vector<1000x1xf32>
    %get3A_667 = arith.constant 45 : index
    %get3A_668 = arith.constant 0 : index
    %get3A_669 = arith.constant 0 : index
    %get3A_670 = vector.load %arg24[%get3A_667, %get3A_668, %get3A_669] : memref<64x64x64xf32, #tpu.memory_space<vmem>>, vector<1x64x64xf32>
    %get3A_671 = vector.shape_cast %get3A_670 : vector<1x64x64xf32> to vector<64x64xf32>
    %dot_general3A_672 = arith.constant dense<0.000000e+00> : vector<1000x64xf32>
    %dot_general3A_673 = tpu.matmul %add3A_73, %get3A_671, %dot_general3A_672 {dimension_numbers = #tpu.dot_dimension_numbers<[1], [0], [0], [1], [0, 0, 1, 1], [], []>, transpose_lhs_hint = false} : vector<1000x64xf32>, vector<64x64xf32>, vector<1000x64xf32> -> vector<1000x64xf32>
    %mul3A_674 = vector.broadcast %slice3A_666 : vector<1000x1xf32> to vector<1000x64xf32>
    %mul3A_675 = arith.mulf %mul3A_674, %dot_general3A_673 : vector<1000x64xf32>
    %add3A_676 = arith.addf %add3A_665, %mul3A_675 : vector<1000x64xf32>
    %slice3A_677 = vector.extract_strided_slice %add3A_152 {offsets = [0, 46], sizes = [1000, 1], strides = [1, 1]} : vector<1000x64xf32> to vector<1000x1xf32>
    %get3A_678 = arith.constant 46 : index
    %get3A_679 = arith.constant 0 : index
    %get3A_680 = arith.constant 0 : index
    %get3A_681 = vector.load %arg24[%get3A_678, %get3A_679, %get3A_680] : memref<64x64x64xf32, #tpu.memory_space<vmem>>, vector<1x64x64xf32>
    %get3A_682 = vector.shape_cast %get3A_681 : vector<1x64x64xf32> to vector<64x64xf32>
    %dot_general3A_683 = arith.constant dense<0.000000e+00> : vector<1000x64xf32>
    %dot_general3A_684 = tpu.matmul %add3A_73, %get3A_682, %dot_general3A_683 {dimension_numbers = #tpu.dot_dimension_numbers<[1], [0], [0], [1], [0, 0, 1, 1], [], []>, transpose_lhs_hint = false} : vector<1000x64xf32>, vector<64x64xf32>, vector<1000x64xf32> -> vector<1000x64xf32>
    %mul3A_685 = vector.broadcast %slice3A_677 : vector<1000x1xf32> to vector<1000x64xf32>
    %mul3A_686 = arith.mulf %mul3A_685, %dot_general3A_684 : vector<1000x64xf32>
    %add3A_687 = arith.addf %add3A_676, %mul3A_686 : vector<1000x64xf32>
    %slice3A_688 = vector.extract_strided_slice %add3A_152 {offsets = [0, 47], sizes = [1000, 1], strides = [1, 1]} : vector<1000x64xf32> to vector<1000x1xf32>
    %get3A_689 = arith.constant 47 : index
    %get3A_690 = arith.constant 0 : index
    %get3A_691 = arith.constant 0 : index
    %get3A_692 = vector.load %arg24[%get3A_689, %get3A_690, %get3A_691] : memref<64x64x64xf32, #tpu.memory_space<vmem>>, vector<1x64x64xf32>
    %get3A_693 = vector.shape_cast %get3A_692 : vector<1x64x64xf32> to vector<64x64xf32>
    %dot_general3A_694 = arith.constant dense<0.000000e+00> : vector<1000x64xf32>
    %dot_general3A_695 = tpu.matmul %add3A_73, %get3A_693, %dot_general3A_694 {dimension_numbers = #tpu.dot_dimension_numbers<[1], [0], [0], [1], [0, 0, 1, 1], [], []>, transpose_lhs_hint = false} : vector<1000x64xf32>, vector<64x64xf32>, vector<1000x64xf32> -> vector<1000x64xf32>
    %mul3A_696 = vector.broadcast %slice3A_688 : vector<1000x1xf32> to vector<1000x64xf32>
    %mul3A_697 = arith.mulf %mul3A_696, %dot_general3A_695 : vector<1000x64xf32>
    %add3A_698 = arith.addf %add3A_687, %mul3A_697 : vector<1000x64xf32>
    %slice3A_699 = vector.extract_strided_slice %add3A_152 {offsets = [0, 48], sizes = [1000, 1], strides = [1, 1]} : vector<1000x64xf32> to vector<1000x1xf32>
    %get3A_700 = arith.constant 48 : index
    %get3A_701 = arith.constant 0 : index
    %get3A_702 = arith.constant 0 : index
    %get3A_703 = vector.load %arg24[%get3A_700, %get3A_701, %get3A_702] : memref<64x64x64xf32, #tpu.memory_space<vmem>>, vector<1x64x64xf32>
    %get3A_704 = vector.shape_cast %get3A_703 : vector<1x64x64xf32> to vector<64x64xf32>
    %dot_general3A_705 = arith.constant dense<0.000000e+00> : vector<1000x64xf32>
    %dot_general3A_706 = tpu.matmul %add3A_73, %get3A_704, %dot_general3A_705 {dimension_numbers = #tpu.dot_dimension_numbers<[1], [0], [0], [1], [0, 0, 1, 1], [], []>, transpose_lhs_hint = false} : vector<1000x64xf32>, vector<64x64xf32>, vector<1000x64xf32> -> vector<1000x64xf32>
    %mul3A_707 = vector.broadcast %slice3A_699 : vector<1000x1xf32> to vector<1000x64xf32>
    %mul3A_708 = arith.mulf %mul3A_707, %dot_general3A_706 : vector<1000x64xf32>
    %add3A_709 = arith.addf %add3A_698, %mul3A_708 : vector<1000x64xf32>
    %slice3A_710 = vector.extract_strided_slice %add3A_152 {offsets = [0, 49], sizes = [1000, 1], strides = [1, 1]} : vector<1000x64xf32> to vector<1000x1xf32>
    %get3A_711 = arith.constant 49 : index
    %get3A_712 = arith.constant 0 : index
    %get3A_713 = arith.constant 0 : index
    %get3A_714 = vector.load %arg24[%get3A_711, %get3A_712, %get3A_713] : memref<64x64x64xf32, #tpu.memory_space<vmem>>, vector<1x64x64xf32>
    %get3A_715 = vector.shape_cast %get3A_714 : vector<1x64x64xf32> to vector<64x64xf32>
    %dot_general3A_716 = arith.constant dense<0.000000e+00> : vector<1000x64xf32>
    %dot_general3A_717 = tpu.matmul %add3A_73, %get3A_715, %dot_general3A_716 {dimension_numbers = #tpu.dot_dimension_numbers<[1], [0], [0], [1], [0, 0, 1, 1], [], []>, transpose_lhs_hint = false} : vector<1000x64xf32>, vector<64x64xf32>, vector<1000x64xf32> -> vector<1000x64xf32>
    %mul3A_718 = vector.broadcast %slice3A_710 : vector<1000x1xf32> to vector<1000x64xf32>
    %mul3A_719 = arith.mulf %mul3A_718, %dot_general3A_717 : vector<1000x64xf32>
    %add3A_720 = arith.addf %add3A_709, %mul3A_719 : vector<1000x64xf32>
    %slice3A_721 = vector.extract_strided_slice %add3A_152 {offsets = [0, 50], sizes = [1000, 1], strides = [1, 1]} : vector<1000x64xf32> to vector<1000x1xf32>
    %get3A_722 = arith.constant 50 : index
    %get3A_723 = arith.constant 0 : index
    %get3A_724 = arith.constant 0 : index
    %get3A_725 = vector.load %arg24[%get3A_722, %get3A_723, %get3A_724] : memref<64x64x64xf32, #tpu.memory_space<vmem>>, vector<1x64x64xf32>
    %get3A_726 = vector.shape_cast %get3A_725 : vector<1x64x64xf32> to vector<64x64xf32>
    %dot_general3A_727 = arith.constant dense<0.000000e+00> : vector<1000x64xf32>
    %dot_general3A_728 = tpu.matmul %add3A_73, %get3A_726, %dot_general3A_727 {dimension_numbers = #tpu.dot_dimension_numbers<[1], [0], [0], [1], [0, 0, 1, 1], [], []>, transpose_lhs_hint = false} : vector<1000x64xf32>, vector<64x64xf32>, vector<1000x64xf32> -> vector<1000x64xf32>
    %mul3A_729 = vector.broadcast %slice3A_721 : vector<1000x1xf32> to vector<1000x64xf32>
    %mul3A_730 = arith.mulf %mul3A_729, %dot_general3A_728 : vector<1000x64xf32>
    %add3A_731 = arith.addf %add3A_720, %mul3A_730 : vector<1000x64xf32>
    %slice3A_732 = vector.extract_strided_slice %add3A_152 {offsets = [0, 51], sizes = [1000, 1], strides = [1, 1]} : vector<1000x64xf32> to vector<1000x1xf32>
    %get3A_733 = arith.constant 51 : index
    %get3A_734 = arith.constant 0 : index
    %get3A_735 = arith.constant 0 : index
    %get3A_736 = vector.load %arg24[%get3A_733, %get3A_734, %get3A_735] : memref<64x64x64xf32, #tpu.memory_space<vmem>>, vector<1x64x64xf32>
    %get3A_737 = vector.shape_cast %get3A_736 : vector<1x64x64xf32> to vector<64x64xf32>
    %dot_general3A_738 = arith.constant dense<0.000000e+00> : vector<1000x64xf32>
    %dot_general3A_739 = tpu.matmul %add3A_73, %get3A_737, %dot_general3A_738 {dimension_numbers = #tpu.dot_dimension_numbers<[1], [0], [0], [1], [0, 0, 1, 1], [], []>, transpose_lhs_hint = false} : vector<1000x64xf32>, vector<64x64xf32>, vector<1000x64xf32> -> vector<1000x64xf32>
    %mul3A_740 = vector.broadcast %slice3A_732 : vector<1000x1xf32> to vector<1000x64xf32>
    %mul3A_741 = arith.mulf %mul3A_740, %dot_general3A_739 : vector<1000x64xf32>
    %add3A_742 = arith.addf %add3A_731, %mul3A_741 : vector<1000x64xf32>
    %slice3A_743 = vector.extract_strided_slice %add3A_152 {offsets = [0, 52], sizes = [1000, 1], strides = [1, 1]} : vector<1000x64xf32> to vector<1000x1xf32>
    %get3A_744 = arith.constant 52 : index
    %get3A_745 = arith.constant 0 : index
    %get3A_746 = arith.constant 0 : index
    %get3A_747 = vector.load %arg24[%get3A_744, %get3A_745, %get3A_746] : memref<64x64x64xf32, #tpu.memory_space<vmem>>, vector<1x64x64xf32>
    %get3A_748 = vector.shape_cast %get3A_747 : vector<1x64x64xf32> to vector<64x64xf32>
    %dot_general3A_749 = arith.constant dense<0.000000e+00> : vector<1000x64xf32>
    %dot_general3A_750 = tpu.matmul %add3A_73, %get3A_748, %dot_general3A_749 {dimension_numbers = #tpu.dot_dimension_numbers<[1], [0], [0], [1], [0, 0, 1, 1], [], []>, transpose_lhs_hint = false} : vector<1000x64xf32>, vector<64x64xf32>, vector<1000x64xf32> -> vector<1000x64xf32>
    %mul3A_751 = vector.broadcast %slice3A_743 : vector<1000x1xf32> to vector<1000x64xf32>
    %mul3A_752 = arith.mulf %mul3A_751, %dot_general3A_750 : vector<1000x64xf32>
    %add3A_753 = arith.addf %add3A_742, %mul3A_752 : vector<1000x64xf32>
    %slice3A_754 = vector.extract_strided_slice %add3A_152 {offsets = [0, 53], sizes = [1000, 1], strides = [1, 1]} : vector<1000x64xf32> to vector<1000x1xf32>
    %get3A_755 = arith.constant 53 : index
    %get3A_756 = arith.constant 0 : index
    %get3A_757 = arith.constant 0 : index
    %get3A_758 = vector.load %arg24[%get3A_755, %get3A_756, %get3A_757] : memref<64x64x64xf32, #tpu.memory_space<vmem>>, vector<1x64x64xf32>
    %get3A_759 = vector.shape_cast %get3A_758 : vector<1x64x64xf32> to vector<64x64xf32>
    %dot_general3A_760 = arith.constant dense<0.000000e+00> : vector<1000x64xf32>
    %dot_general3A_761 = tpu.matmul %add3A_73, %get3A_759, %dot_general3A_760 {dimension_numbers = #tpu.dot_dimension_numbers<[1], [0], [0], [1], [0, 0, 1, 1], [], []>, transpose_lhs_hint = false} : vector<1000x64xf32>, vector<64x64xf32>, vector<1000x64xf32> -> vector<1000x64xf32>
    %mul3A_762 = vector.broadcast %slice3A_754 : vector<1000x1xf32> to vector<1000x64xf32>
    %mul3A_763 = arith.mulf %mul3A_762, %dot_general3A_761 : vector<1000x64xf32>
    %add3A_764 = arith.addf %add3A_753, %mul3A_763 : vector<1000x64xf32>
    %slice3A_765 = vector.extract_strided_slice %add3A_152 {offsets = [0, 54], sizes = [1000, 1], strides = [1, 1]} : vector<1000x64xf32> to vector<1000x1xf32>
    %get3A_766 = arith.constant 54 : index
    %get3A_767 = arith.constant 0 : index
    %get3A_768 = arith.constant 0 : index
    %get3A_769 = vector.load %arg24[%get3A_766, %get3A_767, %get3A_768] : memref<64x64x64xf32, #tpu.memory_space<vmem>>, vector<1x64x64xf32>
    %get3A_770 = vector.shape_cast %get3A_769 : vector<1x64x64xf32> to vector<64x64xf32>
    %dot_general3A_771 = arith.constant dense<0.000000e+00> : vector<1000x64xf32>
    %dot_general3A_772 = tpu.matmul %add3A_73, %get3A_770, %dot_general3A_771 {dimension_numbers = #tpu.dot_dimension_numbers<[1], [0], [0], [1], [0, 0, 1, 1], [], []>, transpose_lhs_hint = false} : vector<1000x64xf32>, vector<64x64xf32>, vector<1000x64xf32> -> vector<1000x64xf32>
    %mul3A_773 = vector.broadcast %slice3A_765 : vector<1000x1xf32> to vector<1000x64xf32>
    %mul3A_774 = arith.mulf %mul3A_773, %dot_general3A_772 : vector<1000x64xf32>
    %add3A_775 = arith.addf %add3A_764, %mul3A_774 : vector<1000x64xf32>
    %slice3A_776 = vector.extract_strided_slice %add3A_152 {offsets = [0, 55], sizes = [1000, 1], strides = [1, 1]} : vector<1000x64xf32> to vector<1000x1xf32>
    %get3A_777 = arith.constant 55 : index
    %get3A_778 = arith.constant 0 : index
    %get3A_779 = arith.constant 0 : index
    %get3A_780 = vector.load %arg24[%get3A_777, %get3A_778, %get3A_779] : memref<64x64x64xf32, #tpu.memory_space<vmem>>, vector<1x64x64xf32>
    %get3A_781 = vector.shape_cast %get3A_780 : vector<1x64x64xf32> to vector<64x64xf32>
    %dot_general3A_782 = arith.constant dense<0.000000e+00> : vector<1000x64xf32>
    %dot_general3A_783 = tpu.matmul %add3A_73, %get3A_781, %dot_general3A_782 {dimension_numbers = #tpu.dot_dimension_numbers<[1], [0], [0], [1], [0, 0, 1, 1], [], []>, transpose_lhs_hint = false} : vector<1000x64xf32>, vector<64x64xf32>, vector<1000x64xf32> -> vector<1000x64xf32>
    %mul3A_784 = vector.broadcast %slice3A_776 : vector<1000x1xf32> to vector<1000x64xf32>
    %mul3A_785 = arith.mulf %mul3A_784, %dot_general3A_783 : vector<1000x64xf32>
    %add3A_786 = arith.addf %add3A_775, %mul3A_785 : vector<1000x64xf32>
    %slice3A_787 = vector.extract_strided_slice %add3A_152 {offsets = [0, 56], sizes = [1000, 1], strides = [1, 1]} : vector<1000x64xf32> to vector<1000x1xf32>
    %get3A_788 = arith.constant 56 : index
    %get3A_789 = arith.constant 0 : index
    %get3A_790 = arith.constant 0 : index
    %get3A_791 = vector.load %arg24[%get3A_788, %get3A_789, %get3A_790] : memref<64x64x64xf32, #tpu.memory_space<vmem>>, vector<1x64x64xf32>
    %get3A_792 = vector.shape_cast %get3A_791 : vector<1x64x64xf32> to vector<64x64xf32>
    %dot_general3A_793 = arith.constant dense<0.000000e+00> : vector<1000x64xf32>
    %dot_general3A_794 = tpu.matmul %add3A_73, %get3A_792, %dot_general3A_793 {dimension_numbers = #tpu.dot_dimension_numbers<[1], [0], [0], [1], [0, 0, 1, 1], [], []>, transpose_lhs_hint = false} : vector<1000x64xf32>, vector<64x64xf32>, vector<1000x64xf32> -> vector<1000x64xf32>
    %mul3A_795 = vector.broadcast %slice3A_787 : vector<1000x1xf32> to vector<1000x64xf32>
    %mul3A_796 = arith.mulf %mul3A_795, %dot_general3A_794 : vector<1000x64xf32>
    %add3A_797 = arith.addf %add3A_786, %mul3A_796 : vector<1000x64xf32>
    %slice3A_798 = vector.extract_strided_slice %add3A_152 {offsets = [0, 57], sizes = [1000, 1], strides = [1, 1]} : vector<1000x64xf32> to vector<1000x1xf32>
    %get3A_799 = arith.constant 57 : index
    %get3A_800 = arith.constant 0 : index
    %get3A_801 = arith.constant 0 : index
    %get3A_802 = vector.load %arg24[%get3A_799, %get3A_800, %get3A_801] : memref<64x64x64xf32, #tpu.memory_space<vmem>>, vector<1x64x64xf32>
    %get3A_803 = vector.shape_cast %get3A_802 : vector<1x64x64xf32> to vector<64x64xf32>
    %dot_general3A_804 = arith.constant dense<0.000000e+00> : vector<1000x64xf32>
    %dot_general3A_805 = tpu.matmul %add3A_73, %get3A_803, %dot_general3A_804 {dimension_numbers = #tpu.dot_dimension_numbers<[1], [0], [0], [1], [0, 0, 1, 1], [], []>, transpose_lhs_hint = false} : vector<1000x64xf32>, vector<64x64xf32>, vector<1000x64xf32> -> vector<1000x64xf32>
    %mul3A_806 = vector.broadcast %slice3A_798 : vector<1000x1xf32> to vector<1000x64xf32>
    %mul3A_807 = arith.mulf %mul3A_806, %dot_general3A_805 : vector<1000x64xf32>
    %add3A_808 = arith.addf %add3A_797, %mul3A_807 : vector<1000x64xf32>
    %slice3A_809 = vector.extract_strided_slice %add3A_152 {offsets = [0, 58], sizes = [1000, 1], strides = [1, 1]} : vector<1000x64xf32> to vector<1000x1xf32>
    %get3A_810 = arith.constant 58 : index
    %get3A_811 = arith.constant 0 : index
    %get3A_812 = arith.constant 0 : index
    %get3A_813 = vector.load %arg24[%get3A_810, %get3A_811, %get3A_812] : memref<64x64x64xf32, #tpu.memory_space<vmem>>, vector<1x64x64xf32>
    %get3A_814 = vector.shape_cast %get3A_813 : vector<1x64x64xf32> to vector<64x64xf32>
    %dot_general3A_815 = arith.constant dense<0.000000e+00> : vector<1000x64xf32>
    %dot_general3A_816 = tpu.matmul %add3A_73, %get3A_814, %dot_general3A_815 {dimension_numbers = #tpu.dot_dimension_numbers<[1], [0], [0], [1], [0, 0, 1, 1], [], []>, transpose_lhs_hint = false} : vector<1000x64xf32>, vector<64x64xf32>, vector<1000x64xf32> -> vector<1000x64xf32>
    %mul3A_817 = vector.broadcast %slice3A_809 : vector<1000x1xf32> to vector<1000x64xf32>
    %mul3A_818 = arith.mulf %mul3A_817, %dot_general3A_816 : vector<1000x64xf32>
    %add3A_819 = arith.addf %add3A_808, %mul3A_818 : vector<1000x64xf32>
    %slice3A_820 = vector.extract_strided_slice %add3A_152 {offsets = [0, 59], sizes = [1000, 1], strides = [1, 1]} : vector<1000x64xf32> to vector<1000x1xf32>
    %get3A_821 = arith.constant 59 : index
    %get3A_822 = arith.constant 0 : index
    %get3A_823 = arith.constant 0 : index
    %get3A_824 = vector.load %arg24[%get3A_821, %get3A_822, %get3A_823] : memref<64x64x64xf32, #tpu.memory_space<vmem>>, vector<1x64x64xf32>
    %get3A_825 = vector.shape_cast %get3A_824 : vector<1x64x64xf32> to vector<64x64xf32>
    %dot_general3A_826 = arith.constant dense<0.000000e+00> : vector<1000x64xf32>
    %dot_general3A_827 = tpu.matmul %add3A_73, %get3A_825, %dot_general3A_826 {dimension_numbers = #tpu.dot_dimension_numbers<[1], [0], [0], [1], [0, 0, 1, 1], [], []>, transpose_lhs_hint = false} : vector<1000x64xf32>, vector<64x64xf32>, vector<1000x64xf32> -> vector<1000x64xf32>
    %mul3A_828 = vector.broadcast %slice3A_820 : vector<1000x1xf32> to vector<1000x64xf32>
    %mul3A_829 = arith.mulf %mul3A_828, %dot_general3A_827 : vector<1000x64xf32>
    %add3A_830 = arith.addf %add3A_819, %mul3A_829 : vector<1000x64xf32>
    %slice3A_831 = vector.extract_strided_slice %add3A_152 {offsets = [0, 60], sizes = [1000, 1], strides = [1, 1]} : vector<1000x64xf32> to vector<1000x1xf32>
    %get3A_832 = arith.constant 60 : index
    %get3A_833 = arith.constant 0 : index
    %get3A_834 = arith.constant 0 : index
    %get3A_835 = vector.load %arg24[%get3A_832, %get3A_833, %get3A_834] : memref<64x64x64xf32, #tpu.memory_space<vmem>>, vector<1x64x64xf32>
    %get3A_836 = vector.shape_cast %get3A_835 : vector<1x64x64xf32> to vector<64x64xf32>
    %dot_general3A_837 = arith.constant dense<0.000000e+00> : vector<1000x64xf32>
    %dot_general3A_838 = tpu.matmul %add3A_73, %get3A_836, %dot_general3A_837 {dimension_numbers = #tpu.dot_dimension_numbers<[1], [0], [0], [1], [0, 0, 1, 1], [], []>, transpose_lhs_hint = false} : vector<1000x64xf32>, vector<64x64xf32>, vector<1000x64xf32> -> vector<1000x64xf32>
    %mul3A_839 = vector.broadcast %slice3A_831 : vector<1000x1xf32> to vector<1000x64xf32>
    %mul3A_840 = arith.mulf %mul3A_839, %dot_general3A_838 : vector<1000x64xf32>
    %add3A_841 = arith.addf %add3A_830, %mul3A_840 : vector<1000x64xf32>
    %slice3A_842 = vector.extract_strided_slice %add3A_152 {offsets = [0, 61], sizes = [1000, 1], strides = [1, 1]} : vector<1000x64xf32> to vector<1000x1xf32>
    %get3A_843 = arith.constant 61 : index
    %get3A_844 = arith.constant 0 : index
    %get3A_845 = arith.constant 0 : index
    %get3A_846 = vector.load %arg24[%get3A_843, %get3A_844, %get3A_845] : memref<64x64x64xf32, #tpu.memory_space<vmem>>, vector<1x64x64xf32>
    %get3A_847 = vector.shape_cast %get3A_846 : vector<1x64x64xf32> to vector<64x64xf32>
    %dot_general3A_848 = arith.constant dense<0.000000e+00> : vector<1000x64xf32>
    %dot_general3A_849 = tpu.matmul %add3A_73, %get3A_847, %dot_general3A_848 {dimension_numbers = #tpu.dot_dimension_numbers<[1], [0], [0], [1], [0, 0, 1, 1], [], []>, transpose_lhs_hint = false} : vector<1000x64xf32>, vector<64x64xf32>, vector<1000x64xf32> -> vector<1000x64xf32>
    %mul3A_850 = vector.broadcast %slice3A_842 : vector<1000x1xf32> to vector<1000x64xf32>
    %mul3A_851 = arith.mulf %mul3A_850, %dot_general3A_849 : vector<1000x64xf32>
    %add3A_852 = arith.addf %add3A_841, %mul3A_851 : vector<1000x64xf32>
    %slice3A_853 = vector.extract_strided_slice %add3A_152 {offsets = [0, 62], sizes = [1000, 1], strides = [1, 1]} : vector<1000x64xf32> to vector<1000x1xf32>
    %get3A_854 = arith.constant 62 : index
    %get3A_855 = arith.constant 0 : index
    %get3A_856 = arith.constant 0 : index
    %get3A_857 = vector.load %arg24[%get3A_854, %get3A_855, %get3A_856] : memref<64x64x64xf32, #tpu.memory_space<vmem>>, vector<1x64x64xf32>
    %get3A_858 = vector.shape_cast %get3A_857 : vector<1x64x64xf32> to vector<64x64xf32>
    %dot_general3A_859 = arith.constant dense<0.000000e+00> : vector<1000x64xf32>
    %dot_general3A_860 = tpu.matmul %add3A_73, %get3A_858, %dot_general3A_859 {dimension_numbers = #tpu.dot_dimension_numbers<[1], [0], [0], [1], [0, 0, 1, 1], [], []>, transpose_lhs_hint = false} : vector<1000x64xf32>, vector<64x64xf32>, vector<1000x64xf32> -> vector<1000x64xf32>
    %mul3A_861 = vector.broadcast %slice3A_853 : vector<1000x1xf32> to vector<1000x64xf32>
    %mul3A_862 = arith.mulf %mul3A_861, %dot_general3A_860 : vector<1000x64xf32>
    %add3A_863 = arith.addf %add3A_852, %mul3A_862 : vector<1000x64xf32>
    %slice3A_864 = vector.extract_strided_slice %add3A_152 {offsets = [0, 63], sizes = [1000, 1], strides = [1, 1]} : vector<1000x64xf32> to vector<1000x1xf32>
    %get3A_865 = arith.constant 63 : index
    %get3A_866 = arith.constant 0 : index
    %get3A_867 = arith.constant 0 : index
    %get3A_868 = vector.load %arg24[%get3A_865, %get3A_866, %get3A_867] : memref<64x64x64xf32, #tpu.memory_space<vmem>>, vector<1x64x64xf32>
    %get3A_869 = vector.shape_cast %get3A_868 : vector<1x64x64xf32> to vector<64x64xf32>
    %dot_general3A_870 = arith.constant dense<0.000000e+00> : vector<1000x64xf32>
    %dot_general3A_871 = tpu.matmul %add3A_73, %get3A_869, %dot_general3A_870 {dimension_numbers = #tpu.dot_dimension_numbers<[1], [0], [0], [1], [0, 0, 1, 1], [], []>, transpose_lhs_hint = false} : vector<1000x64xf32>, vector<64x64xf32>, vector<1000x64xf32> -> vector<1000x64xf32>
    %mul3A_872 = vector.broadcast %slice3A_864 : vector<1000x1xf32> to vector<1000x64xf32>
    %mul3A_873 = arith.mulf %mul3A_872, %dot_general3A_871 : vector<1000x64xf32>
    %add3A_874 = arith.addf %add3A_863, %mul3A_873 : vector<1000x64xf32>
    %swap3A_875 = arith.constant 0 : index
    %swap3A_876 = arith.constant 0 : index
    %swap3A_877 = vector.load %arg26[%swap3A_875, %swap3A_876] : memref<1000x64xf32, #tpu.memory_space<vmem>>, vector<1000x64xf32>
    tpu.vector_store %arg26[%swap3A_875, %swap3A_876], %add3A_874 {strides = array<i32>} : memref<1000x64xf32, #tpu.memory_space<vmem>>, vector<1000x64xf32>,
    return
  }
  func.func @transform_0(%arg0: i32) -> (i32, i32) {
    %c0_i32 = arith.constant 0 : i32
    %c0_i32_0 = arith.constant 0 : i32
    return %arg0, %c0_i32 : i32, i32
  }
  func.func @transform_1(%arg0: i32) -> (i32, i32) {
    %c0_i32 = arith.constant 0 : i32
    %c0_i32_0 = arith.constant 0 : i32
    return %arg0, %c0_i32 : i32, i32
  }
  func.func @transform_2(%arg0: i32) -> (i32, i32) {
    %c0_i32 = arith.constant 0 : i32
    %c0_i32_0 = arith.constant 0 : i32
    return %arg0, %c0_i32 : i32, i32
  }
  func.func @transform_3(%arg0: i32) -> (i32, i32) {
    %c0_i32 = arith.constant 0 : i32
    %c0_i32_0 = arith.constant 0 : i32
    return %arg0, %c0_i32 : i32, i32
  }
  func.func @transform_4(%arg0: i32) -> (i32, i32) {
    %c0_i32 = arith.constant 0 : i32
    %c0_i32_0 = arith.constant 0 : i32
    return %arg0, %c0_i32 : i32, i32
  }
  func.func @transform_5(%arg0: i32) -> (i32, i32) {
    %c0_i32 = arith.constant 0 : i32
    %c0_i32_0 = arith.constant 0 : i32
    return %arg0, %c0_i32 : i32, i32
  }
  func.func @transform_6(%arg0: i32) -> (i32, i32) {
    %c0_i32 = arith.constant 0 : i32
    %c0_i32_0 = arith.constant 0 : i32
    return %arg0, %c0_i32 : i32, i32
  }
  func.func @transform_7(%arg0: i32) -> (i32, i32) {
    %c0_i32 = arith.constant 0 : i32
    %c0_i32_0 = arith.constant 0 : i32
    return %arg0, %c0_i32 : i32, i32
  }
  func.func @transform_8(%arg0: i32) -> (i32, i32) {
    %c0_i32 = arith.constant 0 : i32
    %c0_i32_0 = arith.constant 0 : i32
    return %arg0, %c0_i32 : i32, i32
  }
  func.func @transform_9(%arg0: i32) -> (i32, i32) {
    %c0_i32 = arith.constant 0 : i32
    %c0_i32_0 = arith.constant 0 : i32
    return %arg0, %c0_i32 : i32, i32
  }
  func.func @transform_10(%arg0: i32) -> (i32, i32) {
    %c0_i32 = arith.constant 0 : i32
    %c0_i32_0 = arith.constant 0 : i32
    return %arg0, %c0_i32 : i32, i32
  }
  func.func @transform_11(%arg0: i32) -> (i32, i32) {
    %c0_i32 = arith.constant 0 : i32
    %c0_i32_0 = arith.constant 0 : i32
    return %arg0, %c0_i32 : i32, i32
  }
  func.func @transform_12(%arg0: i32) -> (i32, i32) {
    %c0_i32 = arith.constant 0 : i32
    %c0_i32_0 = arith.constant 0 : i32
    return %arg0, %c0_i32 : i32, i32
  }
  func.func @transform_13(%arg0: i32) -> (i32, i32) {
    %c0_i32 = arith.constant 0 : i32
    %c0_i32_0 = arith.constant 0 : i32
    return %arg0, %c0_i32 : i32, i32
  }
  func.func @transform_14(%arg0: i32) -> (i32, i32) {
    %c0_i32 = arith.constant 0 : i32
    %c0_i32_0 = arith.constant 0 : i32
    return %arg0, %c0_i32 : i32, i32
  }
  func.func @transform_15(%arg0: i32) -> (i32, i32) {
    %c0_i32 = arith.constant 0 : i32
    %c0_i32_0 = arith.constant 0 : i32
    return %arg0, %c0_i32 : i32, i32
  }
  func.func @transform_16(%arg0: i32) -> (i32, i32) {
    %c0_i32 = arith.constant 0 : i32
    %c0_i32_0 = arith.constant 0 : i32
    %c0_i32_1 = arith.constant 0 : i32
    return %c0_i32, %c0_i32_0 : i32, i32
  }
  func.func @transform_17(%arg0: i32) -> (i32, i32) {
    %c0_i32 = arith.constant 0 : i32
    %c0_i32_0 = arith.constant 0 : i32
    %c0_i32_1 = arith.constant 0 : i32
    return %c0_i32, %c0_i32_0 : i32, i32
  }
  func.func @transform_18(%arg0: i32) -> (i32, i32) {
    %c0_i32 = arith.constant 0 : i32
    %c0_i32_0 = arith.constant 0 : i32
    %c0_i32_1 = arith.constant 0 : i32
    return %c0_i32, %c0_i32_0 : i32, i32
  }
  func.func @transform_19(%arg0: i32) -> (i32, i32) {
    %c0_i32 = arith.constant 0 : i32
    %c0_i32_0 = arith.constant 0 : i32
    %c0_i32_1 = arith.constant 0 : i32
    return %c0_i32, %c0_i32_0 : i32, i32
  }
  func.func @transform_20(%arg0: i32) -> (i32, i32) {
    %c0_i32 = arith.constant 0 : i32
    %c0_i32_0 = arith.constant 0 : i32
    %c0_i32_1 = arith.constant 0 : i32
    return %c0_i32, %c0_i32_0 : i32, i32
  }
  func.func @transform_21(%arg0: i32) -> (i32, i32) {
    %c0_i32 = arith.constant 0 : i32
    %c0_i32_0 = arith.constant 0 : i32
    %c0_i32_1 = arith.constant 0 : i32
    return %c0_i32, %c0_i32_0 : i32, i32
  }
  func.func @transform_22(%arg0: i32) -> (i32, i32) {
    %c0_i32 = arith.constant 0 : i32
    %c0_i32_0 = arith.constant 0 : i32
    %c0_i32_1 = arith.constant 0 : i32
    return %c0_i32, %c0_i32_0 : i32, i32
  }
  func.func @transform_23(%arg0: i32) -> (i32, i32, i32) {
    %c0_i32 = arith.constant 0 : i32
    %c0_i32_0 = arith.constant 0 : i32
    %c0_i32_1 = arith.constant 0 : i32
    %c0_i32_2 = arith.constant 0 : i32
    return %c0_i32, %c0_i32_0, %c0_i32_1 : i32, i32, i32
  }
  func.func @transform_24(%arg0: i32) -> (i32, i32) {
    %c0_i32 = arith.constant 0 : i32
    %c0_i32_0 = arith.constant 0 : i32
    %c0_i32_1 = arith.constant 0 : i32
    return %c0_i32, %c0_i32_0 : i32, i32
  }
  func.func @transform_25(%arg0: i32) -> (i32, i32) {
    %c0_i32 = arith.constant 0 : i32
    %c0_i32_0 = arith.constant 0 : i32
    return %arg0, %c0_i32 : i32, i32
  }
  func.func @transform_26(%arg0: i32) -> (i32, i32) {
    %c0_i32 = arith.constant 0 : i32
    %c0_i32_0 = arith.constant 0 : i32
    return %arg0, %c0_i32 : i32, i32
  }
}

module attributes {stable_mosaic.version = 14 : i64} {
  func.func @_tcc_body(%arg0: i32, %arg1: memref<1000x64xf32, #tpu.memory_space<vmem>>, %arg2: memref<1000x64xf32, #tpu.memory_space<vmem>>, %arg3: memref<64x6xf32, #tpu.memory_space<vmem>>, %arg4: memref<1x6xf32, #tpu.memory_space<vmem>>, %arg5: memref<6x6xf32, #tpu.memory_space<vmem>>, %arg6: memref<1x6xf32, #tpu.memory_space<vmem>>, %arg7: memref<1000x6xf32, #tpu.memory_space<vmem>>) attributes {dimension_semantics = [#tpu.dimension_semantics<arbitrary>], iteration_bounds = array<i64: 50>, scalar_prefetch = 0 : i64, scratch_operands = 0 : i64, tpu.core_type = #tpu.core_type<tc>, window_params = [{transform_indices = @transform_0, window_bounds = array<i64: 1000, 64>}, {transform_indices = @transform_1, window_bounds = array<i64: 1000, 64>}, {pipeline_mode = #tpu.pipeline_mode<synchronous>, transform_indices = @transform_2, window_bounds = array<i64: 64, 6>}, {pipeline_mode = #tpu.pipeline_mode<synchronous>, transform_indices = @transform_3, window_bounds = array<i64: 1, 6>}, {pipeline_mode = #tpu.pipeline_mode<synchronous>, transform_indices = @transform_4, window_bounds = array<i64: 6, 6>}, {pipeline_mode = #tpu.pipeline_mode<synchronous>, transform_indices = @transform_5, window_bounds = array<i64: 1, 6>}, {transform_indices = @transform_6, window_bounds = array<i64: 1000, 6>}]} {
    %get3A = arith.constant 0 : index
    %get3A_0 = arith.constant 0 : index
    %get3A_1 = vector.load %arg1[%get3A, %get3A_0] : memref<1000x64xf32, #tpu.memory_space<vmem>>, vector<1000x64xf32>
    %get3A_2 = arith.constant 0 : index
    %get3A_3 = arith.constant 0 : index
    %get3A_4 = vector.load %arg2[%get3A_2, %get3A_3] : memref<1000x64xf32, #tpu.memory_space<vmem>>, vector<1000x64xf32>
    %add3A = arith.addf %get3A_1, %get3A_4 : vector<1000x64xf32>
    %tanh3A = math.tanh %add3A : vector<1000x64xf32>
    %get3A_5 = arith.constant 0 : index
    %get3A_6 = arith.constant 0 : index
    %get3A_7 = vector.load %arg3[%get3A_5, %get3A_6] : memref<64x6xf32, #tpu.memory_space<vmem>>, vector<64x6xf32>
    %dot_general3A = arith.constant dense<0.000000e+00> : vector<1000x6xf32>
    %dot_general3A_8 = tpu.matmul %tanh3A, %get3A_7, %dot_general3A {dimension_numbers = #tpu.dot_dimension_numbers<[1], [0], [0], [1], [0, 0, 1, 1], [], []>, transpose_lhs_hint = false} : vector<1000x64xf32>, vector<64x6xf32>, vector<1000x6xf32> -> vector<1000x6xf32>
    %get3A_9 = arith.constant 0 : index
    %get3A_10 = arith.constant 0 : index
    %get3A_11 = vector.load %arg4[%get3A_9, %get3A_10] : memref<1x6xf32, #tpu.memory_space<vmem>>, vector<1x6xf32>
    %add3A_12 = vector.broadcast %get3A_11 : vector<1x6xf32> to vector<1000x6xf32>
    %add3A_13 = arith.addf %dot_general3A_8, %add3A_12 : vector<1000x6xf32>
    %max3A = arith.constant 0.000000e+00 : f32
    %max3A_14 = vector.broadcast %max3A : f32 to vector<1000x6xf32>
    %max3A_15 = arith.maximumf %add3A_13, %max3A_14 : vector<1000x6xf32>
    %get3A_16 = arith.constant 0 : index
    %get3A_17 = arith.constant 0 : index
    %get3A_18 = vector.load %arg5[%get3A_16, %get3A_17] : memref<6x6xf32, #tpu.memory_space<vmem>>, vector<6x6xf32>
    %dot_general3A_19 = arith.constant dense<0.000000e+00> : vector<1000x6xf32>
    %dot_general3A_20 = tpu.matmul %max3A_15, %get3A_18, %dot_general3A_19 {dimension_numbers = #tpu.dot_dimension_numbers<[1], [0], [0], [1], [0, 0, 1, 1], [], []>, transpose_lhs_hint = false} : vector<1000x6xf32>, vector<6x6xf32>, vector<1000x6xf32> -> vector<1000x6xf32>
    %get3A_21 = arith.constant 0 : index
    %get3A_22 = arith.constant 0 : index
    %get3A_23 = vector.load %arg6[%get3A_21, %get3A_22] : memref<1x6xf32, #tpu.memory_space<vmem>>, vector<1x6xf32>
    %add3A_24 = vector.broadcast %get3A_23 : vector<1x6xf32> to vector<1000x6xf32>
    %add3A_25 = arith.addf %dot_general3A_20, %add3A_24 : vector<1000x6xf32>
    %reduce_max3A = arith.constant dense<0xFF800000> : vector<1000xf32>
    %reduce_max3A_26 = vector.multi_reduction <maximumf>, %add3A_25, %reduce_max3A [1] : vector<1000x6xf32> to vector<1000xf32>
    %broadcast_in_dim3A = vector.shape_cast %reduce_max3A_26 : vector<1000xf32> to vector<1000x1xf32>
    %sub3A = vector.broadcast %broadcast_in_dim3A : vector<1000x1xf32> to vector<1000x6xf32>
    %sub3A_27 = arith.subf %add3A_25, %sub3A : vector<1000x6xf32>
    %exp3A = math.exp %sub3A_27 : vector<1000x6xf32>
    %reduce_sum3A = arith.constant dense<0.000000e+00> : vector<1000xf32>
    %reduce_sum3A_28 = vector.multi_reduction <add>, %exp3A, %reduce_sum3A [1] : vector<1000x6xf32> to vector<1000xf32>
    %broadcast_in_dim3A_29 = vector.shape_cast %reduce_sum3A_28 : vector<1000xf32> to vector<1000x1xf32>
    %log3A = math.log %broadcast_in_dim3A_29 : vector<1000x1xf32>
    %add3A_30 = arith.addf %broadcast_in_dim3A, %log3A : vector<1000x1xf32>
    %sub3A_31 = vector.broadcast %add3A_30 : vector<1000x1xf32> to vector<1000x6xf32>
    %sub3A_32 = arith.subf %add3A_25, %sub3A_31 : vector<1000x6xf32>
    %swap3A = arith.constant 0 : index
    %swap3A_33 = arith.constant 0 : index
    %swap3A_34 = vector.load %arg7[%swap3A, %swap3A_33] : memref<1000x6xf32, #tpu.memory_space<vmem>>, vector<1000x6xf32>
    tpu.vector_store %arg7[%swap3A, %swap3A_33], %sub3A_32 {strides = array<i32>} : memref<1000x6xf32, #tpu.memory_space<vmem>>, vector<1000x6xf32>,
    return
  }
  func.func @transform_0(%arg0: i32) -> (i32, i32) {
    %c0_i32 = arith.constant 0 : i32
    %c0_i32_0 = arith.constant 0 : i32
    return %arg0, %c0_i32 : i32, i32
  }
  func.func @transform_1(%arg0: i32) -> (i32, i32) {
    %c0_i32 = arith.constant 0 : i32
    %c0_i32_0 = arith.constant 0 : i32
    return %arg0, %c0_i32 : i32, i32
  }
  func.func @transform_2(%arg0: i32) -> (i32, i32) {
    %c0_i32 = arith.constant 0 : i32
    %c0_i32_0 = arith.constant 0 : i32
    %c0_i32_1 = arith.constant 0 : i32
    return %c0_i32, %c0_i32_0 : i32, i32
  }
  func.func @transform_3(%arg0: i32) -> (i32, i32) {
    %c0_i32 = arith.constant 0 : i32
    %c0_i32_0 = arith.constant 0 : i32
    %c0_i32_1 = arith.constant 0 : i32
    return %c0_i32, %c0_i32_0 : i32, i32
  }
  func.func @transform_4(%arg0: i32) -> (i32, i32) {
    %c0_i32 = arith.constant 0 : i32
    %c0_i32_0 = arith.constant 0 : i32
    %c0_i32_1 = arith.constant 0 : i32
    return %c0_i32, %c0_i32_0 : i32, i32
  }
  func.func @transform_5(%arg0: i32) -> (i32, i32) {
    %c0_i32 = arith.constant 0 : i32
    %c0_i32_0 = arith.constant 0 : i32
    %c0_i32_1 = arith.constant 0 : i32
    return %c0_i32, %c0_i32_0 : i32, i32
  }
  func.func @transform_6(%arg0: i32) -> (i32, i32) {
    %c0_i32 = arith.constant 0 : i32
    %c0_i32_0 = arith.constant 0 : i32
    return %arg0, %c0_i32 : i32, i32
  }
}

</mosaic_0001>

<sc_bundles>
// kernel: kernel.10.cloned.1.call-start
scs
__scs_entry_jumppad:
0x0: {  	(pc) =	sbr.rel $0x88, $3  }
0x1: {  	(tag) =	ssettag $0x0;
	lr =	simm.s32 $0x1  }
0x2: {  	[smem:$0x3F8C] =	sst lr;
	_ =	strace $0xD0000000  }
0x3: {  	_ = 	snop  }
0x4: {  	_ = 	snop  }
0x5: {  	_ = 	snop  }
0x6: {  	_ = 	snop  }
0x7: {  	_ = 	snop  }
__scs_overlays_trampoline_lowered:
0x8: {  	[smem:$0x3F9B] =	sst s0  }
0x9: {  	[smem:$0x3F9C] =	sst s1  }
0xa: {  	[smem:$0x3F9D] =	sst s2  }
0xb: {  	[smem:$0x3F9E] =	sst s3  }
0xc: {  	[smem:$0x3F9F] =	sst s4  }
0xd: {  	[smem:$0x3FA0] =	sst s5  }
0xe: {  	[smem:$0x3FA1] =	sst s6  }
0xf: {  	[smem:$0x3FA2] =	sst s7  }
0x10: {  	[smem:$0x3FA3] =	sst s8  }
0x11: {  	[smem:$0x3FA4] =	sst s9;
	s0 =	simm.s32 @!p0 $0x0  }
0x12: {  	s1 =	sld [smem:$0x3F8A];
	s0 =	simm.s32 @p0 $0x1  }
0x13: {  	[smem:$0x3FA5] =	sst s0;
	s0 =	simm.s32 @!p1 $0x0  }
0x14: {  	s2 =	sld [smem:$0x3F89];
	s0 =	simm.s32 @p1 $0x1  }
0x15: {  	[smem:$0x3FA6] =	sst s0;
	s0 =	simm.s32 @!p2 $0x0  }
0x16: {  	s3 =	sld [smem:$0x3FDB];
	s0 =	simm.s32 @p2 $0x1  }
0x17: {  	s4 =	simm.s32 $0x1BF5;
	[smem:$0x3FA8] =	sst s0  }
0x18: {  	s0 =	sld [smem:$0x3F8B];
	_ =	swait.ge [sflag:s4], $0x0  }
0x19: {  	s7 =	sld [smem:$0x3F8C]  }
0x1a: {  	s8 =	sadd.s32 $0xFFFFE003, lr  }
0x1b: {  	s9 =	sadd.s32 $0xFFFFFEF7, lr;
	s5 =	simm.s32 $0xFFFFFFFF;
	p2 =	slt.u32 s8, $0xFFFFF086  }
0x1c: {  	p1 =	slt.u32 s9, $0xF7A;
	s5 =	simm.s32 @!p2 $0x0  }
0x1d: {  	s5 =	simm.s32 @p1 $0x1;
	p0 =	seq.s32 s7, s2  }
0x1e: {  	s7 =	smul.u32 @!p0 $0xF7A, s2;
	p2 =	seq.s32 @!p0 s5, $0x0  }
0x1f: {  	s9 =	smul.u32 $0xF7A, s1;
	s8 =	simm.s32 @!p0 $0x1BF5;
	p2 =	por !p2, p0  }
0x20: {  	[sflag:s8] =	ssyncset.s32 @!p0 $0xFFFFF086;
	s6 =	sadd.s32 @!p0 s3, s7;
	s7 =	simm.s32 @!p0 $0x108  }
0x21: {  	s3 =	sadd.s32 s3, s9;
	s6 =	sadd.s32 @!p0 $0x88, s6;
	s7 =	simm.s32 @p2 $0x1082  }
0x22: {  	[simem:s7], [sflag:s8] =	dma.local @!p0 [hbm:s6], $0xF7A  }
0x23: {  	s9 =	sor.u32 $0xD0000000, s2;
	s6 =	simm.s32 $0x108;
	_ =	swait.ge @!p0 [sflag:s8], $0x0  }
0x24: {  	s3 =	sadd.s32 $0x88, s3;
	s6 =	simm.s32 @!p1 $0x1082;
	[sflag:s4] =	ssyncset.s32 $0xFFFFF086  }
0x25: {  	[simem:s6], [sflag:s4] =	dma.local [hbm:s3], $0xF7A  }
0x26: {  	[smem:$0x3F8C] =	sst s1;
	(tag) =	ssettag s2;
	_ =	strace s9  }
0x27: {  	s1 =	sld [smem:$0x3F9C]  }
0x28: {  	s2 =	sld [smem:$0x3F9D]  }
0x29: {  	s4 =	sld [smem:$0x3F9F]  }
0x2a: {  	p0 =	seq.s32 s5, $0x0;
	s5 =	sld [smem:$0x3FA0]  }
0x2b: {  	s6 =	sld [smem:$0x3FA1]  }
0x2c: {  	s7 =	sld [smem:$0x3FA2]  }
0x2d: {  	s3 =	simm.s32 $0x108;
	s8 =	sld [smem:$0x3FA3]  }
0x2e: {  	s3 =	simm.s32 @!p0 $0x1082;
	s9 =	sld [smem:$0x3FA4]  }
0x2f: {  	lr =	sadd.s32 s0, s3;
	s0 =	sld [smem:$0x3F9B]  }
0x30: {  	s3 =	sld [smem:$0x3F9E]  }
0x31: {  	[smem:$0x3FA7] =	sst s10  }
0x32: {  	s10 =	sld [smem:$0x3FA5];
	_ =	sdelay $0x3  }
0x33: {  	p0 =	seq.s32 s10, $0x1;
	s10 =	sld [smem:$0x3FA7];
	_ =	sdelay $0x3  }
0x34: {  	[smem:$0x3FA7] =	sst s10  }
0x35: {  	s10 =	sld [smem:$0x3FA6];
	_ =	sdelay $0x3  }
0x36: {  	p1 =	seq.s32 s10, $0x1;
	s10 =	sld [smem:$0x3FA7];
	_ =	sdelay $0x3  }
0x37: {  	[smem:$0x3FA7] =	sst s10  }
0x38: {  	s10 =	sld [smem:$0x3FA8]  }
0x39: {  	_ = 	snop;
	(pc) =	sbr.ind lr, $3  }
0x3a: {  	_ = 	snop  }
0x3b: {  	_ = 	snop  }
0x3c: {  	p2 =	seq.s32 s10, $0x1;
	s10 =	sld [smem:$0x3FA7]  }
0x3d: {  	_ =	shalt  }
0x3e: {  	_ =	shalt  }
0x3f: {  	_ =	shalt  }
0x40: {  	_ =	shalt  }
0x41: {  	_ =	shalt  }
0x42: {  	_ =	shalt  }
0x43: {  	_ =	shalt  }
0x44: {  	_ =	shalt  }
0x45: {  	_ =	shalt  }
0x46: {  	_ =	shalt  }
0x47: {  	_ =	shalt  }
0x48: {  	_ =	shalt  }
0x49: {  	_ =	shalt  }
0x4a: {  	_ =	shalt  }
0x4b: {  	_ =	shalt  }
0x4c: {  	_ =	shalt  }
0x4d: {  	_ =	shalt  }
0x4e: {  	_ =	shalt  }
0x4f: {  	_ =	shalt  }
0x50: {  	_ =	shalt  }
0x51: {  	_ =	shalt  }
0x52: {  	_ =	shalt  }
0x53: {  	_ =	shalt  }
0x54: {  	_ =	shalt  }
0x55: {  	_ =	shalt  }
0x56: {  	_ =	shalt  }
0x57: {  	_ =	shalt  }
0x58: {  	_ =	shalt  }
0x59: {  	_ =	shalt  }
0x5a: {  	_ =	shalt  }
0x5b: {  	_ =	shalt  }
0x5c: {  	_ =	shalt  }
0x5d: {  	_ =	shalt  }
0x5e: {  	_ =	shalt  }
0x5f: {  	_ =	shalt  }
0x60: {  	_ =	shalt  }
0x61: {  	_ =	shalt  }
0x62: {  	_ =	shalt  }
0x63: {  	_ =	shalt  }
0x64: {  	_ =	shalt  }
0x65: {  	_ =	shalt  }
0x66: {  	_ =	shalt  }
0x67: {  	_ =	shalt  }
0x68: {  	_ =	shalt  }
0x69: {  	_ =	shalt  }
0x6a: {  	_ =	shalt  }
0x6b: {  	_ =	shalt  }
0x6c: {  	_ =	shalt  }
0x6d: {  	_ =	shalt  }
0x6e: {  	_ =	shalt  }
0x6f: {  	_ =	shalt  }
0x70: {  	_ =	shalt  }
0x71: {  	_ =	shalt  }
0x72: {  	_ =	shalt  }
0x73: {  	_ =	shalt  }
0x74: {  	_ =	shalt  }
0x75: {  	_ =	shalt  }
0x76: {  	_ =	shalt  }
0x77: {  	_ =	shalt  }
0x78: {  	_ =	shalt  }
0x79: {  	_ =	shalt  }
0x7a: {  	_ =	shalt  }
0x7b: {  	_ =	shalt  }
0x7c: {  	_ =	shalt  }
0x7d: {  	_ =	shalt  }
0x7e: {  	_ =	shalt  }
0x7f: {  	_ =	shalt  }
0x80: {  	_ =	shalt  }
0x81: {  	_ =	shalt  }
0x82: {  	_ =	shalt  }
0x83: {  	_ =	shalt  }
0x84: {  	_ =	shalt  }
0x85: {  	_ =	shalt  }
0x86: {  	_ =	shalt  }
0x87: {  	_ =	shalt  }
.Lfunc_end0:
.L_simem_size_0:
called_computation.1_lowered:
.L_overlay_start_0:
0x88: {  	s2 =	sld [smem:$0x3FD9]  }
0x89: {  	s3 =	sld [smem:$0x3FFE];
	_ =	sdelay $0x1  }
0x8a: {  	s1 =	srdreg.scid  }
0x8b: {  	s0 =	sand.u32 $0x1, s1  }
0x8c: {  	s17 =	sshll.u32 s0, $0xA;
	s2 =	sadd.s32 s3, s2  }
0x8d: {  	s2 =	sadd.s32 s2, s17  }
0x8e: {  	[smem:$0x3FB3] =	sst s2  }
0x8f: {  	_ = 	snop  }
0x90: {  	s2 =	sld [smem:$0x3FD0];
	(tm) =	ssettm $0x1  }
0x91: {  	s18 =	sld [smem:$0x3FFB];
	_ =	sdelay $0x3  }
0x92: {  	_ =	strace s18  }
0x93: {  	s3 =	sld [smem:$0x3FFC];
	_ =	sdelay $0x3  }
0x94: {  	_ =	strace s3  }
0x95: {  	s3 =	sld [smem:$0x3FFD];
	_ =	sdelay $0x3  }
0x96: {  	_ =	strace s3  }
0x97: {  	_ =	strace $0x8FFFFFFF  }
0x98: {  	s19 =	sld [smem:$0x3FDB];
	_ =	sdelay $0x1  }
0x99: {  	s4 =	simm.s32 $_scs_section_size  }
0x9a: {  	s5 =	simm.s32 $_size__tile_overlayer_lowered;
	s6 =	simm.s32 $_tile_overlayer_lowered  }
0x9b: {  	s22 =	simm.s32 $0x1BFF;
	s21 =	sshll.u32 s6, $0x1;
	s3 =	sadd.s32 s4, s19  }
0x9c: {  	s7 =	simm.s32 $0x0;
	s20 =	sshll.u32 s5, $0x1;
	s5 =	sadd.s32 s21, s3  }
0x9d: {  	[timem:s7], [sflag:s22] =	dma.local [hbm:s5], s20  }
0x9e: {  	_ =	swait.ge [sflag:s22], s20  }
0x9f: {  	s4 =	ssub.s32 $0x0, s20;
	[sflag:s22] =	ssyncset.done $0x0  }
0xa0: {  	[sflag:s22] =	ssyncadd.s32 s4;
	_ =	sdelay $0x1  }
0xa1: {  	s23 =	simm.s32 $0x1B8B  }
0xa2: {  	_ =	swait.ge [sflag:s23], $0x1  }
0xa3: {  	[sflag:s23] =	ssyncset.done $0x0  }
0xa4: {  	s25 =	simm.s32 $0x1B8E;
	s24 =	sld [smem:$0x3FFE];
	[sflag:s23] =	ssyncadd.s32 $0xFFFFFFFF  }
0xa5: {  	s26 =	simm.s32 $execute0_lowered;
	[smem:$0x3FD2] =	sst s25  }
0xa6: {  	s5 =	sshll.u32 s26, $0x1;
	_ =	strace $0x80000049;
	[dreg:$0x1] =	wrdreg $0xFFFFFFFF  }
0xa7: {  	s28 =	simm.s32 $_size_execute0_lowered;
	s3 =	sadd.s32 s3, s5;
	[dreg:$0x0] =	wrdreg $0x0  }
0xa8: {  	s5 =	sshll.u32 s28, $0x1;
	[dreg:$0x2] =	wrdreg s3  }
0xa9: {  	[dreg:$0x3] =	wrdreg s5  }
0xaa: {  	[dreg:$0x4] =	wrdreg $0xC0  }
0xab: {  	_ =	task [dreg:s7], $0x5FFFF  }
0xac: {  	[dreg:$0x1] =	wrdreg $0xFFFFFFFF  }
0xad: {  	[dreg:$0x0] =	wrdreg $0x60  }
0xae: {  	[dreg:$0x2] =	wrdreg s24  }
0xaf: {  	[dreg:$0x3] =	wrdreg s2  }
0xb0: {  	[dreg:$0x4] =	wrdreg $0x28A00  }
0xb1: {  	[dreg:$0x5] =	wrdreg $0x9  }
0xb2: {  	_ =	task.clear_ibuf [dreg:s7], $0x6FFFF;
	_ =	strace $0x90000049  }
0xb3: {  	s29 =	simm.s32 $0x9;
	_ =	strace $0x8000004B  }
0xb4: {  	_ =	swait.ge [sflag:s29], $0x1  }
0xb5: {  	[sflag:s29] =	ssyncadd.s32 $0xFFFFFFFF  }
0xb6: {  	_ =	strace $0x9000004B  }
0xb7: {  	_ =	sfence  }
0xb8: {  	s30 =	sld [smem:$0x0];
	_ =	sdelay $0x2  }
0xb9: {  	s31 =	sshll.u32 s1, $0xD;
	s1 =	sshrl.u32 s1, $0x2  }
0xba: {  	s3 =	sand.u32 $0x4000, s31;
	s1 =	sadd.s32 s1, s30  }
0xbb: {  	s0 =	sor.u32 s3, s0;
	s1 =	sshll.u32 s1, $0x11  }
0xbc: {  	s0 =	sor.u32 s1, s0  }
0xbd: {  	s0 =	sadd.s32 $0x8F2B, s0  }
0xbe: {  	[sflag:s0] =	ssyncadd.remote.s32 $0x1  }
0xbf: {  	_ =	sfence.sel $0xFFFF  }
0xc0: {  	[dreg:$0x0] =	wrdreg $0xFFFFFFFF;
	(pc) =	sbr.abs _section_cstart, $3  }
0xc1: {  	[dreg:$0x1] =	wrdreg $0xFFFFFFFF  }
0xc2: {  	_ =	task.clear_ibuf [dreg:s7], $0x2FFFF;
	_ =	strace $0x9FFFFFFF  }
0xc3: {  	(tm) =	ssettm $0x7FFFFFFF  }
tec
execute0_lowered:
.L_overlay_start_1:
0x0: {  	(tag) =	ssettag $0x1  }
0x1: {  	s0 =	rddreg [dreg:$0x0]  }
0x2: {  	s1 =	rddreg [dreg:$0x1]  }
0x3: {  	s2 =	rddreg [dreg:$0x2];
	s3 =	simm.s32 $0x0  }
0x4: {  	s20 =	stileid.u32;
	s15 =	srdreg.scid;
	s29 =	simm.s32 $0x2  }
0x5: {  	s30 =	simm.s32 $0xC80;
	s31 =	simm.s32 $0x7D;
	[smem:$0x7FF] =	sst s3  }
0x6: {  	s4 =	sadd.s32 $0xCB800, s0;
	s5 =	sadd.s32 $0x9AA00, s0;
	s6 =	sadd.s32 $0x69C00, s0  }
0x7: {  	s8 =	sadd.s32 $0x38E00, s0;
	s9 =	sadd.s32 $0x8000, s0;
	s10 =	sadd.s32 $0x257E00, s0  }
0x8: {  	s11 =	sadd.s32 $0x227000, s0;
	s12 =	sadd.s32 $0x1F6200, s0;
	s7 =	smul.u32 $0x186A0, s20  }
0x9: {  	s13 =	sadd.s32 $0x192200, s0;
	s14 =	sadd.s32 $0x1C4200, s0;
	s15 =	sand.u32 $0x1, s15  }
0xa: {  	s16 =	sadd.s32 $0x905600, s0;
	s26 =	sshll.u32 s20, $0x6;
	s28 =	sshll.u32 s20, $0x5  }
0xb: {  	_ =	strace $0x8000004A;
	[dreg:$0x4] =	wrdreg s16;
	s16 =	sshrl.u32 s7, $0x3  }
0xc: {  	s17 =	ssub.s32 $0x2, s15;
	s18 =	sadd.s32 s16, s0;
	s0 =	sadd.s32 $0xFC600, s0  }
0xd: {  	p0 =	seq.s32 s15, $0x1;
	[dreg:$0x5] =	wrdreg s0;
	s21 =	sadd.s32 $0x998000, s18  }
0xe: {  	s26 =	sor.u32 $0x1C02, s26;
	s22 =	sadd.s32 $0x967200, s18;
	[dreg:$0x6] =	wrdreg s21  }
.Ltmp0:
0xf: {  	s23 =	sadd.s32 $0x936400, s18;
	[dreg:$0x7] =	wrdreg s22;
	(pc) =	sbr.rel .LBB2_1-.Ltmp0, $4  }
0x10: {  	s19 =	sshrl.u32 s17, $0x1;
	s24 =	sadd.s32 $0x8D4800, s18;
	[dreg:$0x8] =	wrdreg s23  }
0x11: {  	s0 =	ssub.s32 s17, s19;
	s25 =	sadd.s32 $0x15E200, s18;
	[dreg:$0x9] =	wrdreg s24  }
0x12: {  	s19 =	sadd.s32 s7, s2;
	s7 =	simm.s32 $0x1;
	[dreg:$0xa] =	wrdreg s25  }
0x13: {  	s24 =	sadd.s32 $0x12D400, s18;
	s25 =	smax.u32 s0, $0x1;
	s0 =	simm.s32 $0x1900  }
.LBB2_34:
0x14: {  	s17 =	sadd.s32 s17, s16;
	[bflag:$0x0] =	sbarrier.arrive $0xFFFF;
	s3 =	sadd.s32 $0x1, s3  }
0x15: {  	[hbm:s17], [sflag:s26] =	dma.local [spmem:s15], $0x30D4  }
0x16: {  	p1 =	sne.s32 s3, s25  }
.Ltmp1:
0x17: {  	_ =	swait.ge [sflag:s29], $0x30D4;
	(pc) =	sbr.rel @!p1 .LBB2_35-.Ltmp1, $3  }
0x18: {  	[sflag:s29] =	ssyncset.done $0x0  }
0x19: {  	[sflag:s29] =	ssyncadd.s32 $0xFFFFCF2C  }
0x1a: {  	[bflag:$0x0] =	sbarrier.arrive $0xFFFF;
	_ =	sdelay $0x1  }
.LBB2_1:
0x1b: {  	s15 =	sshrl.u32 s19, $0x3  }
0x1c: {  	[spmem:s15], [sflag:s26] =	dma.local [hbm:s1], $0x30D4  }
.Ltmp2:
0x1d: {  	_ =	swait.ge [sflag:s29], $0x30D4;
	(pc) =	sbr.rel @!p0 .LBB2_2-.Ltmp2, $4  }
0x1e: {  	[sflag:s29] =	ssyncset.done $0x0  }
0x1f: {  	[sflag:s29] =	ssyncadd.s32 $0xFFFFCF2C  }
0x20: {  	[bflag:$0x0] =	sbarrier.arrive $0xFFFF  }
0x21: {  	s18 =	simm.s32 $0x0;
	s20 =	simm.s32 $0x0  }
.LBB2_18:
0x22: {  	s17 =	sadd.s32 s28, s20  }
0x23: {  	s17 =	smul.u32 $0x190, s17;
	_ =	sdelay $0x1  }
0x24: {  	s21 =	simm.s32 $0x0;
	s18 =	sadd.s32 s13, s17  }
0x25: {  	[tilespmem:s21], [sflag:$0x2] =	stream.linear.gather [hbm4b:s18+s21], $0xC80, $0x38;
	[tilespmem:$0x1AF40] =	vst v63  }
0x26: {  	_ =	swait.ge [sflag:s29], $0xC80  }
0x27: {  	[sflag:s29] =	ssyncset.done $0x0  }
0x28: {  	s17 =	sadd.s32 s14, s17;
	[sflag:s29] =	ssyncadd.s32 $0xFFFFF380  }
0x29: {  	[tilespmem:s30], [sflag:$0x2] =	stream.linear.gather [hbm4b:s17+s21], $0xC80, $0x38;
	[tilespmem:$0x1AF40] =	vst v63  }
0x2a: {  	_ =	swait.ge [sflag:s29], $0xC80  }
0x2b: {  	[sflag:s29] =	ssyncset.done $0x0  }
0x2c: {  	s22 =	simm.s32 $0x0;
	[sflag:s29] =	ssyncadd.s32 $0xFFFFF380  }
0x2d: {  	[tilespmem:s0], [sflag:$0x1] =	stream.indirect.gather [hbm4b:s9+s31], $0x20, s22, s31, $0xb8;
	[tilespmem:$0x1AF40] =	vst v63  }
0x2e: {  	_ =	swait.ge [sflag:s7], $0xFA0  }
0x2f: {  	[sflag:s7] =	ssyncset.done $0x0  }
0x30: {  	s23 =	simm.s32 $0xC80;
	[sflag:s7] =	ssyncadd.s32 $0xFFFFF060  }
0x31: {  	[spmem:s2] =	stream.indirect.scatter.add.f32 [tilespmem:s0], [sflag:$0x2], $0x20, s23, s31, $0xb8;
	[tilespmem:$0x1AF40] =	vst v63  }
0x32: {  	_ =	swait.ge [sflag:s29], $0xFA0  }
0x33: {  	s18 =	simm.s32 $0x400;
	s17 =	simm.s32 $0x200;
	[sflag:s29] =	ssyncset.done $0x0  }
.LBB2_19:
0x34: {  	s21 =	sshra.s32 s17, $0x2  }
0x35: {  	[sflag:s29] =	ssyncadd.s32 $0xFFFFF060;
	s17 =	smov.u32 s18;
	s22 =	sadd.s32 $0x200, s18  }
0x36: {  	[tilespmem:s0], [sflag:$0x1] =	stream.indirect.gather [hbm4b:s9+s31], $0x20, s21, s31, $0xb8;
	[tilespmem:$0x1AF40] =	vst v63  }
0x37: {  	p1 =	sne.s32 s18, $0x3000;
	_ =	swait.ge [sflag:s7], $0xFA0  }
.Ltmp3:
0x38: {  	[sflag:s7] =	ssyncset.done $0x0;
	(pc) =	sbr.rel @p1 .LBB2_19-.Ltmp3, $4  }
0x39: {  	s18 =	sadd.s32 $0xC80, s21;
	[sflag:s7] =	ssyncadd.s32 $0xFFFFF060  }
0x3a: {  	[spmem:s2] =	stream.indirect.scatter.add.f32 [tilespmem:s0], [sflag:$0x2], $0x20, s18, s31, $0xb8;
	[tilespmem:$0x1AF40] =	vst v63  }
0x3b: {  	_ =	swait.ge [sflag:s29], $0xFA0  }
0x3c: {  	s18 =	smov.u32 s22;
	[sflag:s29] =	ssyncset.done $0x0  }
0x3d: {  	s17 =	sshra.s32 s17, $0x2;
	[sflag:s29] =	ssyncadd.s32 $0xFFFFF060  }
0x3e: {  	[tilespmem:s0], [sflag:$0x1] =	stream.indirect.gather [hbm4b:s9+s31], $0x20, s17, s31, $0xb8;
	[tilespmem:$0x1AF40] =	vst v63  }
0x3f: {  	s20 =	sadd.s32 $0x1, s20;
	_ =	swait.ge [sflag:s7], $0xFA0  }
0x40: {  	p1 =	sne.s32 s20, $0x20;
	[sflag:s7] =	ssyncset.done $0x0  }
.Ltmp4:
0x41: {  	s17 =	sadd.s32 $0xC80, s17;
	[sflag:s7] =	ssyncadd.s32 $0xFFFFF060;
	(pc) =	sbr.rel @p1 .LBB2_18-.Ltmp4, $4  }
0x42: {  	[spmem:s2] =	stream.indirect.scatter.add.f32 [tilespmem:s0], [sflag:$0x2], $0x20, s17, s31, $0xb8;
	[tilespmem:$0x1AF40] =	vst v63  }
0x43: {  	_ =	swait.ge [sflag:s29], $0xFA0  }
0x44: {  	[sflag:s29] =	ssyncset.done $0x0  }
0x45: {  	[sflag:s29] =	ssyncadd.s32 $0xFFFFF060  }
0x46: {  	[bflag:$0x0] =	sbarrier.arrive $0xFFFF  }
0x47: {  	s17 =	rddreg [dreg:$0x9]  }
0x48: {  	[hbm:s17], [sflag:s26] =	dma.local [spmem:s15], $0x30D4  }
0x49: {  	_ =	swait.ge [sflag:s29], $0x30D4  }
0x4a: {  	[sflag:s29] =	ssyncset.done $0x0  }
0x4b: {  	[sflag:s29] =	ssyncadd.s32 $0xFFFFCF2C  }
0x4c: {  	[bflag:$0x0] =	sbarrier.arrive $0xFFFF  }
0x4d: {  	[spmem:s15], [sflag:s26] =	dma.local [hbm:s1], $0x30D4  }
0x4e: {  	_ =	swait.ge [sflag:s29], $0x30D4  }
0x4f: {  	[sflag:s29] =	ssyncset.done $0x0  }
0x50: {  	[sflag:s29] =	ssyncadd.s32 $0xFFFFCF2C  }
0x51: {  	s18 =	simm.s32 $0x0;
	s20 =	simm.s32 $0x0;
	[bflag:$0x0] =	sbarrier.arrive $0xFFFF  }
.LBB2_22:
0x52: {  	s17 =	sadd.s32 s28, s20  }
0x53: {  	s17 =	smul.u32 $0x190, s17;
	_ =	sdelay $0x1  }
0x54: {  	s21 =	sadd.s32 s13, s17  }
0x55: {  	[tilespmem:s18], [sflag:$0x2] =	stream.linear.gather [hbm4b:s21+s18], $0xC80, $0x38;
	[tilespmem:$0x1AF40] =	vst v63  }
0x56: {  	_ =	swait.ge [sflag:s29], $0xC80  }
0x57: {  	[sflag:s29] =	ssyncset.done $0x0  }
0x58: {  	s17 =	sadd.s32 s14, s17;
	[sflag:s29] =	ssyncadd.s32 $0xFFFFF380  }
0x59: {  	[tilespmem:s30], [sflag:$0x2] =	stream.linear.gather [hbm4b:s17+s18], $0xC80, $0x38;
	[tilespmem:$0x1AF40] =	vst v63  }
0x5a: {  	_ =	swait.ge [sflag:s29], $0xC80  }
0x5b: {  	[sflag:s29] =	ssyncset.done $0x0  }
0x5c: {  	s22 =	simm.s32 $0x0;
	[sflag:s29] =	ssyncadd.s32 $0xFFFFF380  }
0x5d: {  	[tilespmem:s0], [sflag:$0x1] =	stream.indirect.gather [hbm4b:s10+s31], $0x20, s22, s31, $0xb8;
	[tilespmem:$0x1AF40] =	vst v63  }
0x5e: {  	_ =	swait.ge [sflag:s7], $0xFA0  }
0x5f: {  	[sflag:s7] =	ssyncset.done $0x0  }
0x60: {  	s23 =	simm.s32 $0xC80;
	[sflag:s7] =	ssyncadd.s32 $0xFFFFF060  }
0x61: {  	[spmem:s2] =	stream.indirect.scatter.add.f32 [tilespmem:s0], [sflag:$0x2], $0x20, s23, s31, $0xb8;
	[tilespmem:$0x1AF40] =	vst v63  }
0x62: {  	_ =	swait.ge [sflag:s29], $0xFA0  }
0x63: {  	s21 =	simm.s32 $0x400;
	s17 =	simm.s32 $0x200;
	[sflag:s29] =	ssyncset.done $0x0  }
.LBB2_23:
0x64: {  	s22 =	sshra.s32 s17, $0x2  }
0x65: {  	[sflag:s29] =	ssyncadd.s32 $0xFFFFF060;
	s17 =	smov.u32 s21;
	s23 =	sadd.s32 $0x200, s21  }
0x66: {  	[tilespmem:s0], [sflag:$0x1] =	stream.indirect.gather [hbm4b:s10+s31], $0x20, s22, s31, $0xb8;
	[tilespmem:$0x1AF40] =	vst v63  }
0x67: {  	p1 =	sne.s32 s21, $0x3000;
	_ =	swait.ge [sflag:s7], $0xFA0  }
.Ltmp5:
0x68: {  	[sflag:s7] =	ssyncset.done $0x0;
	(pc) =	sbr.rel @p1 .LBB2_23-.Ltmp5, $4  }
0x69: {  	s21 =	sadd.s32 $0xC80, s22;
	[sflag:s7] =	ssyncadd.s32 $0xFFFFF060  }
0x6a: {  	[spmem:s2] =	stream.indirect.scatter.add.f32 [tilespmem:s0], [sflag:$0x2], $0x20, s21, s31, $0xb8;
	[tilespmem:$0x1AF40] =	vst v63  }
0x6b: {  	_ =	swait.ge [sflag:s29], $0xFA0  }
0x6c: {  	s21 =	smov.u32 s23;
	[sflag:s29] =	ssyncset.done $0x0  }
0x6d: {  	s17 =	sshra.s32 s17, $0x2;
	[sflag:s29] =	ssyncadd.s32 $0xFFFFF060  }
0x6e: {  	[tilespmem:s0], [sflag:$0x1] =	stream.indirect.gather [hbm4b:s10+s31], $0x20, s17, s31, $0xb8;
	[tilespmem:$0x1AF40] =	vst v63  }
0x6f: {  	s20 =	sadd.s32 $0x1, s20;
	_ =	swait.ge [sflag:s7], $0xFA0  }
0x70: {  	p1 =	sne.s32 s20, $0x20;
	[sflag:s7] =	ssyncset.done $0x0  }
.Ltmp6:
0x71: {  	s17 =	sadd.s32 $0xC80, s17;
	[sflag:s7] =	ssyncadd.s32 $0xFFFFF060;
	(pc) =	sbr.rel @p1 .LBB2_22-.Ltmp6, $4  }
0x72: {  	[spmem:s2] =	stream.indirect.scatter.add.f32 [tilespmem:s0], [sflag:$0x2], $0x20, s17, s31, $0xb8;
	[tilespmem:$0x1AF40] =	vst v63  }
0x73: {  	_ =	swait.ge [sflag:s29], $0xFA0  }
0x74: {  	[sflag:s29] =	ssyncset.done $0x0  }
0x75: {  	[sflag:s29] =	ssyncadd.s32 $0xFFFFF060  }
0x76: {  	[bflag:$0x0] =	sbarrier.arrive $0xFFFF  }
0x77: {  	s17 =	rddreg [dreg:$0xa]  }
0x78: {  	[hbm:s17], [sflag:s26] =	dma.local [spmem:s15], $0x30D4  }
0x79: {  	_ =	swait.ge [sflag:s29], $0x30D4  }
0x7a: {  	[sflag:s29] =	ssyncset.done $0x0  }
0x7b: {  	[sflag:s29] =	ssyncadd.s32 $0xFFFFCF2C  }
0x7c: {  	[bflag:$0x0] =	sbarrier.arrive $0xFFFF  }
0x7d: {  	[spmem:s15], [sflag:s26] =	dma.local [hbm:s1], $0x30D4  }
0x7e: {  	_ =	swait.ge [sflag:s29], $0x30D4  }
0x7f: {  	[sflag:s29] =	ssyncset.done $0x0  }
0x80: {  	[sflag:s29] =	ssyncadd.s32 $0xFFFFCF2C  }
0x81: {  	s18 =	simm.s32 $0x0;
	s20 =	simm.s32 $0x0;
	[bflag:$0x0] =	sbarrier.arrive $0xFFFF  }
.LBB2_26:
0x82: {  	s17 =	sadd.s32 s28, s20  }
0x83: {  	s17 =	smul.u32 $0x190, s17;
	_ =	sdelay $0x1  }
0x84: {  	s21 =	sadd.s32 s13, s17  }
0x85: {  	[tilespmem:s18], [sflag:$0x2] =	stream.linear.gather [hbm4b:s21+s18], $0xC80, $0x38;
	[tilespmem:$0x1AF40] =	vst v63  }
0x86: {  	_ =	swait.ge [sflag:s29], $0xC80  }
0x87: {  	[sflag:s29] =	ssyncset.done $0x0  }
0x88: {  	s17 =	sadd.s32 s14, s17;
	[sflag:s29] =	ssyncadd.s32 $0xFFFFF380  }
0x89: {  	[tilespmem:s30], [sflag:$0x2] =	stream.linear.gather [hbm4b:s17+s18], $0xC80, $0x38;
	[tilespmem:$0x1AF40] =	vst v63  }
0x8a: {  	_ =	swait.ge [sflag:s29], $0xC80  }
0x8b: {  	[sflag:s29] =	ssyncset.done $0x0  }
0x8c: {  	s22 =	simm.s32 $0x0;
	[sflag:s29] =	ssyncadd.s32 $0xFFFFF380  }
0x8d: {  	[tilespmem:s0], [sflag:$0x1] =	stream.indirect.gather [hbm4b:s11+s31], $0x20, s22, s31, $0xb8;
	[tilespmem:$0x1AF40] =	vst v63  }
0x8e: {  	_ =	swait.ge [sflag:s7], $0xFA0  }
0x8f: {  	[sflag:s7] =	ssyncset.done $0x0  }
0x90: {  	s23 =	simm.s32 $0xC80;
	[sflag:s7] =	ssyncadd.s32 $0xFFFFF060  }
0x91: {  	[spmem:s2] =	stream.indirect.scatter.add.f32 [tilespmem:s0], [sflag:$0x2], $0x20, s23, s31, $0xb8;
	[tilespmem:$0x1AF40] =	vst v63  }
0x92: {  	_ =	swait.ge [sflag:s29], $0xFA0  }
0x93: {  	s21 =	simm.s32 $0x400;
	s17 =	simm.s32 $0x200;
	[sflag:s29] =	ssyncset.done $0x0  }
.LBB2_27:
0x94: {  	s22 =	sshra.s32 s17, $0x2  }
0x95: {  	[sflag:s29] =	ssyncadd.s32 $0xFFFFF060;
	s17 =	smov.u32 s21;
	s23 =	sadd.s32 $0x200, s21  }
0x96: {  	[tilespmem:s0], [sflag:$0x1] =	stream.indirect.gather [hbm4b:s11+s31], $0x20, s22, s31, $0xb8;
	[tilespmem:$0x1AF40] =	vst v63  }
0x97: {  	p1 =	sne.s32 s21, $0x3000;
	_ =	swait.ge [sflag:s7], $0xFA0  }
.Ltmp7:
0x98: {  	[sflag:s7] =	ssyncset.done $0x0;
	(pc) =	sbr.rel @p1 .LBB2_27-.Ltmp7, $4  }
0x99: {  	s21 =	sadd.s32 $0xC80, s22;
	[sflag:s7] =	ssyncadd.s32 $0xFFFFF060  }
0x9a: {  	[spmem:s2] =	stream.indirect.scatter.add.f32 [tilespmem:s0], [sflag:$0x2], $0x20, s21, s31, $0xb8;
	[tilespmem:$0x1AF40] =	vst v63  }
0x9b: {  	_ =	swait.ge [sflag:s29], $0xFA0  }
0x9c: {  	s21 =	smov.u32 s23;
	[sflag:s29] =	ssyncset.done $0x0  }
0x9d: {  	s17 =	sshra.s32 s17, $0x2;
	[sflag:s29] =	ssyncadd.s32 $0xFFFFF060  }
0x9e: {  	[tilespmem:s0], [sflag:$0x1] =	stream.indirect.gather [hbm4b:s11+s31], $0x20, s17, s31, $0xb8;
	[tilespmem:$0x1AF40] =	vst v63  }
0x9f: {  	s20 =	sadd.s32 $0x1, s20;
	_ =	swait.ge [sflag:s7], $0xFA0  }
0xa0: {  	p1 =	sne.s32 s20, $0x20;
	[sflag:s7] =	ssyncset.done $0x0  }
.Ltmp8:
0xa1: {  	s17 =	sadd.s32 $0xC80, s17;
	[sflag:s7] =	ssyncadd.s32 $0xFFFFF060;
	(pc) =	sbr.rel @p1 .LBB2_26-.Ltmp8, $4  }
0xa2: {  	[spmem:s2] =	stream.indirect.scatter.add.f32 [tilespmem:s0], [sflag:$0x2], $0x20, s17, s31, $0xb8;
	[tilespmem:$0x1AF40] =	vst v63  }
0xa3: {  	_ =	swait.ge [sflag:s29], $0xFA0  }
0xa4: {  	[sflag:s29] =	ssyncset.done $0x0  }
0xa5: {  	[sflag:s29] =	ssyncadd.s32 $0xFFFFF060  }
0xa6: {  	[bflag:$0x0] =	sbarrier.arrive $0xFFFF  }
0xa7: {  	[hbm:s24], [sflag:s26] =	dma.local [spmem:s15], $0x30D4  }
0xa8: {  	_ =	swait.ge [sflag:s29], $0x30D4  }
0xa9: {  	[sflag:s29] =	ssyncset.done $0x0  }
0xaa: {  	[sflag:s29] =	ssyncadd.s32 $0xFFFFCF2C  }
0xab: {  	[bflag:$0x0] =	sbarrier.arrive $0xFFFF  }
0xac: {  	[spmem:s15], [sflag:s26] =	dma.local [hbm:s1], $0x30D4  }
0xad: {  	_ =	swait.ge [sflag:s29], $0x30D4  }
0xae: {  	[sflag:s29] =	ssyncset.done $0x0  }
0xaf: {  	[sflag:s29] =	ssyncadd.s32 $0xFFFFCF2C  }
0xb0: {  	s18 =	simm.s32 $0x0;
	s20 =	simm.s32 $0x0;
	[bflag:$0x0] =	sbarrier.arrive $0xFFFF  }
.LBB2_30:
0xb1: {  	s17 =	sadd.s32 s28, s20  }
0xb2: {  	s17 =	smul.u32 $0x190, s17;
	_ =	sdelay $0x1  }
0xb3: {  	s21 =	sadd.s32 s13, s17  }
0xb4: {  	[tilespmem:s18], [sflag:$0x2] =	stream.linear.gather [hbm4b:s21+s18], $0xC80, $0x38;
	[tilespmem:$0x1AF40] =	vst v63  }
0xb5: {  	_ =	swait.ge [sflag:s29], $0xC80  }
0xb6: {  	[sflag:s29] =	ssyncset.done $0x0  }
0xb7: {  	s17 =	sadd.s32 s14, s17;
	[sflag:s29] =	ssyncadd.s32 $0xFFFFF380  }
0xb8: {  	[tilespmem:s30], [sflag:$0x2] =	stream.linear.gather [hbm4b:s17+s18], $0xC80, $0x38;
	[tilespmem:$0x1AF40] =	vst v63  }
0xb9: {  	_ =	swait.ge [sflag:s29], $0xC80  }
0xba: {  	[sflag:s29] =	ssyncset.done $0x0  }
0xbb: {  	s22 =	simm.s32 $0x0;
	[sflag:s29] =	ssyncadd.s32 $0xFFFFF380  }
0xbc: {  	[tilespmem:s0], [sflag:$0x1] =	stream.indirect.gather [hbm4b:s12+s31], $0x20, s22, s31, $0xb8;
	[tilespmem:$0x1AF40] =	vst v63  }
0xbd: {  	_ =	swait.ge [sflag:s7], $0xFA0  }
0xbe: {  	[sflag:s7] =	ssyncset.done $0x0  }
0xbf: {  	s23 =	simm.s32 $0xC80;
	[sflag:s7] =	ssyncadd.s32 $0xFFFFF060  }
0xc0: {  	[spmem:s2] =	stream.indirect.scatter.add.f32 [tilespmem:s0], [sflag:$0x2], $0x20, s23, s31, $0xb8;
	[tilespmem:$0x1AF40] =	vst v63  }
0xc1: {  	_ =	swait.ge [sflag:s29], $0xFA0  }
0xc2: {  	s21 =	simm.s32 $0x400;
	s17 =	simm.s32 $0x200;
	[sflag:s29] =	ssyncset.done $0x0  }
.LBB2_31:
0xc3: {  	s22 =	sshra.s32 s17, $0x2  }
0xc4: {  	[sflag:s29] =	ssyncadd.s32 $0xFFFFF060;
	s17 =	smov.u32 s21;
	s23 =	sadd.s32 $0x200, s21  }
0xc5: {  	[tilespmem:s0], [sflag:$0x1] =	stream.indirect.gather [hbm4b:s12+s31], $0x20, s22, s31, $0xb8;
	[tilespmem:$0x1AF40] =	vst v63  }
0xc6: {  	p1 =	sne.s32 s21, $0x3000;
	_ =	swait.ge [sflag:s7], $0xFA0  }
.Ltmp9:
0xc7: {  	[sflag:s7] =	ssyncset.done $0x0;
	(pc) =	sbr.rel @p1 .LBB2_31-.Ltmp9, $4  }
0xc8: {  	s21 =	sadd.s32 $0xC80, s22;
	[sflag:s7] =	ssyncadd.s32 $0xFFFFF060  }
0xc9: {  	[spmem:s2] =	stream.indirect.scatter.add.f32 [tilespmem:s0], [sflag:$0x2], $0x20, s21, s31, $0xb8;
	[tilespmem:$0x1AF40] =	vst v63  }
0xca: {  	_ =	swait.ge [sflag:s29], $0xFA0  }
0xcb: {  	s21 =	smov.u32 s23;
	[sflag:s29] =	ssyncset.done $0x0  }
0xcc: {  	s17 =	sshra.s32 s17, $0x2;
	[sflag:s29] =	ssyncadd.s32 $0xFFFFF060  }
0xcd: {  	[tilespmem:s0], [sflag:$0x1] =	stream.indirect.gather [hbm4b:s12+s31], $0x20, s17, s31, $0xb8;
	[tilespmem:$0x1AF40] =	vst v63  }
0xce: {  	s20 =	sadd.s32 $0x1, s20;
	_ =	swait.ge [sflag:s7], $0xFA0  }
0xcf: {  	p1 =	sne.s32 s20, $0x20;
	[sflag:s7] =	ssyncset.done $0x0  }
.Ltmp10:
0xd0: {  	s17 =	sadd.s32 $0xC80, s17;
	[sflag:s7] =	ssyncadd.s32 $0xFFFFF060;
	(pc) =	sbr.rel @p1 .LBB2_30-.Ltmp10, $4  }
0xd1: {  	[spmem:s2] =	stream.indirect.scatter.add.f32 [tilespmem:s0], [sflag:$0x2], $0x20, s17, s31, $0xb8;
	[tilespmem:$0x1AF40] =	vst v63  }
0xd2: {  	_ =	swait.ge [sflag:s29], $0xFA0  }
0xd3: {  	[sflag:s29] =	ssyncset.done $0x0  }
0xd4: {  	[sflag:s29] =	ssyncadd.s32 $0xFFFFF060  }
.Ltmp11:
0xd5: {  	(pc) =	sbr.rel .LBB2_34-.Ltmp11, $2  }
0xd6: {  	_ =	sdelay $0x2  }
0xd7: {  	s17 =	rddreg [dreg:$0x5]  }
.LBB2_2:
0xd8: {  	s17 =	sadd.s32 s28, s18  }
0xd9: {  	s17 =	smul.u32 $0x190, s17;
	_ =	sdelay $0x1  }
0xda: {  	s21 =	simm.s32 $0x0;
	s20 =	sadd.s32 s13, s17  }
0xdb: {  	[tilespmem:s21], [sflag:$0x2] =	stream.linear.gather [hbm4b:s20+s21], $0xC80, $0x38;
	[tilespmem:$0x1AF40] =	vst v63  }
0xdc: {  	_ =	swait.ge [sflag:s29], $0xC80  }
0xdd: {  	[sflag:s29] =	ssyncset.done $0x0  }
0xde: {  	s17 =	sadd.s32 s14, s17;
	[sflag:s29] =	ssyncadd.s32 $0xFFFFF380  }
0xdf: {  	[tilespmem:s30], [sflag:$0x2] =	stream.linear.gather [hbm4b:s17+s21], $0xC80, $0x38;
	[tilespmem:$0x1AF40] =	vst v63  }
0xe0: {  	_ =	swait.ge [sflag:s29], $0xC80  }
0xe1: {  	[sflag:s29] =	ssyncset.done $0x0  }
0xe2: {  	s22 =	simm.s32 $0x0;
	[sflag:s29] =	ssyncadd.s32 $0xFFFFF380  }
0xe3: {  	[tilespmem:s0], [sflag:$0x1] =	stream.indirect.gather [hbm4b:s4+s31], $0x20, s22, s31, $0xb8;
	[tilespmem:$0x1AF40] =	vst v63  }
0xe4: {  	_ =	swait.ge [sflag:s7], $0xFA0  }
0xe5: {  	[sflag:s7] =	ssyncset.done $0x0  }
0xe6: {  	s23 =	simm.s32 $0xC80;
	[sflag:s7] =	ssyncadd.s32 $0xFFFFF060  }
0xe7: {  	[spmem:s2] =	stream.indirect.scatter.add.f32 [tilespmem:s0], [sflag:$0x2], $0x20, s23, s31, $0xb8;
	[tilespmem:$0x1AF40] =	vst v63  }
0xe8: {  	_ =	swait.ge [sflag:s29], $0xFA0  }
0xe9: {  	s20 =	simm.s32 $0x200;
	s17 =	simm.s32 $0x400;
	[sflag:s29] =	ssyncset.done $0x0  }
.LBB2_3:
0xea: {  	s21 =	sshra.s32 s20, $0x2  }
0xeb: {  	[sflag:s29] =	ssyncadd.s32 $0xFFFFF060;
	s20 =	smov.u32 s17;
	s22 =	sadd.s32 $0x200, s17  }
0xec: {  	[tilespmem:s0], [sflag:$0x1] =	stream.indirect.gather [hbm4b:s4+s31], $0x20, s21, s31, $0xb8;
	[tilespmem:$0x1AF40] =	vst v63  }
0xed: {  	p1 =	sne.s32 s17, $0x3000;
	_ =	swait.ge [sflag:s7], $0xFA0  }
.Ltmp12:
0xee: {  	[sflag:s7] =	ssyncset.done $0x0;
	(pc) =	sbr.rel @p1 .LBB2_3-.Ltmp12, $4  }
0xef: {  	s17 =	sadd.s32 $0xC80, s21;
	[sflag:s7] =	ssyncadd.s32 $0xFFFFF060  }
0xf0: {  	[spmem:s2] =	stream.indirect.scatter.add.f32 [tilespmem:s0], [sflag:$0x2], $0x20, s17, s31, $0xb8;
	[tilespmem:$0x1AF40] =	vst v63  }
0xf1: {  	_ =	swait.ge [sflag:s29], $0xFA0  }
0xf2: {  	s17 =	smov.u32 s22;
	[sflag:s29] =	ssyncset.done $0x0  }
0xf3: {  	s17 =	sshra.s32 s20, $0x2;
	[sflag:s29] =	ssyncadd.s32 $0xFFFFF060  }
0xf4: {  	[tilespmem:s0], [sflag:$0x1] =	stream.indirect.gather [hbm4b:s4+s31], $0x20, s17, s31, $0xb8;
	[tilespmem:$0x1AF40] =	vst v63  }
0xf5: {  	s18 =	sadd.s32 $0x1, s18;
	_ =	swait.ge [sflag:s7], $0xFA0  }
0xf6: {  	p1 =	sne.s32 s18, $0x20;
	[sflag:s7] =	ssyncset.done $0x0  }
.Ltmp13:
0xf7: {  	s17 =	sadd.s32 $0xC80, s17;
	[sflag:s7] =	ssyncadd.s32 $0xFFFFF060;
	(pc) =	sbr.rel @p1 .LBB2_2-.Ltmp13, $4  }
0xf8: {  	[spmem:s2] =	stream.indirect.scatter.add.f32 [tilespmem:s0], [sflag:$0x2], $0x20, s17, s31, $0xb8;
	[tilespmem:$0x1AF40] =	vst v63  }
0xf9: {  	_ =	swait.ge [sflag:s29], $0xFA0  }
0xfa: {  	[sflag:s29] =	ssyncset.done $0x0  }
0xfb: {  	[sflag:s29] =	ssyncadd.s32 $0xFFFFF060  }
0xfc: {  	[bflag:$0x0] =	sbarrier.arrive $0xFFFF  }
0xfd: {  	s17 =	rddreg [dreg:$0x6]  }
0xfe: {  	[hbm:s17], [sflag:s26] =	dma.local [spmem:s15], $0x30D4  }
0xff: {  	_ =	swait.ge [sflag:s29], $0x30D4  }
0x100: {  	[sflag:s29] =	ssyncset.done $0x0  }
0x101: {  	[sflag:s29] =	ssyncadd.s32 $0xFFFFCF2C  }
0x102: {  	[bflag:$0x0] =	sbarrier.arrive $0xFFFF  }
0x103: {  	[spmem:s15], [sflag:s26] =	dma.local [hbm:s1], $0x30D4  }
0x104: {  	_ =	swait.ge [sflag:s29], $0x30D4  }
0x105: {  	[sflag:s29] =	ssyncset.done $0x0  }
0x106: {  	[sflag:s29] =	ssyncadd.s32 $0xFFFFCF2C  }
0x107: {  	s18 =	simm.s32 $0x0;
	s20 =	simm.s32 $0x0;
	[bflag:$0x0] =	sbarrier.arrive $0xFFFF  }
.LBB2_6:
0x108: {  	s17 =	sadd.s32 s28, s20  }
0x109: {  	s17 =	smul.u32 $0x190, s17;
	_ =	sdelay $0x1  }
0x10a: {  	s21 =	sadd.s32 s13, s17  }
0x10b: {  	[tilespmem:s18], [sflag:$0x2] =	stream.linear.gather [hbm4b:s21+s18], $0xC80, $0x38;
	[tilespmem:$0x1AF40] =	vst v63  }
0x10c: {  	_ =	swait.ge [sflag:s29], $0xC80  }
0x10d: {  	[sflag:s29] =	ssyncset.done $0x0  }
0x10e: {  	s17 =	sadd.s32 s14, s17;
	[sflag:s29] =	ssyncadd.s32 $0xFFFFF380  }
0x10f: {  	[tilespmem:s30], [sflag:$0x2] =	stream.linear.gather [hbm4b:s17+s18], $0xC80, $0x38;
	[tilespmem:$0x1AF40] =	vst v63  }
0x110: {  	_ =	swait.ge [sflag:s29], $0xC80  }
0x111: {  	[sflag:s29] =	ssyncset.done $0x0  }
0x112: {  	s22 =	simm.s32 $0x0;
	[sflag:s29] =	ssyncadd.s32 $0xFFFFF380  }
0x113: {  	[tilespmem:s0], [sflag:$0x1] =	stream.indirect.gather [hbm4b:s5+s31], $0x20, s22, s31, $0xb8;
	[tilespmem:$0x1AF40] =	vst v63  }
0x114: {  	_ =	swait.ge [sflag:s7], $0xFA0  }
0x115: {  	[sflag:s7] =	ssyncset.done $0x0  }
0x116: {  	s23 =	simm.s32 $0xC80;
	[sflag:s7] =	ssyncadd.s32 $0xFFFFF060  }
0x117: {  	[spmem:s2] =	stream.indirect.scatter.add.f32 [tilespmem:s0], [sflag:$0x2], $0x20, s23, s31, $0xb8;
	[tilespmem:$0x1AF40] =	vst v63  }
0x118: {  	_ =	swait.ge [sflag:s29], $0xFA0  }
0x119: {  	s21 =	simm.s32 $0x400;
	s17 =	simm.s32 $0x200;
	[sflag:s29] =	ssyncset.done $0x0  }
.LBB2_7:
0x11a: {  	s22 =	sshra.s32 s17, $0x2  }
0x11b: {  	[sflag:s29] =	ssyncadd.s32 $0xFFFFF060;
	s17 =	smov.u32 s21;
	s23 =	sadd.s32 $0x200, s21  }
0x11c: {  	[tilespmem:s0], [sflag:$0x1] =	stream.indirect.gather [hbm4b:s5+s31], $0x20, s22, s31, $0xb8;
	[tilespmem:$0x1AF40] =	vst v63  }
0x11d: {  	p1 =	sne.s32 s21, $0x3000;
	_ =	swait.ge [sflag:s7], $0xFA0  }
.Ltmp14:
0x11e: {  	[sflag:s7] =	ssyncset.done $0x0;
	(pc) =	sbr.rel @p1 .LBB2_7-.Ltmp14, $4  }
0x11f: {  	s21 =	sadd.s32 $0xC80, s22;
	[sflag:s7] =	ssyncadd.s32 $0xFFFFF060  }
0x120: {  	[spmem:s2] =	stream.indirect.scatter.add.f32 [tilespmem:s0], [sflag:$0x2], $0x20, s21, s31, $0xb8;
	[tilespmem:$0x1AF40] =	vst v63  }
0x121: {  	_ =	swait.ge [sflag:s29], $0xFA0  }
0x122: {  	s21 =	smov.u32 s23;
	[sflag:s29] =	ssyncset.done $0x0  }
0x123: {  	s17 =	sshra.s32 s17, $0x2;
	[sflag:s29] =	ssyncadd.s32 $0xFFFFF060  }
0x124: {  	[tilespmem:s0], [sflag:$0x1] =	stream.indirect.gather [hbm4b:s5+s31], $0x20, s17, s31, $0xb8;
	[tilespmem:$0x1AF40] =	vst v63  }
0x125: {  	s20 =	sadd.s32 $0x1, s20;
	_ =	swait.ge [sflag:s7], $0xFA0  }
0x126: {  	p1 =	sne.s32 s20, $0x20;
	[sflag:s7] =	ssyncset.done $0x0  }
.Ltmp15:
0x127: {  	s17 =	sadd.s32 $0xC80, s17;
	[sflag:s7] =	ssyncadd.s32 $0xFFFFF060;
	(pc) =	sbr.rel @p1 .LBB2_6-.Ltmp15, $4  }
0x128: {  	[spmem:s2] =	stream.indirect.scatter.add.f32 [tilespmem:s0], [sflag:$0x2], $0x20, s17, s31, $0xb8;
	[tilespmem:$0x1AF40] =	vst v63  }
0x129: {  	_ =	swait.ge [sflag:s29], $0xFA0  }
0x12a: {  	[sflag:s29] =	ssyncset.done $0x0  }
0x12b: {  	[sflag:s29] =	ssyncadd.s32 $0xFFFFF060  }
0x12c: {  	[bflag:$0x0] =	sbarrier.arrive $0xFFFF  }
0x12d: {  	s17 =	rddreg [dreg:$0x7]  }
0x12e: {  	[hbm:s17], [sflag:s26] =	dma.local [spmem:s15], $0x30D4  }
0x12f: {  	_ =	swait.ge [sflag:s29], $0x30D4  }
0x130: {  	[sflag:s29] =	ssyncset.done $0x0  }
0x131: {  	[sflag:s29] =	ssyncadd.s32 $0xFFFFCF2C  }
0x132: {  	[bflag:$0x0] =	sbarrier.arrive $0xFFFF  }
0x133: {  	[spmem:s15], [sflag:s26] =	dma.local [hbm:s1], $0x30D4  }
0x134: {  	_ =	swait.ge [sflag:s29], $0x30D4  }
0x135: {  	[sflag:s29] =	ssyncset.done $0x0  }
0x136: {  	[sflag:s29] =	ssyncadd.s32 $0xFFFFCF2C  }
0x137: {  	s18 =	simm.s32 $0x0;
	s20 =	simm.s32 $0x0;
	[bflag:$0x0] =	sbarrier.arrive $0xFFFF  }
.LBB2_10:
0x138: {  	s17 =	sadd.s32 s28, s20  }
0x139: {  	s17 =	smul.u32 $0x190, s17;
	_ =	sdelay $0x1  }
0x13a: {  	s21 =	sadd.s32 s13, s17  }
0x13b: {  	[tilespmem:s18], [sflag:$0x2] =	stream.linear.gather [hbm4b:s21+s18], $0xC80, $0x38;
	[tilespmem:$0x1AF40] =	vst v63  }
0x13c: {  	_ =	swait.ge [sflag:s29], $0xC80  }
0x13d: {  	[sflag:s29] =	ssyncset.done $0x0  }
0x13e: {  	s17 =	sadd.s32 s14, s17;
	[sflag:s29] =	ssyncadd.s32 $0xFFFFF380  }
0x13f: {  	[tilespmem:s30], [sflag:$0x2] =	stream.linear.gather [hbm4b:s17+s18], $0xC80, $0x38;
	[tilespmem:$0x1AF40] =	vst v63  }
0x140: {  	_ =	swait.ge [sflag:s29], $0xC80  }
0x141: {  	[sflag:s29] =	ssyncset.done $0x0  }
0x142: {  	s22 =	simm.s32 $0x0;
	[sflag:s29] =	ssyncadd.s32 $0xFFFFF380  }
0x143: {  	[tilespmem:s0], [sflag:$0x1] =	stream.indirect.gather [hbm4b:s6+s31], $0x20, s22, s31, $0xb8;
	[tilespmem:$0x1AF40] =	vst v63  }
0x144: {  	_ =	swait.ge [sflag:s7], $0xFA0  }
0x145: {  	[sflag:s7] =	ssyncset.done $0x0  }
0x146: {  	s23 =	simm.s32 $0xC80;
	[sflag:s7] =	ssyncadd.s32 $0xFFFFF060  }
0x147: {  	[spmem:s2] =	stream.indirect.scatter.add.f32 [tilespmem:s0], [sflag:$0x2], $0x20, s23, s31, $0xb8;
	[tilespmem:$0x1AF40] =	vst v63  }
0x148: {  	_ =	swait.ge [sflag:s29], $0xFA0  }
0x149: {  	s21 =	simm.s32 $0x400;
	s17 =	simm.s32 $0x200;
	[sflag:s29] =	ssyncset.done $0x0  }
.LBB2_11:
0x14a: {  	s22 =	sshra.s32 s17, $0x2  }
0x14b: {  	[sflag:s29] =	ssyncadd.s32 $0xFFFFF060;
	s17 =	smov.u32 s21;
	s23 =	sadd.s32 $0x200, s21  }
0x14c: {  	[tilespmem:s0], [sflag:$0x1] =	stream.indirect.gather [hbm4b:s6+s31], $0x20, s22, s31, $0xb8;
	[tilespmem:$0x1AF40] =	vst v63  }
0x14d: {  	p1 =	sne.s32 s21, $0x3000;
	_ =	swait.ge [sflag:s7], $0xFA0  }
.Ltmp16:
0x14e: {  	[sflag:s7] =	ssyncset.done $0x0;
	(pc) =	sbr.rel @p1 .LBB2_11-.Ltmp16, $4  }
0x14f: {  	s21 =	sadd.s32 $0xC80, s22;
	[sflag:s7] =	ssyncadd.s32 $0xFFFFF060  }
0x150: {  	[spmem:s2] =	stream.indirect.scatter.add.f32 [tilespmem:s0], [sflag:$0x2], $0x20, s21, s31, $0xb8;
	[tilespmem:$0x1AF40] =	vst v63  }
0x151: {  	_ =	swait.ge [sflag:s29], $0xFA0  }
0x152: {  	s21 =	smov.u32 s23;
	[sflag:s29] =	ssyncset.done $0x0  }
0x153: {  	s17 =	sshra.s32 s17, $0x2;
	[sflag:s29] =	ssyncadd.s32 $0xFFFFF060  }
0x154: {  	[tilespmem:s0], [sflag:$0x1] =	stream.indirect.gather [hbm4b:s6+s31], $0x20, s17, s31, $0xb8;
	[tilespmem:$0x1AF40] =	vst v63  }
0x155: {  	s20 =	sadd.s32 $0x1, s20;
	_ =	swait.ge [sflag:s7], $0xFA0  }
0x156: {  	p1 =	sne.s32 s20, $0x20;
	[sflag:s7] =	ssyncset.done $0x0  }
.Ltmp17:
0x157: {  	s17 =	sadd.s32 $0xC80, s17;
	[sflag:s7] =	ssyncadd.s32 $0xFFFFF060;
	(pc) =	sbr.rel @p1 .LBB2_10-.Ltmp17, $4  }
0x158: {  	[spmem:s2] =	stream.indirect.scatter.add.f32 [tilespmem:s0], [sflag:$0x2], $0x20, s17, s31, $0xb8;
	[tilespmem:$0x1AF40] =	vst v63  }
0x159: {  	_ =	swait.ge [sflag:s29], $0xFA0  }
0x15a: {  	[sflag:s29] =	ssyncset.done $0x0  }
0x15b: {  	[sflag:s29] =	ssyncadd.s32 $0xFFFFF060  }
0x15c: {  	[bflag:$0x0] =	sbarrier.arrive $0xFFFF  }
0x15d: {  	s17 =	rddreg [dreg:$0x8]  }
0x15e: {  	[hbm:s17], [sflag:s26] =	dma.local [spmem:s15], $0x30D4  }
0x15f: {  	_ =	swait.ge [sflag:s29], $0x30D4  }
0x160: {  	[sflag:s29] =	ssyncset.done $0x0  }
0x161: {  	[sflag:s29] =	ssyncadd.s32 $0xFFFFCF2C  }
0x162: {  	[bflag:$0x0] =	sbarrier.arrive $0xFFFF  }
0x163: {  	[spmem:s15], [sflag:s26] =	dma.local [hbm:s1], $0x30D4  }
0x164: {  	_ =	swait.ge [sflag:s29], $0x30D4  }
0x165: {  	[sflag:s29] =	ssyncset.done $0x0  }
0x166: {  	[sflag:s29] =	ssyncadd.s32 $0xFFFFCF2C  }
0x167: {  	s18 =	simm.s32 $0x0;
	s20 =	simm.s32 $0x0;
	[bflag:$0x0] =	sbarrier.arrive $0xFFFF  }
.LBB2_14:
0x168: {  	s17 =	sadd.s32 s28, s20  }
0x169: {  	s17 =	smul.u32 $0x190, s17;
	_ =	sdelay $0x1  }
0x16a: {  	s21 =	sadd.s32 s13, s17  }
0x16b: {  	[tilespmem:s18], [sflag:$0x2] =	stream.linear.gather [hbm4b:s21+s18], $0xC80, $0x38;
	[tilespmem:$0x1AF40] =	vst v63  }
0x16c: {  	_ =	swait.ge [sflag:s29], $0xC80  }
0x16d: {  	[sflag:s29] =	ssyncset.done $0x0  }
0x16e: {  	s17 =	sadd.s32 s14, s17;
	[sflag:s29] =	ssyncadd.s32 $0xFFFFF380  }
0x16f: {  	[tilespmem:s30], [sflag:$0x2] =	stream.linear.gather [hbm4b:s17+s18], $0xC80, $0x38;
	[tilespmem:$0x1AF40] =	vst v63  }
0x170: {  	_ =	swait.ge [sflag:s29], $0xC80  }
0x171: {  	[sflag:s29] =	ssyncset.done $0x0  }
0x172: {  	s22 =	simm.s32 $0x0;
	[sflag:s29] =	ssyncadd.s32 $0xFFFFF380  }
0x173: {  	[tilespmem:s0], [sflag:$0x1] =	stream.indirect.gather [hbm4b:s8+s31], $0x20, s22, s31, $0xb8;
	[tilespmem:$0x1AF40] =	vst v63  }
0x174: {  	_ =	swait.ge [sflag:s7], $0xFA0  }
0x175: {  	[sflag:s7] =	ssyncset.done $0x0  }
0x176: {  	s23 =	simm.s32 $0xC80;
	[sflag:s7] =	ssyncadd.s32 $0xFFFFF060  }
0x177: {  	[spmem:s2] =	stream.indirect.scatter.add.f32 [tilespmem:s0], [sflag:$0x2], $0x20, s23, s31, $0xb8;
	[tilespmem:$0x1AF40] =	vst v63  }
0x178: {  	_ =	swait.ge [sflag:s29], $0xFA0  }
0x179: {  	s21 =	simm.s32 $0x400;
	s17 =	simm.s32 $0x200;
	[sflag:s29] =	ssyncset.done $0x0  }
.LBB2_15:
0x17a: {  	s22 =	sshra.s32 s17, $0x2  }
0x17b: {  	[sflag:s29] =	ssyncadd.s32 $0xFFFFF060;
	s17 =	smov.u32 s21;
	s23 =	sadd.s32 $0x200, s21  }
0x17c: {  	[tilespmem:s0], [sflag:$0x1] =	stream.indirect.gather [hbm4b:s8+s31], $0x20, s22, s31, $0xb8;
	[tilespmem:$0x1AF40] =	vst v63  }
0x17d: {  	p1 =	sne.s32 s21, $0x3000;
	_ =	swait.ge [sflag:s7], $0xFA0  }
.Ltmp18:
0x17e: {  	[sflag:s7] =	ssyncset.done $0x0;
	(pc) =	sbr.rel @p1 .LBB2_15-.Ltmp18, $4  }
0x17f: {  	s21 =	sadd.s32 $0xC80, s22;
	[sflag:s7] =	ssyncadd.s32 $0xFFFFF060  }
0x180: {  	[spmem:s2] =	stream.indirect.scatter.add.f32 [tilespmem:s0], [sflag:$0x2], $0x20, s21, s31, $0xb8;
	[tilespmem:$0x1AF40] =	vst v63  }
0x181: {  	_ =	swait.ge [sflag:s29], $0xFA0  }
0x182: {  	s21 =	smov.u32 s23;
	[sflag:s29] =	ssyncset.done $0x0  }
0x183: {  	s17 =	sshra.s32 s17, $0x2;
	[sflag:s29] =	ssyncadd.s32 $0xFFFFF060  }
0x184: {  	[tilespmem:s0], [sflag:$0x1] =	stream.indirect.gather [hbm4b:s8+s31], $0x20, s17, s31, $0xb8;
	[tilespmem:$0x1AF40] =	vst v63  }
0x185: {  	s20 =	sadd.s32 $0x1, s20;
	_ =	swait.ge [sflag:s7], $0xFA0  }
0x186: {  	p1 =	seq.s32 s20, $0x20;
	[sflag:s7] =	ssyncset.done $0x0  }
.Ltmp19:
0x187: {  	s17 =	sadd.s32 $0xC80, s17;
	[sflag:s7] =	ssyncadd.s32 $0xFFFFF060;
	(pc) =	sbr.rel @!p1 .LBB2_14-.Ltmp19, $4  }
0x188: {  	[spmem:s2] =	stream.indirect.scatter.add.f32 [tilespmem:s0], [sflag:$0x2], $0x20, s17, s31, $0xb8;
	[tilespmem:$0x1AF40] =	vst v63  }
0x189: {  	_ =	swait.ge [sflag:s29], $0xFA0  }
0x18a: {  	[sflag:s29] =	ssyncset.done $0x0  }
0x18b: {  	[sflag:s29] =	ssyncadd.s32 $0xFFFFF060  }
.Ltmp20:
0x18c: {  	(pc) =	sbr.rel .LBB2_34-.Ltmp20, $2  }
0x18d: {  	_ =	sdelay $0x2  }
0x18e: {  	s17 =	rddreg [dreg:$0x4]  }
.LBB2_35:
0x18f: {  	_ =	sfence.sel $0x180000  }
0x190: {  	[bflag:$0x0] =	sbarrier.arrive $0xFFFF  }
0x191: {  	_ =	strace $0x9000004A  }
0x192: {  	s0 =	stileid.u32;
	[bflag:$0x2] =	sbarrier.arrive $0xFFFF  }
0x193: {  	p0 =	sne.s32 s0, $0x0;
	s0 =	rddreg [dreg:$0x3]  }
0x194: {  	s0 =	sadd.s32 @!p0 $0x100000, s0  }
0x195: {  	[sflag:s0] =	ssyncadd.tile.s32 @!p0 $0x1;
	_ =	shalt  }
.Lfunc_end2:
_tile_overlayer_lowered:
.L_overlay_start_2:
0x196: {  	(tag) =	ssettag $0x2  }
0x197: {  	s0 =	rddreg [dreg:$0x0];
	s2 =	stileid.u32  }
0x198: {  	s1 =	rddreg [dreg:$0x1];
	p0 =	sne.s32 s2, $0x0  }
0x199: {  	s3 =	rddreg [dreg:$0x2];
	[bflag:$0x3] =	sbarrier.arrive $0xFFFF;
	s2 =	simm.s32 @!p0 $0x1C02  }
0x19a: {  	[timem:s3], [sflag:s2] =	dma.local @!p0 [hbm:s0], s1  }
0x19b: {  	s0 =	simm.s32 @!p0 $0x2  }
0x19c: {  	_ =	swait.ge @!p0 [sflag:s0], s1  }
0x19d: {  	s1 =	ssub.s32 @!p0 $0x0, s1;
	[sflag:s0] =	ssyncset.done @!p0 $0x0  }
0x19e: {  	[sflag:s0] =	ssyncadd.s32 @!p0 s1  }
0x19f: {  	[bflag:$0x3] =	sbarrier.arrive $0xFFFF  }
0x1a0: {  	_ =	shalt  }

// kernel: kernel.7.cloned.1.call-start
scs
__scs_entry_jumppad:
0x0: {  	(pc) =	sbr.rel $0x88, $3  }
0x1: {  	(tag) =	ssettag $0x0;
	lr =	simm.s32 $0x1  }
0x2: {  	[smem:$0x3F8C] =	sst lr;
	_ =	strace $0xD0000000  }
0x3: {  	_ = 	snop  }
0x4: {  	_ = 	snop  }
0x5: {  	_ = 	snop  }
0x6: {  	_ = 	snop  }
0x7: {  	_ = 	snop  }
__scs_overlays_trampoline_lowered:
0x8: {  	[smem:$0x3F9B] =	sst s0  }
0x9: {  	[smem:$0x3F9C] =	sst s1  }
0xa: {  	[smem:$0x3F9D] =	sst s2  }
0xb: {  	[smem:$0x3F9E] =	sst s3  }
0xc: {  	[smem:$0x3F9F] =	sst s4  }
0xd: {  	[smem:$0x3FA0] =	sst s5  }
0xe: {  	[smem:$0x3FA1] =	sst s6  }
0xf: {  	[smem:$0x3FA2] =	sst s7  }
0x10: {  	[smem:$0x3FA3] =	sst s8  }
0x11: {  	[smem:$0x3FA4] =	sst s9;
	s0 =	simm.s32 @!p0 $0x0  }
0x12: {  	s1 =	sld [smem:$0x3F8A];
	s0 =	simm.s32 @p0 $0x1  }
0x13: {  	[smem:$0x3FA5] =	sst s0;
	s0 =	simm.s32 @!p1 $0x0  }
0x14: {  	s2 =	sld [smem:$0x3F89];
	s0 =	simm.s32 @p1 $0x1  }
0x15: {  	[smem:$0x3FA6] =	sst s0;
	s0 =	simm.s32 @!p2 $0x0  }
0x16: {  	s3 =	sld [smem:$0x3FDB];
	s0 =	simm.s32 @p2 $0x1  }
0x17: {  	s4 =	simm.s32 $0x1BF5;
	[smem:$0x3FA8] =	sst s0  }
0x18: {  	s0 =	sld [smem:$0x3F8B];
	_ =	swait.ge [sflag:s4], $0x0  }
0x19: {  	s7 =	sld [smem:$0x3F8C]  }
0x1a: {  	s8 =	sadd.s32 $0xFFFFE003, lr  }
0x1b: {  	s9 =	sadd.s32 $0xFFFFFEF7, lr;
	s5 =	simm.s32 $0xFFFFFFFF;
	p2 =	slt.u32 s8, $0xFFFFF086  }
0x1c: {  	p1 =	slt.u32 s9, $0xF7A;
	s5 =	simm.s32 @!p2 $0x0  }
0x1d: {  	s5 =	simm.s32 @p1 $0x1;
	p0 =	seq.s32 s7, s2  }
0x1e: {  	s7 =	smul.u32 @!p0 $0xF7A, s2;
	p2 =	seq.s32 @!p0 s5, $0x0  }
0x1f: {  	s9 =	smul.u32 $0xF7A, s1;
	s8 =	simm.s32 @!p0 $0x1BF5;
	p2 =	por !p2, p0  }
0x20: {  	[sflag:s8] =	ssyncset.s32 @!p0 $0xFFFFF086;
	s6 =	sadd.s32 @!p0 s3, s7;
	s7 =	simm.s32 @!p0 $0x108  }
0x21: {  	s3 =	sadd.s32 s3, s9;
	s6 =	sadd.s32 @!p0 $0x88, s6;
	s7 =	simm.s32 @p2 $0x1082  }
0x22: {  	[simem:s7], [sflag:s8] =	dma.local @!p0 [hbm:s6], $0xF7A  }
0x23: {  	s9 =	sor.u32 $0xD0000000, s2;
	s6 =	simm.s32 $0x108;
	_ =	swait.ge @!p0 [sflag:s8], $0x0  }
0x24: {  	s3 =	sadd.s32 $0x88, s3;
	s6 =	simm.s32 @!p1 $0x1082;
	[sflag:s4] =	ssyncset.s32 $0xFFFFF086  }
0x25: {  	[simem:s6], [sflag:s4] =	dma.local [hbm:s3], $0xF7A  }
0x26: {  	[smem:$0x3F8C] =	sst s1;
	(tag) =	ssettag s2;
	_ =	strace s9  }
0x27: {  	s1 =	sld [smem:$0x3F9C]  }
0x28: {  	s2 =	sld [smem:$0x3F9D]  }
0x29: {  	s4 =	sld [smem:$0x3F9F]  }
0x2a: {  	p0 =	seq.s32 s5, $0x0;
	s5 =	sld [smem:$0x3FA0]  }
0x2b: {  	s6 =	sld [smem:$0x3FA1]  }
0x2c: {  	s7 =	sld [smem:$0x3FA2]  }
0x2d: {  	s3 =	simm.s32 $0x108;
	s8 =	sld [smem:$0x3FA3]  }
0x2e: {  	s3 =	simm.s32 @!p0 $0x1082;
	s9 =	sld [smem:$0x3FA4]  }
0x2f: {  	lr =	sadd.s32 s0, s3;
	s0 =	sld [smem:$0x3F9B]  }
0x30: {  	s3 =	sld [smem:$0x3F9E]  }
0x31: {  	[smem:$0x3FA7] =	sst s10  }
0x32: {  	s10 =	sld [smem:$0x3FA5];
	_ =	sdelay $0x3  }
0x33: {  	p0 =	seq.s32 s10, $0x1;
	s10 =	sld [smem:$0x3FA7];
	_ =	sdelay $0x3  }
0x34: {  	[smem:$0x3FA7] =	sst s10  }
0x35: {  	s10 =	sld [smem:$0x3FA6];
	_ =	sdelay $0x3  }
0x36: {  	p1 =	seq.s32 s10, $0x1;
	s10 =	sld [smem:$0x3FA7];
	_ =	sdelay $0x3  }
0x37: {  	[smem:$0x3FA7] =	sst s10  }
0x38: {  	s10 =	sld [smem:$0x3FA8]  }
0x39: {  	_ = 	snop;
	(pc) =	sbr.ind lr, $3  }
0x3a: {  	_ = 	snop  }
0x3b: {  	_ = 	snop  }
0x3c: {  	p2 =	seq.s32 s10, $0x1;
	s10 =	sld [smem:$0x3FA7]  }
0x3d: {  	_ =	shalt  }
0x3e: {  	_ =	shalt  }
0x3f: {  	_ =	shalt  }
0x40: {  	_ =	shalt  }
0x41: {  	_ =	shalt  }
0x42: {  	_ =	shalt  }
0x43: {  	_ =	shalt  }
0x44: {  	_ =	shalt  }
0x45: {  	_ =	shalt  }
0x46: {  	_ =	shalt  }
0x47: {  	_ =	shalt  }
0x48: {  	_ =	shalt  }
0x49: {  	_ =	shalt  }
0x4a: {  	_ =	shalt  }
0x4b: {  	_ =	shalt  }
0x4c: {  	_ =	shalt  }
0x4d: {  	_ =	shalt  }
0x4e: {  	_ =	shalt  }
0x4f: {  	_ =	shalt  }
0x50: {  	_ =	shalt  }
0x51: {  	_ =	shalt  }
0x52: {  	_ =	shalt  }
0x53: {  	_ =	shalt  }
0x54: {  	_ =	shalt  }
0x55: {  	_ =	shalt  }
0x56: {  	_ =	shalt  }
0x57: {  	_ =	shalt  }
0x58: {  	_ =	shalt  }
0x59: {  	_ =	shalt  }
0x5a: {  	_ =	shalt  }
0x5b: {  	_ =	shalt  }
0x5c: {  	_ =	shalt  }
0x5d: {  	_ =	shalt  }
0x5e: {  	_ =	shalt  }
0x5f: {  	_ =	shalt  }
0x60: {  	_ =	shalt  }
0x61: {  	_ =	shalt  }
0x62: {  	_ =	shalt  }
0x63: {  	_ =	shalt  }
0x64: {  	_ =	shalt  }
0x65: {  	_ =	shalt  }
0x66: {  	_ =	shalt  }
0x67: {  	_ =	shalt  }
0x68: {  	_ =	shalt  }
0x69: {  	_ =	shalt  }
0x6a: {  	_ =	shalt  }
0x6b: {  	_ =	shalt  }
0x6c: {  	_ =	shalt  }
0x6d: {  	_ =	shalt  }
0x6e: {  	_ =	shalt  }
0x6f: {  	_ =	shalt  }
0x70: {  	_ =	shalt  }
0x71: {  	_ =	shalt  }
0x72: {  	_ =	shalt  }
0x73: {  	_ =	shalt  }
0x74: {  	_ =	shalt  }
0x75: {  	_ =	shalt  }
0x76: {  	_ =	shalt  }
0x77: {  	_ =	shalt  }
0x78: {  	_ =	shalt  }
0x79: {  	_ =	shalt  }
0x7a: {  	_ =	shalt  }
0x7b: {  	_ =	shalt  }
0x7c: {  	_ =	shalt  }
0x7d: {  	_ =	shalt  }
0x7e: {  	_ =	shalt  }
0x7f: {  	_ =	shalt  }
0x80: {  	_ =	shalt  }
0x81: {  	_ =	shalt  }
0x82: {  	_ =	shalt  }
0x83: {  	_ =	shalt  }
0x84: {  	_ =	shalt  }
0x85: {  	_ =	shalt  }
0x86: {  	_ =	shalt  }
0x87: {  	_ =	shalt  }
.Lfunc_end0:
.L_simem_size_0:
called_computation_lowered:
.L_overlay_start_0:
0x88: {  	s2 =	sld [smem:$0x3FD9]  }
0x89: {  	s3 =	sld [smem:$0x3FFE];
	_ =	sdelay $0x1  }
0x8a: {  	s1 =	srdreg.scid  }
0x8b: {  	s0 =	sand.u32 $0x1, s1  }
0x8c: {  	s17 =	sshll.u32 s0, $0xA;
	s2 =	sadd.s32 s3, s2  }
0x8d: {  	s2 =	sadd.s32 s2, s17  }
0x8e: {  	[smem:$0x3FB3] =	sst s2  }
0x8f: {  	_ = 	snop  }
0x90: {  	s2 =	sld [smem:$0x3FD0];
	(tm) =	ssettm $0x1  }
0x91: {  	s18 =	sld [smem:$0x3FFB];
	_ =	sdelay $0x3  }
0x92: {  	_ =	strace s18  }
0x93: {  	s3 =	sld [smem:$0x3FFC];
	_ =	sdelay $0x3  }
0x94: {  	_ =	strace s3  }
0x95: {  	s3 =	sld [smem:$0x3FFD];
	_ =	sdelay $0x3  }
0x96: {  	_ =	strace s3  }
0x97: {  	_ =	strace $0x8FFFFFFF  }
0x98: {  	s19 =	sld [smem:$0x3FDB];
	_ =	sdelay $0x1  }
0x99: {  	s4 =	simm.s32 $_scs_section_size  }
0x9a: {  	s5 =	simm.s32 $_size__tile_overlayer_lowered;
	s6 =	simm.s32 $_tile_overlayer_lowered  }
0x9b: {  	s22 =	simm.s32 $0x1BFF;
	s21 =	sshll.u32 s6, $0x1;
	s3 =	sadd.s32 s4, s19  }
0x9c: {  	s7 =	simm.s32 $0x0;
	s20 =	sshll.u32 s5, $0x1;
	s5 =	sadd.s32 s21, s3  }
0x9d: {  	[timem:s7], [sflag:s22] =	dma.local [hbm:s5], s20  }
0x9e: {  	_ =	swait.ge [sflag:s22], s20  }
0x9f: {  	s4 =	ssub.s32 $0x0, s20;
	[sflag:s22] =	ssyncset.done $0x0  }
0xa0: {  	[sflag:s22] =	ssyncadd.s32 s4;
	_ =	sdelay $0x1  }
0xa1: {  	s23 =	simm.s32 $0x1B8B  }
0xa2: {  	_ =	swait.ge [sflag:s23], $0x1  }
0xa3: {  	[sflag:s23] =	ssyncset.done $0x0  }
0xa4: {  	s25 =	simm.s32 $0x1B8E;
	s24 =	sld [smem:$0x3FFE];
	[sflag:s23] =	ssyncadd.s32 $0xFFFFFFFF  }
0xa5: {  	s26 =	simm.s32 $execute0_lowered;
	[smem:$0x3FD2] =	sst s25  }
0xa6: {  	s5 =	sshll.u32 s26, $0x1;
	_ =	strace $0x80000046;
	[dreg:$0x1] =	wrdreg $0xFFFFFFFF  }
0xa7: {  	s28 =	simm.s32 $_size_execute0_lowered;
	s3 =	sadd.s32 s3, s5;
	[dreg:$0x0] =	wrdreg $0x0  }
0xa8: {  	s5 =	sshll.u32 s28, $0x1;
	[dreg:$0x2] =	wrdreg s3  }
0xa9: {  	[dreg:$0x3] =	wrdreg s5  }
0xaa: {  	[dreg:$0x4] =	wrdreg $0xC0  }
0xab: {  	_ =	task [dreg:s7], $0x5FFFF  }
0xac: {  	[dreg:$0x1] =	wrdreg $0xFFFFFFFF  }
0xad: {  	[dreg:$0x0] =	wrdreg $0x60  }
0xae: {  	[dreg:$0x2] =	wrdreg s24  }
0xaf: {  	[dreg:$0x3] =	wrdreg s2  }
0xb0: {  	[dreg:$0x4] =	wrdreg $0x9  }
0xb1: {  	_ =	task.clear_ibuf [dreg:s7], $0x5FFFF;
	_ =	strace $0x90000046  }
0xb2: {  	s29 =	simm.s32 $0x9;
	_ =	strace $0x80000048  }
0xb3: {  	_ =	swait.ge [sflag:s29], $0x1  }
0xb4: {  	[sflag:s29] =	ssyncadd.s32 $0xFFFFFFFF  }
0xb5: {  	_ =	strace $0x90000048  }
0xb6: {  	_ =	sfence  }
0xb7: {  	s30 =	sld [smem:$0x0];
	_ =	sdelay $0x2  }
0xb8: {  	s31 =	sshll.u32 s1, $0xD;
	s1 =	sshrl.u32 s1, $0x2  }
0xb9: {  	s3 =	sand.u32 $0x4000, s31;
	s1 =	sadd.s32 s1, s30  }
0xba: {  	s0 =	sor.u32 s3, s0;
	s1 =	sshll.u32 s1, $0x11  }
0xbb: {  	s0 =	sor.u32 s1, s0  }
0xbc: {  	s0 =	sadd.s32 $0x8F2B, s0  }
0xbd: {  	[sflag:s0] =	ssyncadd.remote.s32 $0x1  }
0xbe: {  	_ =	sfence.sel $0xFFFF  }
0xbf: {  	[dreg:$0x0] =	wrdreg $0xFFFFFFFF;
	(pc) =	sbr.abs _section_cstart, $3  }
0xc0: {  	[dreg:$0x1] =	wrdreg $0xFFFFFFFF  }
0xc1: {  	_ =	task.clear_ibuf [dreg:s7], $0x2FFFF;
	_ =	strace $0x9FFFFFFF  }
0xc2: {  	(tm) =	ssettm $0x7FFFFFFF  }
0xc3: {  	_ =	shalt  }
tec
execute0_lowered:
.L_overlay_start_1:
0x0: {  	(tag) =	ssettag $0x1  }
0x1: {  	s8 =	rddreg [dreg:$0x0]  }
0x2: {  	s2 =	rddreg [dreg:$0x1]  }
0x3: {  	s0 =	rddreg [dreg:$0x2];
	s3 =	simm.s32 $0x0;
	s4 =	srdreg.scid  }
0x4: {  	s1 =	stileid.u32;
	s13 =	simm.s32 $0xC350;
	s14 =	simm.s32 $0x186A0  }
0x5: {  	s15 =	simm.s32 $0x18E70;
	s16 =	simm.s32 $0x0;
	[smem:$0x7FF] =	sst s3  }
0x6: {  	s5 =	sand.u32 $0x1, s4;
	s31 =	sshll.u32 s1, $0x1;
	s4 =	sadd.s32 $0x69C00, s8  }
0x7: {  	s6 =	sadd.s32 $0x8000, s8;
	s9 =	sor.u32 s5, s31;
	s11 =	ssub.s32 $0x2, s5  }
0x8: {  	s7 =	sadd.s32 $0x6B600, s8;
	s10 =	smul.u32 $0x186A, s9;
	s12 =	sshrl.u32 s11, $0x1  }
0x9: {  	_ =	strace $0x80000047;
	s5 =	sadd.s32 $0x38E00, s8;
	s11 =	ssub.s32 s11, s12  }
0xa: {  	s12 =	simm.s32 $0x1;
	s10 =	sadd.s32 s10, s8;
	s8 =	smul.u32 $0x19, s9  }
0xb: {  	s11 =	smax.u32 s11, $0x1;
	s9 =	sadd.s32 $0x6D000, s10;
	s10 =	sadd.s32 $0x9DE00, s10  }
.LBB2_1:
0xc: {  	[tilespmem:s3], [sflag:$0x1] =	stream.linear.gather [hbm4b:s4+s3], $0xC350, $0x38;
	[tilespmem:$0x19640] =	vst v63  }
0xd: {  	_ =	swait.ge [sflag:s12], $0xC350  }
0xe: {  	[sflag:s12] =	ssyncset.done $0x0  }
0xf: {  	[sflag:s12] =	ssyncadd.s32 $0xFFFF3CB0  }
0x10: {  	[tilespmem:s13], [sflag:$0x1] =	stream.linear.gather [hbm4b:s7+s3], $0xC350, $0x38;
	[tilespmem:$0x19640] =	vst v63  }
0x11: {  	_ =	swait.ge [sflag:s12], $0xC350  }
0x12: {  	[sflag:s12] =	ssyncset.done $0x0  }
0x13: {  	s17 =	simm.s32 $0x0;
	[sflag:s12] =	ssyncadd.s32 $0xFFFF3CB0  }
.LBB2_2:
0x14: {  	s18 =	sadd.s32 s8, s17  }
0x15: {  	s18 =	smul.u32 $0xFA, s18;
	_ =	sdelay $0x1  }
0x16: {  	s20 =	simm.s32 $0x0;
	s19 =	sadd.s32 s5, s18  }
0x17: {  	[tilespmem:s14], [sflag:$0x1] =	stream.linear.gather [hbm4b:s19+s20], $0x7D0, $0x38;
	[tilespmem:$0x19640] =	vst v63  }
0x18: {  	_ =	swait.ge [sflag:s12], $0x7D0  }
0x19: {  	[sflag:s12] =	ssyncset.done $0x0  }
0x1a: {  	s18 =	sadd.s32 s6, s18;
	[sflag:s12] =	ssyncadd.s32 $0xFFFFF830  }
0x1b: {  	[tilespmem:s15], [sflag:$0x1] =	stream.linear.gather [hbm4b:s18+s20], $0x7D0, $0x38;
	[tilespmem:$0x19640] =	vst v63  }
0x1c: {  	_ =	swait.ge [sflag:s12], $0x7D0  }
0x1d: {  	[sflag:s12] =	ssyncset.done $0x0  }
0x1e: {  	s19 =	simm.s32 $0x0;
	s18 =	simm.s32 $0x40;
	[sflag:s12] =	ssyncadd.s32 $0xFFFFF830  }
.LBB2_3:
0x1f: {  	p0 =	sne.s32 s18, $0x1F00;
	v0 =	vld [tilespmem:s19+$0x186A0];
	_ =	sdelay $0x5  }
0x20: {  	v1 =	vld [tilespmem:s19+$0x18E70];
	_ =	sdelay $0x1  }
0x21: {  	v0 =	vld.idx.msk [tilespmem:v0+s3+$0x0], $0xffff;
	_ =	sdelay $0x1  }
.Ltmp0:
0x22: {  	(pc) =	sbr.rel @p0 .LBB2_3-.Ltmp0, $2  }
0x23: {  	_ =	sdelay $0x2  }
0x24: {  	s19 =	sshra.s32 s18, $0x2;
	s18 =	sadd.s32 $0x40, s18;
	[tilespmem:v1+s13+$0x0] =	vst.idx.add.f32.msk $0xffff, v0  }
0x25: {  	v0 =	vld [tilespmem:s19+$0x186A0];
	_ =	sdelay $0x4  }
0x26: {  	v1 =	vld [tilespmem:s19+$0x18E70];
	_ =	sdelay $0x1  }
0x27: {  	s17 =	sadd.s32 $0x1, s17  }
0x28: {  	p0 =	sne.s32 s17, $0x19;
	v0 =	vld.idx.msk [tilespmem:v0+s3+$0x0], $0xffff  }
.Ltmp1:
0x29: {  	_ = 	snop;
	(pc) =	sbr.rel @p0 .LBB2_2-.Ltmp1, $2  }
0x2a: {  	_ =	sdelay $0x2  }
0x2b: {  	[tilespmem:v1+s13+$0x0] =	vst.idx.add.f32.msk $0xffff, v0  }
0x2c: {  	s17 =	simm.s32 $0x0  }
0x2d: {  	[hbm4b:s9+s17] =	stream.linear.scatter [tilespmem:s13], [sflag:$0x1], $0xC350, $0x38;
	[tilespmem:$0x19640] =	vst v63  }
0x2e: {  	_ =	swait.ge [sflag:s12], $0xC350  }
0x2f: {  	[sflag:s12] =	ssyncset.done $0x0  }
0x30: {  	[sflag:s12] =	ssyncadd.s32 $0xFFFF3CB0  }
0x31: {  	[tilespmem:s17], [sflag:$0x1] =	stream.linear.gather [hbm4b:s2+s17], $0xC350, $0x38;
	[tilespmem:$0x19640] =	vst v63  }
0x32: {  	_ =	swait.ge [sflag:s12], $0xC350  }
0x33: {  	[sflag:s12] =	ssyncset.done $0x0  }
0x34: {  	[sflag:s12] =	ssyncadd.s32 $0xFFFF3CB0  }
0x35: {  	[tilespmem:s13], [sflag:$0x1] =	stream.linear.gather [hbm4b:s7+s17], $0xC350, $0x38;
	[tilespmem:$0x19640] =	vst v63  }
0x36: {  	_ =	swait.ge [sflag:s12], $0xC350  }
0x37: {  	[sflag:s12] =	ssyncset.done $0x0  }
0x38: {  	s18 =	simm.s32 $0x0;
	[sflag:s12] =	ssyncadd.s32 $0xFFFF3CB0  }
.LBB2_6:
0x39: {  	s19 =	sadd.s32 s8, s18  }
0x3a: {  	s19 =	smul.u32 $0xFA, s19;
	_ =	sdelay $0x1  }
0x3b: {  	s20 =	sadd.s32 s5, s19  }
0x3c: {  	[tilespmem:s14], [sflag:$0x1] =	stream.linear.gather [hbm4b:s20+s17], $0x7D0, $0x38;
	[tilespmem:$0x19640] =	vst v63  }
0x3d: {  	_ =	swait.ge [sflag:s12], $0x7D0  }
0x3e: {  	[sflag:s12] =	ssyncset.done $0x0  }
0x3f: {  	s19 =	sadd.s32 s6, s19;
	[sflag:s12] =	ssyncadd.s32 $0xFFFFF830  }
0x40: {  	[tilespmem:s15], [sflag:$0x1] =	stream.linear.gather [hbm4b:s19+s17], $0x7D0, $0x38;
	[tilespmem:$0x19640] =	vst v63  }
0x41: {  	_ =	swait.ge [sflag:s12], $0x7D0  }
0x42: {  	[sflag:s12] =	ssyncset.done $0x0  }
0x43: {  	s20 =	simm.s32 $0x0;
	s19 =	simm.s32 $0x40;
	[sflag:s12] =	ssyncadd.s32 $0xFFFFF830  }
.LBB2_7:
0x44: {  	p0 =	sne.s32 s19, $0x1F00;
	v0 =	vld [tilespmem:s20+$0x186A0];
	_ =	sdelay $0x5  }
0x45: {  	v1 =	vld [tilespmem:s20+$0x18E70];
	_ =	sdelay $0x1  }
0x46: {  	v0 =	vld.idx.msk [tilespmem:v0+s3+$0x0], $0xffff;
	_ =	sdelay $0x1  }
.Ltmp2:
0x47: {  	(pc) =	sbr.rel @p0 .LBB2_7-.Ltmp2, $2  }
0x48: {  	_ =	sdelay $0x2  }
0x49: {  	s20 =	sshra.s32 s19, $0x2;
	s19 =	sadd.s32 $0x40, s19;
	[tilespmem:v1+s13+$0x0] =	vst.idx.add.f32.msk $0xffff, v0  }
0x4a: {  	v0 =	vld [tilespmem:s20+$0x186A0];
	_ =	sdelay $0x4  }
0x4b: {  	v1 =	vld [tilespmem:s20+$0x18E70];
	_ =	sdelay $0x1  }
0x4c: {  	s18 =	sadd.s32 $0x1, s18  }
0x4d: {  	p0 =	sne.s32 s18, $0x19;
	v0 =	vld.idx.msk [tilespmem:v0+s3+$0x0], $0xffff  }
.Ltmp3:
0x4e: {  	_ = 	snop;
	(pc) =	sbr.rel @p0 .LBB2_6-.Ltmp3, $2  }
0x4f: {  	_ =	sdelay $0x2  }
0x50: {  	[tilespmem:v1+s13+$0x0] =	vst.idx.add.f32.msk $0xffff, v0  }
0x51: {  	s16 =	sadd.s32 $0x1, s16  }
0x52: {  	p0 =	sne.s32 s16, s11  }
.Ltmp4:
0x53: {  	_ = 	snop;
	(pc) =	sbr.rel @p0 .LBB2_1-.Ltmp4, $4  }
0x54: {  	[hbm4b:s10+s3] =	stream.linear.scatter [tilespmem:s13], [sflag:$0x1], $0xC350, $0x38;
	[tilespmem:$0x19640] =	vst v63  }
0x55: {  	_ =	swait.ge [sflag:s12], $0xC350  }
0x56: {  	[sflag:s12] =	ssyncset.done $0x0  }
0x57: {  	[sflag:s12] =	ssyncadd.s32 $0xFFFF3CB0  }
0x58: {  	_ =	sfence.sel $0x180000  }
0x59: {  	[bflag:$0x0] =	sbarrier.arrive $0xFFFF  }
0x5a: {  	p0 =	sne.s32 s1, $0x0;
	_ =	strace $0x90000047  }
0x5b: {  	s0 =	sadd.s32 @!p0 $0x100000, s0;
	[bflag:$0x2] =	sbarrier.arrive $0xFFFF  }
0x5c: {  	[sflag:s0] =	ssyncadd.tile.s32 @!p0 $0x1;
	_ =	shalt  }
.Lfunc_end2:
_tile_overlayer_lowered:
.L_overlay_start_2:
0x5d: {  	(tag) =	ssettag $0x2  }
0x5e: {  	s0 =	rddreg [dreg:$0x0];
	s2 =	stileid.u32  }
0x5f: {  	s1 =	rddreg [dreg:$0x1];
	p0 =	sne.s32 s2, $0x0  }
0x60: {  	s3 =	rddreg [dreg:$0x2];
	[bflag:$0x3] =	sbarrier.arrive $0xFFFF;
	s2 =	simm.s32 @!p0 $0x1C01  }
0x61: {  	[timem:s3], [sflag:s2] =	dma.local @!p0 [hbm:s0], s1  }
0x62: {  	s0 =	simm.s32 @!p0 $0x1  }
0x63: {  	_ =	swait.ge @!p0 [sflag:s0], s1  }
0x64: {  	s1 =	ssub.s32 @!p0 $0x0, s1;
	[sflag:s0] =	ssyncset.done @!p0 $0x0  }
0x65: {  	[sflag:s0] =	ssyncadd.s32 @!p0 s1  }
0x66: {  	[bflag:$0x3] =	sbarrier.arrive $0xFFFF  }
0x67: {  	_ =	shalt  }

</sc_bundles>
